<compile_context>
chip_gen: v7x
topology: tpu7x:2x2x1
jax: 0.10.2.dev20260603
libtpu: 0.0.44.dev20260713+nightly
codegen_flags: <defaults>
</compile_context>

<pallas_src>
import functools

import jax
import jax.numpy as jnp
from jax import lax
from jax.experimental import pallas as pl
from jax.experimental.pallas import tpu as pltpu
from jax.experimental.pallas import tpu_sc as plsc

N_NODES = 10000
D_FEAT = 128
E_EDGES = 320000
N_TILES = 16
K_BATCH = 160
E_PAD_PER_TILE = K_BATCH * 128
E_PER_TILE = E_EDGES // N_TILES
N_PAD = 10112
ROWS_PER_TILE = N_PAD // N_TILES
DUMMY_DST = N_NODES


def _sc_segment_sum():
    mesh = plsc.VectorSubcoreMesh(core_axis_name="c", subcore_axis_name="s")

    @functools.partial(
        pl.kernel,
        out_type=[
            jax.ShapeDtypeStruct((2 * N_PAD, D_FEAT), jnp.float32),
            jax.ShapeDtypeStruct((2 * N_PAD,), jnp.float32),
        ],
        mesh=mesh,
        scratch_types=[
            pltpu.VMEM((K_BATCH // 4, 128), jnp.int32),
            pltpu.VMEM((K_BATCH // 4, 128), jnp.int32),
            pltpu.VMEM((128, D_FEAT), jnp.float32),
            pltpu.VMEM((128, D_FEAT), jnp.float32),
            pltpu.VMEM((128,), jnp.float32),
            pltpu.VMEM((640,), jnp.float32),
            pltpu.VMEM_SHARED((N_PAD, D_FEAT), jnp.float32),
            pltpu.VMEM_SHARED((N_PAD,), jnp.float32),
            pltpu.SemaphoreType.DMA,
            pltpu.SemaphoreType.DMA,
            pltpu.SemaphoreType.DMA,
            pltpu.SemaphoreType.DMA,
            pltpu.SemaphoreType.DMA,
        ],
    )
    def seg(x_hbm, src_hbm, dst_hbm, zrow_hbm, agg_hbm, deg_hbm,
            src_v, dst_v, rows0_v, rows1_v, ones_v, dstage_v, agg_s, deg_s,
            gsem0, gsem1, ssem0, ssem1, dsem):
        cid = lax.axis_index("c")
        sid = lax.axis_index("s")
        wid = cid * N_TILES + sid
        base = sid * ROWS_PER_TILE

        pltpu.sync_copy(zrow_hbm, agg_s.at[pl.ds(base, ROWS_PER_TILE), :])
        for i in range(8):
            ones_v[pl.ds(i * 16, 16)] = jnp.full((16,), 1.0, jnp.float32)
        for i in range(40):
            dstage_v[pl.ds(i * 16, 16)] = jnp.zeros((16,), jnp.float32)
        pltpu.sync_copy(dstage_v.at[pl.ds(0, ROWS_PER_TILE)],
                        deg_s.at[pl.ds(base, ROWS_PER_TILE)])
        plsc.subcore_barrier()

        bpp = K_BATCH // 4
        npair = bpp // 2

        def pair(i, carry):
            pltpu.async_copy(x_hbm.at[src_v.at[2 * i]], rows0_v, gsem0)
            pltpu.async_copy(x_hbm.at[src_v.at[2 * i + 1]], rows1_v, gsem1)
            return carry

        for p in range(4):
            pltpu.sync_copy(src_hbm.at[wid, pl.ds(p * bpp, bpp)], src_v)
            pltpu.sync_copy(dst_hbm.at[wid, pl.ds(p * bpp, bpp)], dst_v)
            lax.fori_loop(0, npair, pair, 0)
            for i in range(npair):
                pltpu.make_async_copy(x_hbm.at[src_v.at[0]], rows0_v, gsem0).wait()
                pltpu.make_async_copy(x_hbm.at[src_v.at[0]], rows1_v, gsem1).wait()
        plsc.subcore_barrier()

        out_base = cid * N_PAD + base
        pltpu.sync_copy(agg_s.at[pl.ds(base, ROWS_PER_TILE), :],
                        agg_hbm.at[pl.ds(out_base, ROWS_PER_TILE), :])
        pltpu.sync_copy(deg_s.at[pl.ds(base, ROWS_PER_TILE)],
                        dstage_v.at[pl.ds(0, ROWS_PER_TILE)])
        pltpu.sync_copy(dstage_v.at[pl.ds(0, ROWS_PER_TILE)],
                        deg_hbm.at[pl.ds(out_base, ROWS_PER_TILE)])

    return seg


_SC_SEG = _sc_segment_sum()


def _tc_body(agg_ref, deg_ref, x_ref, m_ref, w_ref, b_ref, o_ref):
    h = jnp.dot(agg_ref[...], w_ref[...], preferred_element_type=jnp.float32)
    h = h / jnp.maximum(deg_ref[...], 1.0) + b_ref[...]
    h = jnp.maximum(h, 0.0)
    o_ref[...] = jnp.where(m_ref[...] != 0.0, x_ref[...], h)


def _tc_finish(agg, deg, x, maskf, W, b):
    BN = 2000
    return pl.pallas_call(
        _tc_body,
        grid=(N_NODES // BN,),
        in_specs=[
            pl.BlockSpec((BN, D_FEAT), lambda i: (i, 0)),
            pl.BlockSpec((BN, 1), lambda i: (i, 0)),
            pl.BlockSpec((BN, D_FEAT), lambda i: (i, 0)),
            pl.BlockSpec((BN, 1), lambda i: (i, 0)),
            pl.BlockSpec((D_FEAT, D_FEAT), lambda i: (0, 0)),
            pl.BlockSpec((1, D_FEAT), lambda i: (0, 0)),
        ],
        out_specs=pl.BlockSpec((BN, D_FEAT), lambda i: (i, 0)),
        out_shape=jax.ShapeDtypeStruct((N_NODES, D_FEAT), jnp.float32),
    )(agg, deg, x, maskf, W, b)


def _shard_pad(idx, fill):
    a = idx.reshape(N_TILES, E_PER_TILE)
    pad = jnp.full((N_TILES, E_PAD_PER_TILE - E_PER_TILE), fill, jnp.int32)
    return jnp.concatenate([a, pad], axis=1)


def kernel(x_drug, x_target, edge_index_dd, edge_index_tt,
           W_drug, b_drug, W_target, b_target):
    f32 = jnp.float32
    x_flat = jnp.concatenate([x_drug, x_target], axis=0)

    src_all = jnp.stack([
        _shard_pad(edge_index_dd[0], 0),
        _shard_pad(edge_index_tt[0] + N_NODES, N_NODES),
    ]).reshape(2 * N_TILES, K_BATCH, 128)
    dst_all = jnp.stack([
        _shard_pad(edge_index_dd[1], DUMMY_DST),
        _shard_pad(edge_index_tt[1], DUMMY_DST),
    ]).reshape(2 * N_TILES, K_BATCH, 128)

    zrow = jnp.zeros((ROWS_PER_TILE, D_FEAT), f32)
    agg_out, deg_out = _SC_SEG(x_flat, src_all, dst_all, zrow)

    m_d = (jax.random.uniform(jax.random.key(42), (N_NODES,), dtype=f32)
           < 0.5).astype(f32).reshape(-1, 1)
    m_t = (jax.random.uniform(jax.random.key(43), (N_NODES,), dtype=f32)
           < 0.5).astype(f32).reshape(-1, 1)

    z_d = _tc_finish(agg_out[:N_NODES], deg_out[:N_NODES].reshape(-1, 1),
                     x_drug, m_d, W_drug, b_drug.reshape(1, D_FEAT))
    z_t = _tc_finish(agg_out[N_PAD:N_PAD + N_NODES],
                     deg_out[N_PAD:N_PAD + N_NODES].reshape(-1, 1),
                     x_target, m_t, W_target, b_target.reshape(1, D_FEAT))
    return (z_d, z_t)

# --- scband reference (transcript-rebuilt; emitter-appended) ---
"""Pipeline reference for scband-skip-node-30657476559619 (READ-ONLY COPY).

The authoritative reference and input builder live on the scoring server;
editing this copy changes nothing except your own understanding.
"""

import jax, jax.numpy as jnp
import numpy as np

N_DRUG = 10000
N_TARGET = 10000
E_DD = 320000
E_TT = 320000
D = 128
SKIP_RATE = 0.5
SKIP_TYPE = "uniform"  # or "degree"


def setup_inputs(seed: int = 0) -> dict:
    key = jax.random.key(seed)
    ks = jax.random.split(key, 8)
    x_drug = jax.random.normal(ks[0], (N_DRUG, D), dtype=jnp.float32)
    x_target = jax.random.normal(ks[1], (N_TARGET, D), dtype=jnp.float32)
    edge_index_dd = jax.random.randint(ks[2], (2, E_DD), 0, N_DRUG, dtype=jnp.int32)
    edge_index_tt = jax.random.randint(ks[3], (2, E_TT), 0, N_TARGET, dtype=jnp.int32)
    W_drug = jax.random.normal(ks[4], (D, D), dtype=jnp.float32) * (1.0 / np.sqrt(D))
    b_drug = jnp.zeros((D,), dtype=jnp.float32)
    W_target = jax.random.normal(ks[5], (D, D), dtype=jnp.float32) * (1.0 / np.sqrt(D))
    b_target = jnp.zeros((D,), dtype=jnp.float32)
    return {
        "x_drug": x_drug,
        "x_target": x_target,
        "edge_index_dd": edge_index_dd,
        "edge_index_tt": edge_index_tt,
        "W_drug": W_drug,
        "b_drug": b_drug,
        "W_target": W_target,
        "b_target": b_target,
    }


def _gcn_conv(x, edge_index, W, b, n_nodes):
    # mean-aggregation GraphConv + linear + relu (stand-in for conv_layer(g, x, global_bn))
    src = edge_index[0]
    dst = edge_index[1]
    msg = jnp.take(x, src, axis=0)
    agg = jax.ops.segment_sum(msg, dst, num_segments=n_nodes)
    deg = jax.ops.segment_sum(jnp.ones((src.shape[0],), x.dtype), dst, num_segments=n_nodes)
    h = agg / jnp.clip(deg, 1.0)[:, None]
    return jax.nn.relu(h @ W + b)


def _in_degrees(edge_index, n_nodes):
    dst = edge_index[1]
    return jax.ops.segment_sum(jnp.ones((dst.shape[0],), jnp.float32), dst, num_segments=n_nodes)


def _skip_node(x_old, x_new, skip_rate, skip_type, degree, key):
    n = x_old.shape[0]
    u = jax.random.uniform(key, (n,), dtype=jnp.float32)
    if skip_type == "degree":
        p = skip_rate * degree / jnp.maximum(jnp.max(degree), 1.0)
    else:  # uniform
        p = jnp.full((n,), skip_rate, dtype=jnp.float32)
    mask = u < p  # True -> node skips the update, keeps old features
    return jnp.where(mask[:, None], x_old, x_new)


def reference(x_drug, x_target, edge_index_dd, edge_index_tt, W_drug, b_drug, W_target, b_target):
    h_drug = _gcn_conv(x_drug, edge_index_dd, W_drug, b_drug, N_DRUG)
    h_target = _gcn_conv(x_target, edge_index_tt, W_target, b_target, N_TARGET)
    deg_dd = _in_degrees(edge_index_dd, N_DRUG)
    deg_tt = _in_degrees(edge_index_tt, N_TARGET)
    kd = jax.random.key(42)
    kt = jax.random.key(43)
    z_drug = _skip_node(x_drug, h_drug, SKIP_RATE, SKIP_TYPE, deg_dd, kd)
    z_target = _skip_node(x_target, h_target, SKIP_RATE, SKIP_TYPE, deg_tt, kt)
    return (z_drug, z_target)

if __name__ == "__main__":
    import jax
    _d = setup_inputs()
    print(jax.jit(kernel)(*tuple(_d.values())))

</pallas_src>

<mosaic_0001>
#map = affine_map<(d0, d1) -> (0, 0)>
#map1 = affine_map<(d0, d1) -> (0, 0, 0)>
#map2 = affine_map<(d0, d1) -> (0)>
module attributes {stable_mosaic.version = 14 : i64} {
  func.func @seg(%arg0: i32, %arg1: i32, %arg2: memref<20000x128xf32, #tpu.memory_space<hbm>>, %arg3: memref<32x160x128xi32, #tpu.memory_space<hbm>>, %arg4: memref<32x160x128xi32, #tpu.memory_space<hbm>>, %arg5: memref<632x128xf32, #tpu.memory_space<hbm>>, %arg6: memref<20224x128xf32, #tpu.memory_space<hbm>>, %arg7: memref<20224xf32, #tpu.memory_space<hbm>>, %arg8: memref<40x128xi32, #tpu.memory_space<vmem>>, %arg9: memref<40x128xi32, #tpu.memory_space<vmem>>, %arg10: memref<128x128xf32, #tpu.memory_space<vmem>>, %arg11: memref<128x128xf32, #tpu.memory_space<vmem>>, %arg12: memref<128xf32, #tpu.memory_space<vmem>>, %arg13: memref<640xf32, #tpu.memory_space<vmem>>, %arg14: memref<10112x128xf32, #tpu.memory_space<vmem_shared>>, %arg15: memref<10112xf32, #tpu.memory_space<vmem_shared>>, %arg16: memref<!tpu.dma_semaphore, #tpu.memory_space<semaphore_mem>>, %arg17: memref<!tpu.dma_semaphore, #tpu.memory_space<semaphore_mem>>, %arg18: memref<!tpu.dma_semaphore, #tpu.memory_space<semaphore_mem>>, %arg19: memref<!tpu.dma_semaphore, #tpu.memory_space<semaphore_mem>>, %arg20: memref<!tpu.dma_semaphore, #tpu.memory_space<semaphore_mem>>) attributes {dimension_semantics = [#tpu.dimension_semantics<core_parallel>, #tpu.dimension_semantics<subcore_parallel>], iteration_bounds = array<i64: 2, 16>, scalar_prefetch = 0 : i64, scratch_operands = 13 : i64, tpu.core_type = #tpu.core_type<sc_vector_subcore>, window_params = [{transform_indices = #map}, {transform_indices = #map1}, {transform_indices = #map1}, {transform_indices = #map}, {transform_indices = #map}, {transform_indices = #map2}]} {
    %mul3A = arith.constant 16 : i32
    %mul3A_0 = arith.muli %arg0, %mul3A : i32
    %add3A = arith.addi %mul3A_0, %arg1 : i32
    %mul3A_1 = arith.constant 632 : i32
    %mul3A_2 = arith.muli %arg1, %mul3A_1 : i32
    "tpu.region"() ({
      %run_scoped3A = tpu.sem_alloc : memref<!tpu.dma_semaphore, #tpu.memory_space<semaphore_mem>>
      %dma_start3A = arith.constant 0 : i32
      %dma_start3A_1435 = tpu.memref_slice %arg14[%mul3A_2, %dma_start3A] : memref<10112x128xf32, #tpu.memory_space<vmem_shared>> -> memref<632x128xf32, #tpu.memory_space<vmem_shared>>
      tpu.enqueue_dma source(%arg5 : memref<632x128xf32, #tpu.memory_space<hbm>>) target(%dma_start3A_1435 : memref<632x128xf32, #tpu.memory_space<vmem_shared>>) target_semaphore(%run_scoped3A : memref<!tpu.dma_semaphore, #tpu.memory_space<semaphore_mem>>)
      %dma_wait3A_1436 = arith.constant 0 : i32
      %dma_wait3A_1437 = tpu.memref_slice %arg14[%mul3A_2, %dma_wait3A_1436] : memref<10112x128xf32, #tpu.memory_space<vmem_shared>> -> memref<632x128xf32, #tpu.memory_space<vmem_shared>>
      tpu.wait_dma2 semaphore(%run_scoped3A : memref<!tpu.dma_semaphore, #tpu.memory_space<semaphore_mem>>) src(%arg5 : memref<632x128xf32, #tpu.memory_space<hbm>>) dst(%dma_wait3A_1437 : memref<632x128xf32, #tpu.memory_space<vmem_shared>>)
      tpu.yield
    }) : () -> ()
    %broadcast_in_dim3A = arith.constant 1.000000e+00 : f32
    %broadcast_in_dim3A_3 = vector.broadcast %broadcast_in_dim3A : f32 to vector<16xf32>
    %swap3A = arith.constant 0 : index
    %swap3A_4 = tpu.vector_load %arg12[%swap3A] {strides = array<i32>} : memref<128xf32, #tpu.memory_space<vmem>>, vector<16xf32>,
    %swap3A_5 = vector.shape_cast %swap3A_4 : vector<16xf32> to vector<16xf32>
    %swap3A_6 = vector.shape_cast %broadcast_in_dim3A_3 : vector<16xf32> to vector<16xf32>
    tpu.vector_store %arg12[%swap3A], %swap3A_6 {strides = array<i32>} : memref<128xf32, #tpu.memory_space<vmem>>, vector<16xf32>,
    %broadcast_in_dim3A_7 = arith.constant 1.000000e+00 : f32
    %broadcast_in_dim3A_8 = vector.broadcast %broadcast_in_dim3A_7 : f32 to vector<16xf32>
    %swap3A_9 = arith.constant 16 : index
    %swap3A_10 = tpu.vector_load %arg12[%swap3A_9] {strides = array<i32>} : memref<128xf32, #tpu.memory_space<vmem>>, vector<16xf32>,
    %swap3A_11 = vector.shape_cast %swap3A_10 : vector<16xf32> to vector<16xf32>
    %swap3A_12 = vector.shape_cast %broadcast_in_dim3A_8 : vector<16xf32> to vector<16xf32>
    tpu.vector_store %arg12[%swap3A_9], %swap3A_12 {strides = array<i32>} : memref<128xf32, #tpu.memory_space<vmem>>, vector<16xf32>,
    %broadcast_in_dim3A_13 = arith.constant 1.000000e+00 : f32
    %broadcast_in_dim3A_14 = vector.broadcast %broadcast_in_dim3A_13 : f32 to vector<16xf32>
    %swap3A_15 = arith.constant 32 : index
    %swap3A_16 = tpu.vector_load %arg12[%swap3A_15] {strides = array<i32>} : memref<128xf32, #tpu.memory_space<vmem>>, vector<16xf32>,
    %swap3A_17 = vector.shape_cast %swap3A_16 : vector<16xf32> to vector<16xf32>
    %swap3A_18 = vector.shape_cast %broadcast_in_dim3A_14 : vector<16xf32> to vector<16xf32>
    tpu.vector_store %arg12[%swap3A_15], %swap3A_18 {strides = array<i32>} : memref<128xf32, #tpu.memory_space<vmem>>, vector<16xf32>,
    %broadcast_in_dim3A_19 = arith.constant 1.000000e+00 : f32
    %broadcast_in_dim3A_20 = vector.broadcast %broadcast_in_dim3A_19 : f32 to vector<16xf32>
    %swap3A_21 = arith.constant 48 : index
    %swap3A_22 = tpu.vector_load %arg12[%swap3A_21] {strides = array<i32>} : memref<128xf32, #tpu.memory_space<vmem>>, vector<16xf32>,
    %swap3A_23 = vector.shape_cast %swap3A_22 : vector<16xf32> to vector<16xf32>
    %swap3A_24 = vector.shape_cast %broadcast_in_dim3A_20 : vector<16xf32> to vector<16xf32>
    tpu.vector_store %arg12[%swap3A_21], %swap3A_24 {strides = array<i32>} : memref<128xf32, #tpu.memory_space<vmem>>, vector<16xf32>,
    %broadcast_in_dim3A_25 = arith.constant 1.000000e+00 : f32
    %broadcast_in_dim3A_26 = vector.broadcast %broadcast_in_dim3A_25 : f32 to vector<16xf32>
    %swap3A_27 = arith.constant 64 : index
    %swap3A_28 = tpu.vector_load %arg12[%swap3A_27] {strides = array<i32>} : memref<128xf32, #tpu.memory_space<vmem>>, vector<16xf32>,
    %swap3A_29 = vector.shape_cast %swap3A_28 : vector<16xf32> to vector<16xf32>
    %swap3A_30 = vector.shape_cast %broadcast_in_dim3A_26 : vector<16xf32> to vector<16xf32>
    tpu.vector_store %arg12[%swap3A_27], %swap3A_30 {strides = array<i32>} : memref<128xf32, #tpu.memory_space<vmem>>, vector<16xf32>,
    %broadcast_in_dim3A_31 = arith.constant 1.000000e+00 : f32
    %broadcast_in_dim3A_32 = vector.broadcast %broadcast_in_dim3A_31 : f32 to vector<16xf32>
    %swap3A_33 = arith.constant 80 : index
    %swap3A_34 = tpu.vector_load %arg12[%swap3A_33] {strides = array<i32>} : memref<128xf32, #tpu.memory_space<vmem>>, vector<16xf32>,
    %swap3A_35 = vector.shape_cast %swap3A_34 : vector<16xf32> to vector<16xf32>
    %swap3A_36 = vector.shape_cast %broadcast_in_dim3A_32 : vector<16xf32> to vector<16xf32>
    tpu.vector_store %arg12[%swap3A_33], %swap3A_36 {strides = array<i32>} : memref<128xf32, #tpu.memory_space<vmem>>, vector<16xf32>,
    %broadcast_in_dim3A_37 = arith.constant 1.000000e+00 : f32
    %broadcast_in_dim3A_38 = vector.broadcast %broadcast_in_dim3A_37 : f32 to vector<16xf32>
    %swap3A_39 = arith.constant 96 : index
    %swap3A_40 = tpu.vector_load %arg12[%swap3A_39] {strides = array<i32>} : memref<128xf32, #tpu.memory_space<vmem>>, vector<16xf32>,
    %swap3A_41 = vector.shape_cast %swap3A_40 : vector<16xf32> to vector<16xf32>
    %swap3A_42 = vector.shape_cast %broadcast_in_dim3A_38 : vector<16xf32> to vector<16xf32>
    tpu.vector_store %arg12[%swap3A_39], %swap3A_42 {strides = array<i32>} : memref<128xf32, #tpu.memory_space<vmem>>, vector<16xf32>,
    %broadcast_in_dim3A_43 = arith.constant 1.000000e+00 : f32
    %broadcast_in_dim3A_44 = vector.broadcast %broadcast_in_dim3A_43 : f32 to vector<16xf32>
    %swap3A_45 = arith.constant 112 : index
    %swap3A_46 = tpu.vector_load %arg12[%swap3A_45] {strides = array<i32>} : memref<128xf32, #tpu.memory_space<vmem>>, vector<16xf32>,
    %swap3A_47 = vector.shape_cast %swap3A_46 : vector<16xf32> to vector<16xf32>
    %swap3A_48 = vector.shape_cast %broadcast_in_dim3A_44 : vector<16xf32> to vector<16xf32>
    tpu.vector_store %arg12[%swap3A_45], %swap3A_48 {strides = array<i32>} : memref<128xf32, #tpu.memory_space<vmem>>, vector<16xf32>,
    %broadcast_in_dim3A_49 = arith.constant 0.000000e+00 : f32
    %broadcast_in_dim3A_50 = vector.broadcast %broadcast_in_dim3A_49 : f32 to vector<16xf32>
    %swap3A_51 = arith.constant 0 : index
    %swap3A_52 = tpu.vector_load %arg13[%swap3A_51] {strides = array<i32>} : memref<640xf32, #tpu.memory_space<vmem>>, vector<16xf32>,
    %swap3A_53 = vector.shape_cast %swap3A_52 : vector<16xf32> to vector<16xf32>
    %swap3A_54 = vector.shape_cast %broadcast_in_dim3A_50 : vector<16xf32> to vector<16xf32>
    tpu.vector_store %arg13[%swap3A_51], %swap3A_54 {strides = array<i32>} : memref<640xf32, #tpu.memory_space<vmem>>, vector<16xf32>,
    %broadcast_in_dim3A_55 = arith.constant 0.000000e+00 : f32
    %broadcast_in_dim3A_56 = vector.broadcast %broadcast_in_dim3A_55 : f32 to vector<16xf32>
    %swap3A_57 = arith.constant 16 : index
    %swap3A_58 = tpu.vector_load %arg13[%swap3A_57] {strides = array<i32>} : memref<640xf32, #tpu.memory_space<vmem>>, vector<16xf32>,
    %swap3A_59 = vector.shape_cast %swap3A_58 : vector<16xf32> to vector<16xf32>
    %swap3A_60 = vector.shape_cast %broadcast_in_dim3A_56 : vector<16xf32> to vector<16xf32>
    tpu.vector_store %arg13[%swap3A_57], %swap3A_60 {strides = array<i32>} : memref<640xf32, #tpu.memory_space<vmem>>, vector<16xf32>,
    %broadcast_in_dim3A_61 = arith.constant 0.000000e+00 : f32
    %broadcast_in_dim3A_62 = vector.broadcast %broadcast_in_dim3A_61 : f32 to vector<16xf32>
    %swap3A_63 = arith.constant 32 : index
    %swap3A_64 = tpu.vector_load %arg13[%swap3A_63] {strides = array<i32>} : memref<640xf32, #tpu.memory_space<vmem>>, vector<16xf32>,
    %swap3A_65 = vector.shape_cast %swap3A_64 : vector<16xf32> to vector<16xf32>
    %swap3A_66 = vector.shape_cast %broadcast_in_dim3A_62 : vector<16xf32> to vector<16xf32>
    tpu.vector_store %arg13[%swap3A_63], %swap3A_66 {strides = array<i32>} : memref<640xf32, #tpu.memory_space<vmem>>, vector<16xf32>,
    %broadcast_in_dim3A_67 = arith.constant 0.000000e+00 : f32
    %broadcast_in_dim3A_68 = vector.broadcast %broadcast_in_dim3A_67 : f32 to vector<16xf32>
    %swap3A_69 = arith.constant 48 : index
    %swap3A_70 = tpu.vector_load %arg13[%swap3A_69] {strides = array<i32>} : memref<640xf32, #tpu.memory_space<vmem>>, vector<16xf32>,
    %swap3A_71 = vector.shape_cast %swap3A_70 : vector<16xf32> to vector<16xf32>
    %swap3A_72 = vector.shape_cast %broadcast_in_dim3A_68 : vector<16xf32> to vector<16xf32>
    tpu.vector_store %arg13[%swap3A_69], %swap3A_72 {strides = array<i32>} : memref<640xf32, #tpu.memory_space<vmem>>, vector<16xf32>,
    %broadcast_in_dim3A_73 = arith.constant 0.000000e+00 : f32
    %broadcast_in_dim3A_74 = vector.broadcast %broadcast_in_dim3A_73 : f32 to vector<16xf32>
    %swap3A_75 = arith.constant 64 : index
    %swap3A_76 = tpu.vector_load %arg13[%swap3A_75] {strides = array<i32>} : memref<640xf32, #tpu.memory_space<vmem>>, vector<16xf32>,
    %swap3A_77 = vector.shape_cast %swap3A_76 : vector<16xf32> to vector<16xf32>
    %swap3A_78 = vector.shape_cast %broadcast_in_dim3A_74 : vector<16xf32> to vector<16xf32>
    tpu.vector_store %arg13[%swap3A_75], %swap3A_78 {strides = array<i32>} : memref<640xf32, #tpu.memory_space<vmem>>, vector<16xf32>,
    %broadcast_in_dim3A_79 = arith.constant 0.000000e+00 : f32
    %broadcast_in_dim3A_80 = vector.broadcast %broadcast_in_dim3A_79 : f32 to vector<16xf32>
    %swap3A_81 = arith.constant 80 : index
    %swap3A_82 = tpu.vector_load %arg13[%swap3A_81] {strides = array<i32>} : memref<640xf32, #tpu.memory_space<vmem>>, vector<16xf32>,
    %swap3A_83 = vector.shape_cast %swap3A_82 : vector<16xf32> to vector<16xf32>
    %swap3A_84 = vector.shape_cast %broadcast_in_dim3A_80 : vector<16xf32> to vector<16xf32>
    tpu.vector_store %arg13[%swap3A_81], %swap3A_84 {strides = array<i32>} : memref<640xf32, #tpu.memory_space<vmem>>, vector<16xf32>,
    %broadcast_in_dim3A_85 = arith.constant 0.000000e+00 : f32
    %broadcast_in_dim3A_86 = vector.broadcast %broadcast_in_dim3A_85 : f32 to vector<16xf32>
    %swap3A_87 = arith.constant 96 : index
    %swap3A_88 = tpu.vector_load %arg13[%swap3A_87] {strides = array<i32>} : memref<640xf32, #tpu.memory_space<vmem>>, vector<16xf32>,
    %swap3A_89 = vector.shape_cast %swap3A_88 : vector<16xf32> to vector<16xf32>
    %swap3A_90 = vector.shape_cast %broadcast_in_dim3A_86 : vector<16xf32> to vector<16xf32>
    tpu.vector_store %arg13[%swap3A_87], %swap3A_90 {strides = array<i32>} : memref<640xf32, #tpu.memory_space<vmem>>, vector<16xf32>,
    %broadcast_in_dim3A_91 = arith.constant 0.000000e+00 : f32
    %broadcast_in_dim3A_92 = vector.broadcast %broadcast_in_dim3A_91 : f32 to vector<16xf32>
    %swap3A_93 = arith.constant 112 : index
    %swap3A_94 = tpu.vector_load %arg13[%swap3A_93] {strides = array<i32>} : memref<640xf32, #tpu.memory_space<vmem>>, vector<16xf32>,
    %swap3A_95 = vector.shape_cast %swap3A_94 : vector<16xf32> to vector<16xf32>
    %swap3A_96 = vector.shape_cast %broadcast_in_dim3A_92 : vector<16xf32> to vector<16xf32>
    tpu.vector_store %arg13[%swap3A_93], %swap3A_96 {strides = array<i32>} : memref<640xf32, #tpu.memory_space<vmem>>, vector<16xf32>,
    %broadcast_in_dim3A_97 = arith.constant 0.000000e+00 : f32
    %broadcast_in_dim3A_98 = vector.broadcast %broadcast_in_dim3A_97 : f32 to vector<16xf32>
    %swap3A_99 = arith.constant 128 : index
    %swap3A_100 = tpu.vector_load %arg13[%swap3A_99] {strides = array<i32>} : memref<640xf32, #tpu.memory_space<vmem>>, vector<16xf32>,
    %swap3A_101 = vector.shape_cast %swap3A_100 : vector<16xf32> to vector<16xf32>
    %swap3A_102 = vector.shape_cast %broadcast_in_dim3A_98 : vector<16xf32> to vector<16xf32>
    tpu.vector_store %arg13[%swap3A_99], %swap3A_102 {strides = array<i32>} : memref<640xf32, #tpu.memory_space<vmem>>, vector<16xf32>,
    %broadcast_in_dim3A_103 = arith.constant 0.000000e+00 : f32
    %broadcast_in_dim3A_104 = vector.broadcast %broadcast_in_dim3A_103 : f32 to vector<16xf32>
    %swap3A_105 = arith.constant 144 : index
    %swap3A_106 = tpu.vector_load %arg13[%swap3A_105] {strides = array<i32>} : memref<640xf32, #tpu.memory_space<vmem>>, vector<16xf32>,
    %swap3A_107 = vector.shape_cast %swap3A_106 : vector<16xf32> to vector<16xf32>
    %swap3A_108 = vector.shape_cast %broadcast_in_dim3A_104 : vector<16xf32> to vector<16xf32>
    tpu.vector_store %arg13[%swap3A_105], %swap3A_108 {strides = array<i32>} : memref<640xf32, #tpu.memory_space<vmem>>, vector<16xf32>,
    %broadcast_in_dim3A_109 = arith.constant 0.000000e+00 : f32
    %broadcast_in_dim3A_110 = vector.broadcast %broadcast_in_dim3A_109 : f32 to vector<16xf32>
    %swap3A_111 = arith.constant 160 : index
    %swap3A_112 = tpu.vector_load %arg13[%swap3A_111] {strides = array<i32>} : memref<640xf32, #tpu.memory_space<vmem>>, vector<16xf32>,
    %swap3A_113 = vector.shape_cast %swap3A_112 : vector<16xf32> to vector<16xf32>
    %swap3A_114 = vector.shape_cast %broadcast_in_dim3A_110 : vector<16xf32> to vector<16xf32>
    tpu.vector_store %arg13[%swap3A_111], %swap3A_114 {strides = array<i32>} : memref<640xf32, #tpu.memory_space<vmem>>, vector<16xf32>,
    %broadcast_in_dim3A_115 = arith.constant 0.000000e+00 : f32
    %broadcast_in_dim3A_116 = vector.broadcast %broadcast_in_dim3A_115 : f32 to vector<16xf32>
    %swap3A_117 = arith.constant 176 : index
    %swap3A_118 = tpu.vector_load %arg13[%swap3A_117] {strides = array<i32>} : memref<640xf32, #tpu.memory_space<vmem>>, vector<16xf32>,
    %swap3A_119 = vector.shape_cast %swap3A_118 : vector<16xf32> to vector<16xf32>
    %swap3A_120 = vector.shape_cast %broadcast_in_dim3A_116 : vector<16xf32> to vector<16xf32>
    tpu.vector_store %arg13[%swap3A_117], %swap3A_120 {strides = array<i32>} : memref<640xf32, #tpu.memory_space<vmem>>, vector<16xf32>,
    %broadcast_in_dim3A_121 = arith.constant 0.000000e+00 : f32
    %broadcast_in_dim3A_122 = vector.broadcast %broadcast_in_dim3A_121 : f32 to vector<16xf32>
    %swap3A_123 = arith.constant 192 : index
    %swap3A_124 = tpu.vector_load %arg13[%swap3A_123] {strides = array<i32>} : memref<640xf32, #tpu.memory_space<vmem>>, vector<16xf32>,
    %swap3A_125 = vector.shape_cast %swap3A_124 : vector<16xf32> to vector<16xf32>
    %swap3A_126 = vector.shape_cast %broadcast_in_dim3A_122 : vector<16xf32> to vector<16xf32>
    tpu.vector_store %arg13[%swap3A_123], %swap3A_126 {strides = array<i32>} : memref<640xf32, #tpu.memory_space<vmem>>, vector<16xf32>,
    %broadcast_in_dim3A_127 = arith.constant 0.000000e+00 : f32
    %broadcast_in_dim3A_128 = vector.broadcast %broadcast_in_dim3A_127 : f32 to vector<16xf32>
    %swap3A_129 = arith.constant 208 : index
    %swap3A_130 = tpu.vector_load %arg13[%swap3A_129] {strides = array<i32>} : memref<640xf32, #tpu.memory_space<vmem>>, vector<16xf32>,
    %swap3A_131 = vector.shape_cast %swap3A_130 : vector<16xf32> to vector<16xf32>
    %swap3A_132 = vector.shape_cast %broadcast_in_dim3A_128 : vector<16xf32> to vector<16xf32>
    tpu.vector_store %arg13[%swap3A_129], %swap3A_132 {strides = array<i32>} : memref<640xf32, #tpu.memory_space<vmem>>, vector<16xf32>,
    %broadcast_in_dim3A_133 = arith.constant 0.000000e+00 : f32
    %broadcast_in_dim3A_134 = vector.broadcast %broadcast_in_dim3A_133 : f32 to vector<16xf32>
    %swap3A_135 = arith.constant 224 : index
    %swap3A_136 = tpu.vector_load %arg13[%swap3A_135] {strides = array<i32>} : memref<640xf32, #tpu.memory_space<vmem>>, vector<16xf32>,
    %swap3A_137 = vector.shape_cast %swap3A_136 : vector<16xf32> to vector<16xf32>
    %swap3A_138 = vector.shape_cast %broadcast_in_dim3A_134 : vector<16xf32> to vector<16xf32>
    tpu.vector_store %arg13[%swap3A_135], %swap3A_138 {strides = array<i32>} : memref<640xf32, #tpu.memory_space<vmem>>, vector<16xf32>,
    %broadcast_in_dim3A_139 = arith.constant 0.000000e+00 : f32
    %broadcast_in_dim3A_140 = vector.broadcast %broadcast_in_dim3A_139 : f32 to vector<16xf32>
    %swap3A_141 = arith.constant 240 : index
    %swap3A_142 = tpu.vector_load %arg13[%swap3A_141] {strides = array<i32>} : memref<640xf32, #tpu.memory_space<vmem>>, vector<16xf32>,
    %swap3A_143 = vector.shape_cast %swap3A_142 : vector<16xf32> to vector<16xf32>
    %swap3A_144 = vector.shape_cast %broadcast_in_dim3A_140 : vector<16xf32> to vector<16xf32>
    tpu.vector_store %arg13[%swap3A_141], %swap3A_144 {strides = array<i32>} : memref<640xf32, #tpu.memory_space<vmem>>, vector<16xf32>,
    %broadcast_in_dim3A_145 = arith.constant 0.000000e+00 : f32
    %broadcast_in_dim3A_146 = vector.broadcast %broadcast_in_dim3A_145 : f32 to vector<16xf32>
    %swap3A_147 = arith.constant 256 : index
    %swap3A_148 = tpu.vector_load %arg13[%swap3A_147] {strides = array<i32>} : memref<640xf32, #tpu.memory_space<vmem>>, vector<16xf32>,
    %swap3A_149 = vector.shape_cast %swap3A_148 : vector<16xf32> to vector<16xf32>
    %swap3A_150 = vector.shape_cast %broadcast_in_dim3A_146 : vector<16xf32> to vector<16xf32>
    tpu.vector_store %arg13[%swap3A_147], %swap3A_150 {strides = array<i32>} : memref<640xf32, #tpu.memory_space<vmem>>, vector<16xf32>,
    %broadcast_in_dim3A_151 = arith.constant 0.000000e+00 : f32
    %broadcast_in_dim3A_152 = vector.broadcast %broadcast_in_dim3A_151 : f32 to vector<16xf32>
    %swap3A_153 = arith.constant 272 : index
    %swap3A_154 = tpu.vector_load %arg13[%swap3A_153] {strides = array<i32>} : memref<640xf32, #tpu.memory_space<vmem>>, vector<16xf32>,
    %swap3A_155 = vector.shape_cast %swap3A_154 : vector<16xf32> to vector<16xf32>
    %swap3A_156 = vector.shape_cast %broadcast_in_dim3A_152 : vector<16xf32> to vector<16xf32>
    tpu.vector_store %arg13[%swap3A_153], %swap3A_156 {strides = array<i32>} : memref<640xf32, #tpu.memory_space<vmem>>, vector<16xf32>,
    %broadcast_in_dim3A_157 = arith.constant 0.000000e+00 : f32
    %broadcast_in_dim3A_158 = vector.broadcast %broadcast_in_dim3A_157 : f32 to vector<16xf32>
    %swap3A_159 = arith.constant 288 : index
    %swap3A_160 = tpu.vector_load %arg13[%swap3A_159] {strides = array<i32>} : memref<640xf32, #tpu.memory_space<vmem>>, vector<16xf32>,
    %swap3A_161 = vector.shape_cast %swap3A_160 : vector<16xf32> to vector<16xf32>
    %swap3A_162 = vector.shape_cast %broadcast_in_dim3A_158 : vector<16xf32> to vector<16xf32>
    tpu.vector_store %arg13[%swap3A_159], %swap3A_162 {strides = array<i32>} : memref<640xf32, #tpu.memory_space<vmem>>, vector<16xf32>,
    %broadcast_in_dim3A_163 = arith.constant 0.000000e+00 : f32
    %broadcast_in_dim3A_164 = vector.broadcast %broadcast_in_dim3A_163 : f32 to vector<16xf32>
    %swap3A_165 = arith.constant 304 : index
    %swap3A_166 = tpu.vector_load %arg13[%swap3A_165] {strides = array<i32>} : memref<640xf32, #tpu.memory_space<vmem>>, vector<16xf32>,
    %swap3A_167 = vector.shape_cast %swap3A_166 : vector<16xf32> to vector<16xf32>
    %swap3A_168 = vector.shape_cast %broadcast_in_dim3A_164 : vector<16xf32> to vector<16xf32>
    tpu.vector_store %arg13[%swap3A_165], %swap3A_168 {strides = array<i32>} : memref<640xf32, #tpu.memory_space<vmem>>, vector<16xf32>,
    %broadcast_in_dim3A_169 = arith.constant 0.000000e+00 : f32
    %broadcast_in_dim3A_170 = vector.broadcast %broadcast_in_dim3A_169 : f32 to vector<16xf32>
    %swap3A_171 = arith.constant 320 : index
    %swap3A_172 = tpu.vector_load %arg13[%swap3A_171] {strides = array<i32>} : memref<640xf32, #tpu.memory_space<vmem>>, vector<16xf32>,
    %swap3A_173 = vector.shape_cast %swap3A_172 : vector<16xf32> to vector<16xf32>
    %swap3A_174 = vector.shape_cast %broadcast_in_dim3A_170 : vector<16xf32> to vector<16xf32>
    tpu.vector_store %arg13[%swap3A_171], %swap3A_174 {strides = array<i32>} : memref<640xf32, #tpu.memory_space<vmem>>, vector<16xf32>,
    %broadcast_in_dim3A_175 = arith.constant 0.000000e+00 : f32
    %broadcast_in_dim3A_176 = vector.broadcast %broadcast_in_dim3A_175 : f32 to vector<16xf32>
    %swap3A_177 = arith.constant 336 : index
    %swap3A_178 = tpu.vector_load %arg13[%swap3A_177] {strides = array<i32>} : memref<640xf32, #tpu.memory_space<vmem>>, vector<16xf32>,
    %swap3A_179 = vector.shape_cast %swap3A_178 : vector<16xf32> to vector<16xf32>
    %swap3A_180 = vector.shape_cast %broadcast_in_dim3A_176 : vector<16xf32> to vector<16xf32>
    tpu.vector_store %arg13[%swap3A_177], %swap3A_180 {strides = array<i32>} : memref<640xf32, #tpu.memory_space<vmem>>, vector<16xf32>,
    %broadcast_in_dim3A_181 = arith.constant 0.000000e+00 : f32
    %broadcast_in_dim3A_182 = vector.broadcast %broadcast_in_dim3A_181 : f32 to vector<16xf32>
    %swap3A_183 = arith.constant 352 : index
    %swap3A_184 = tpu.vector_load %arg13[%swap3A_183] {strides = array<i32>} : memref<640xf32, #tpu.memory_space<vmem>>, vector<16xf32>,
    %swap3A_185 = vector.shape_cast %swap3A_184 : vector<16xf32> to vector<16xf32>
    %swap3A_186 = vector.shape_cast %broadcast_in_dim3A_182 : vector<16xf32> to vector<16xf32>
    tpu.vector_store %arg13[%swap3A_183], %swap3A_186 {strides = array<i32>} : memref<640xf32, #tpu.memory_space<vmem>>, vector<16xf32>,
    %broadcast_in_dim3A_187 = arith.constant 0.000000e+00 : f32
    %broadcast_in_dim3A_188 = vector.broadcast %broadcast_in_dim3A_187 : f32 to vector<16xf32>
    %swap3A_189 = arith.constant 368 : index
    %swap3A_190 = tpu.vector_load %arg13[%swap3A_189] {strides = array<i32>} : memref<640xf32, #tpu.memory_space<vmem>>, vector<16xf32>,
    %swap3A_191 = vector.shape_cast %swap3A_190 : vector<16xf32> to vector<16xf32>
    %swap3A_192 = vector.shape_cast %broadcast_in_dim3A_188 : vector<16xf32> to vector<16xf32>
    tpu.vector_store %arg13[%swap3A_189], %swap3A_192 {strides = array<i32>} : memref<640xf32, #tpu.memory_space<vmem>>, vector<16xf32>,
    %broadcast_in_dim3A_193 = arith.constant 0.000000e+00 : f32
    %broadcast_in_dim3A_194 = vector.broadcast %broadcast_in_dim3A_193 : f32 to vector<16xf32>
    %swap3A_195 = arith.constant 384 : index
    %swap3A_196 = tpu.vector_load %arg13[%swap3A_195] {strides = array<i32>} : memref<640xf32, #tpu.memory_space<vmem>>, vector<16xf32>,
    %swap3A_197 = vector.shape_cast %swap3A_196 : vector<16xf32> to vector<16xf32>
    %swap3A_198 = vector.shape_cast %broadcast_in_dim3A_194 : vector<16xf32> to vector<16xf32>
    tpu.vector_store %arg13[%swap3A_195], %swap3A_198 {strides = array<i32>} : memref<640xf32, #tpu.memory_space<vmem>>, vector<16xf32>,
    %broadcast_in_dim3A_199 = arith.constant 0.000000e+00 : f32
    %broadcast_in_dim3A_200 = vector.broadcast %broadcast_in_dim3A_199 : f32 to vector<16xf32>
    %swap3A_201 = arith.constant 400 : index
    %swap3A_202 = tpu.vector_load %arg13[%swap3A_201] {strides = array<i32>} : memref<640xf32, #tpu.memory_space<vmem>>, vector<16xf32>,
    %swap3A_203 = vector.shape_cast %swap3A_202 : vector<16xf32> to vector<16xf32>
    %swap3A_204 = vector.shape_cast %broadcast_in_dim3A_200 : vector<16xf32> to vector<16xf32>
    tpu.vector_store %arg13[%swap3A_201], %swap3A_204 {strides = array<i32>} : memref<640xf32, #tpu.memory_space<vmem>>, vector<16xf32>,
    %broadcast_in_dim3A_205 = arith.constant 0.000000e+00 : f32
    %broadcast_in_dim3A_206 = vector.broadcast %broadcast_in_dim3A_205 : f32 to vector<16xf32>
    %swap3A_207 = arith.constant 416 : index
    %swap3A_208 = tpu.vector_load %arg13[%swap3A_207] {strides = array<i32>} : memref<640xf32, #tpu.memory_space<vmem>>, vector<16xf32>,
    %swap3A_209 = vector.shape_cast %swap3A_208 : vector<16xf32> to vector<16xf32>
    %swap3A_210 = vector.shape_cast %broadcast_in_dim3A_206 : vector<16xf32> to vector<16xf32>
    tpu.vector_store %arg13[%swap3A_207], %swap3A_210 {strides = array<i32>} : memref<640xf32, #tpu.memory_space<vmem>>, vector<16xf32>,
    %broadcast_in_dim3A_211 = arith.constant 0.000000e+00 : f32
    %broadcast_in_dim3A_212 = vector.broadcast %broadcast_in_dim3A_211 : f32 to vector<16xf32>
    %swap3A_213 = arith.constant 432 : index
    %swap3A_214 = tpu.vector_load %arg13[%swap3A_213] {strides = array<i32>} : memref<640xf32, #tpu.memory_space<vmem>>, vector<16xf32>,
    %swap3A_215 = vector.shape_cast %swap3A_214 : vector<16xf32> to vector<16xf32>
    %swap3A_216 = vector.shape_cast %broadcast_in_dim3A_212 : vector<16xf32> to vector<16xf32>
    tpu.vector_store %arg13[%swap3A_213], %swap3A_216 {strides = array<i32>} : memref<640xf32, #tpu.memory_space<vmem>>, vector<16xf32>,
    %broadcast_in_dim3A_217 = arith.constant 0.000000e+00 : f32
    %broadcast_in_dim3A_218 = vector.broadcast %broadcast_in_dim3A_217 : f32 to vector<16xf32>
    %swap3A_219 = arith.constant 448 : index
    %swap3A_220 = tpu.vector_load %arg13[%swap3A_219] {strides = array<i32>} : memref<640xf32, #tpu.memory_space<vmem>>, vector<16xf32>,
    %swap3A_221 = vector.shape_cast %swap3A_220 : vector<16xf32> to vector<16xf32>
    %swap3A_222 = vector.shape_cast %broadcast_in_dim3A_218 : vector<16xf32> to vector<16xf32>
    tpu.vector_store %arg13[%swap3A_219], %swap3A_222 {strides = array<i32>} : memref<640xf32, #tpu.memory_space<vmem>>, vector<16xf32>,
    %broadcast_in_dim3A_223 = arith.constant 0.000000e+00 : f32
    %broadcast_in_dim3A_224 = vector.broadcast %broadcast_in_dim3A_223 : f32 to vector<16xf32>
    %swap3A_225 = arith.constant 464 : index
    %swap3A_226 = tpu.vector_load %arg13[%swap3A_225] {strides = array<i32>} : memref<640xf32, #tpu.memory_space<vmem>>, vector<16xf32>,
    %swap3A_227 = vector.shape_cast %swap3A_226 : vector<16xf32> to vector<16xf32>
    %swap3A_228 = vector.shape_cast %broadcast_in_dim3A_224 : vector<16xf32> to vector<16xf32>
    tpu.vector_store %arg13[%swap3A_225], %swap3A_228 {strides = array<i32>} : memref<640xf32, #tpu.memory_space<vmem>>, vector<16xf32>,
    %broadcast_in_dim3A_229 = arith.constant 0.000000e+00 : f32
    %broadcast_in_dim3A_230 = vector.broadcast %broadcast_in_dim3A_229 : f32 to vector<16xf32>
    %swap3A_231 = arith.constant 480 : index
    %swap3A_232 = tpu.vector_load %arg13[%swap3A_231] {strides = array<i32>} : memref<640xf32, #tpu.memory_space<vmem>>, vector<16xf32>,
    %swap3A_233 = vector.shape_cast %swap3A_232 : vector<16xf32> to vector<16xf32>
    %swap3A_234 = vector.shape_cast %broadcast_in_dim3A_230 : vector<16xf32> to vector<16xf32>
    tpu.vector_store %arg13[%swap3A_231], %swap3A_234 {strides = array<i32>} : memref<640xf32, #tpu.memory_space<vmem>>, vector<16xf32>,
    %broadcast_in_dim3A_235 = arith.constant 0.000000e+00 : f32
    %broadcast_in_dim3A_236 = vector.broadcast %broadcast_in_dim3A_235 : f32 to vector<16xf32>
    %swap3A_237 = arith.constant 496 : index
    %swap3A_238 = tpu.vector_load %arg13[%swap3A_237] {strides = array<i32>} : memref<640xf32, #tpu.memory_space<vmem>>, vector<16xf32>,
    %swap3A_239 = vector.shape_cast %swap3A_238 : vector<16xf32> to vector<16xf32>
    %swap3A_240 = vector.shape_cast %broadcast_in_dim3A_236 : vector<16xf32> to vector<16xf32>
    tpu.vector_store %arg13[%swap3A_237], %swap3A_240 {strides = array<i32>} : memref<640xf32, #tpu.memory_space<vmem>>, vector<16xf32>,
    %broadcast_in_dim3A_241 = arith.constant 0.000000e+00 : f32
    %broadcast_in_dim3A_242 = vector.broadcast %broadcast_in_dim3A_241 : f32 to vector<16xf32>
    %swap3A_243 = arith.constant 512 : index
    %swap3A_244 = tpu.vector_load %arg13[%swap3A_243] {strides = array<i32>} : memref<640xf32, #tpu.memory_space<vmem>>, vector<16xf32>,
    %swap3A_245 = vector.shape_cast %swap3A_244 : vector<16xf32> to vector<16xf32>
    %swap3A_246 = vector.shape_cast %broadcast_in_dim3A_242 : vector<16xf32> to vector<16xf32>
    tpu.vector_store %arg13[%swap3A_243], %swap3A_246 {strides = array<i32>} : memref<640xf32, #tpu.memory_space<vmem>>, vector<16xf32>,
    %broadcast_in_dim3A_247 = arith.constant 0.000000e+00 : f32
    %broadcast_in_dim3A_248 = vector.broadcast %broadcast_in_dim3A_247 : f32 to vector<16xf32>
    %swap3A_249 = arith.constant 528 : index
    %swap3A_250 = tpu.vector_load %arg13[%swap3A_249] {strides = array<i32>} : memref<640xf32, #tpu.memory_space<vmem>>, vector<16xf32>,
    %swap3A_251 = vector.shape_cast %swap3A_250 : vector<16xf32> to vector<16xf32>
    %swap3A_252 = vector.shape_cast %broadcast_in_dim3A_248 : vector<16xf32> to vector<16xf32>
    tpu.vector_store %arg13[%swap3A_249], %swap3A_252 {strides = array<i32>} : memref<640xf32, #tpu.memory_space<vmem>>, vector<16xf32>,
    %broadcast_in_dim3A_253 = arith.constant 0.000000e+00 : f32
    %broadcast_in_dim3A_254 = vector.broadcast %broadcast_in_dim3A_253 : f32 to vector<16xf32>
    %swap3A_255 = arith.constant 544 : index
    %swap3A_256 = tpu.vector_load %arg13[%swap3A_255] {strides = array<i32>} : memref<640xf32, #tpu.memory_space<vmem>>, vector<16xf32>,
    %swap3A_257 = vector.shape_cast %swap3A_256 : vector<16xf32> to vector<16xf32>
    %swap3A_258 = vector.shape_cast %broadcast_in_dim3A_254 : vector<16xf32> to vector<16xf32>
    tpu.vector_store %arg13[%swap3A_255], %swap3A_258 {strides = array<i32>} : memref<640xf32, #tpu.memory_space<vmem>>, vector<16xf32>,
    %broadcast_in_dim3A_259 = arith.constant 0.000000e+00 : f32
    %broadcast_in_dim3A_260 = vector.broadcast %broadcast_in_dim3A_259 : f32 to vector<16xf32>
    %swap3A_261 = arith.constant 560 : index
    %swap3A_262 = tpu.vector_load %arg13[%swap3A_261] {strides = array<i32>} : memref<640xf32, #tpu.memory_space<vmem>>, vector<16xf32>,
    %swap3A_263 = vector.shape_cast %swap3A_262 : vector<16xf32> to vector<16xf32>
    %swap3A_264 = vector.shape_cast %broadcast_in_dim3A_260 : vector<16xf32> to vector<16xf32>
    tpu.vector_store %arg13[%swap3A_261], %swap3A_264 {strides = array<i32>} : memref<640xf32, #tpu.memory_space<vmem>>, vector<16xf32>,
    %broadcast_in_dim3A_265 = arith.constant 0.000000e+00 : f32
    %broadcast_in_dim3A_266 = vector.broadcast %broadcast_in_dim3A_265 : f32 to vector<16xf32>
    %swap3A_267 = arith.constant 576 : index
    %swap3A_268 = tpu.vector_load %arg13[%swap3A_267] {strides = array<i32>} : memref<640xf32, #tpu.memory_space<vmem>>, vector<16xf32>,
    %swap3A_269 = vector.shape_cast %swap3A_268 : vector<16xf32> to vector<16xf32>
    %swap3A_270 = vector.shape_cast %broadcast_in_dim3A_266 : vector<16xf32> to vector<16xf32>
    tpu.vector_store %arg13[%swap3A_267], %swap3A_270 {strides = array<i32>} : memref<640xf32, #tpu.memory_space<vmem>>, vector<16xf32>,
    %broadcast_in_dim3A_271 = arith.constant 0.000000e+00 : f32
    %broadcast_in_dim3A_272 = vector.broadcast %broadcast_in_dim3A_271 : f32 to vector<16xf32>
    %swap3A_273 = arith.constant 592 : index
    %swap3A_274 = tpu.vector_load %arg13[%swap3A_273] {strides = array<i32>} : memref<640xf32, #tpu.memory_space<vmem>>, vector<16xf32>,
    %swap3A_275 = vector.shape_cast %swap3A_274 : vector<16xf32> to vector<16xf32>
    %swap3A_276 = vector.shape_cast %broadcast_in_dim3A_272 : vector<16xf32> to vector<16xf32>
    tpu.vector_store %arg13[%swap3A_273], %swap3A_276 {strides = array<i32>} : memref<640xf32, #tpu.memory_space<vmem>>, vector<16xf32>,
    %broadcast_in_dim3A_277 = arith.constant 0.000000e+00 : f32
    %broadcast_in_dim3A_278 = vector.broadcast %broadcast_in_dim3A_277 : f32 to vector<16xf32>
    %swap3A_279 = arith.constant 608 : index
    %swap3A_280 = tpu.vector_load %arg13[%swap3A_279] {strides = array<i32>} : memref<640xf32, #tpu.memory_space<vmem>>, vector<16xf32>,
    %swap3A_281 = vector.shape_cast %swap3A_280 : vector<16xf32> to vector<16xf32>
    %swap3A_282 = vector.shape_cast %broadcast_in_dim3A_278 : vector<16xf32> to vector<16xf32>
    tpu.vector_store %arg13[%swap3A_279], %swap3A_282 {strides = array<i32>} : memref<640xf32, #tpu.memory_space<vmem>>, vector<16xf32>,
    %broadcast_in_dim3A_283 = arith.constant 0.000000e+00 : f32
    %broadcast_in_dim3A_284 = vector.broadcast %broadcast_in_dim3A_283 : f32 to vector<16xf32>
    %swap3A_285 = arith.constant 624 : index
    %swap3A_286 = tpu.vector_load %arg13[%swap3A_285] {strides = array<i32>} : memref<640xf32, #tpu.memory_space<vmem>>, vector<16xf32>,
    %swap3A_287 = vector.shape_cast %swap3A_286 : vector<16xf32> to vector<16xf32>
    %swap3A_288 = vector.shape_cast %broadcast_in_dim3A_284 : vector<16xf32> to vector<16xf32>
    tpu.vector_store %arg13[%swap3A_285], %swap3A_288 {strides = array<i32>} : memref<640xf32, #tpu.memory_space<vmem>>, vector<16xf32>,
    "tpu.region"() ({
      %run_scoped3A = tpu.sem_alloc : memref<!tpu.dma_semaphore, #tpu.memory_space<semaphore_mem>>
      %dma_start3A = arith.constant 0 : i32
      %dma_start3A_1435 = tpu.memref_slice %arg13[%dma_start3A] : memref<640xf32, #tpu.memory_space<vmem>> -> memref<632xf32, #tpu.memory_space<vmem>>
      %dma_start3A_1436 = tpu.memref_slice %arg15[%mul3A_2] : memref<10112xf32, #tpu.memory_space<vmem_shared>> -> memref<632xf32, #tpu.memory_space<vmem_shared>>
      %dma_start3A_1437 = tpu.memref_slice %arg15[%mul3A_2] : memref<10112xf32, #tpu.memory_space<vmem_shared>> -> memref<632xf32, #tpu.memory_space<vmem_shared>>
      %dma_start3A_1438 = arith.constant 0 : i32
      %dma_start3A_1439 = tpu.memref_slice %arg13[%dma_start3A_1438] : memref<640xf32, #tpu.memory_space<vmem>> -> memref<632xf32, #tpu.memory_space<vmem>>
      tpu.enqueue_dma source(%dma_start3A_1439 : memref<632xf32, #tpu.memory_space<vmem>>) target(%dma_start3A_1437 : memref<632xf32, #tpu.memory_space<vmem_shared>>) target_semaphore(%run_scoped3A : memref<!tpu.dma_semaphore, #tpu.memory_space<semaphore_mem>>)
      %dma_wait3A_1440 = arith.constant 0 : i32
      %dma_wait3A_1441 = tpu.memref_slice %arg13[%dma_wait3A_1440] : memref<640xf32, #tpu.memory_space<vmem>> -> memref<632xf32, #tpu.memory_space<vmem>>
      %dma_wait3A_1442 = tpu.memref_slice %arg15[%mul3A_2] : memref<10112xf32, #tpu.memory_space<vmem_shared>> -> memref<632xf32, #tpu.memory_space<vmem_shared>>
      %dma_wait3A_1443 = tpu.memref_slice %arg15[%mul3A_2] : memref<10112xf32, #tpu.memory_space<vmem_shared>> -> memref<632xf32, #tpu.memory_space<vmem_shared>>
      %dma_wait3A_1444 = arith.constant 0 : i32
      %dma_wait3A_1445 = tpu.memref_slice %arg13[%dma_wait3A_1444] : memref<640xf32, #tpu.memory_space<vmem>> -> memref<632xf32, #tpu.memory_space<vmem>>
      tpu.wait_dma2 semaphore(%run_scoped3A : memref<!tpu.dma_semaphore, #tpu.memory_space<semaphore_mem>>) src(%dma_wait3A_1445 : memref<632xf32, #tpu.memory_space<vmem>>) dst(%dma_wait3A_1443 : memref<632xf32, #tpu.memory_space<vmem_shared>>)
      tpu.yield
    }) : () -> ()
    %barrier3A = arith.constant 0 : index
    tpu.barrier barrier_id(%barrier3A)
    "tpu.region"() ({
      %run_scoped3A = tpu.sem_alloc : memref<!tpu.dma_semaphore, #tpu.memory_space<semaphore_mem>>
      %dma_start3A = arith.constant 0 : i32
      %dma_start3A_1435 = arith.constant 0 : i32
      %dma_start3A_1436 = tpu.memref_slice %arg3[%add3A, %dma_start3A, %dma_start3A_1435] : memref<32x160x128xi32, #tpu.memory_space<hbm>> -> memref<1x40x128xi32, #tpu.memory_space<hbm>>
      %dma_start3A_1437 = tpu.memref_squeeze %dma_start3A_1436 : memref<1x40x128xi32, #tpu.memory_space<hbm>> -> memref<40x128xi32, #tpu.memory_space<hbm>>
      %dma_start3A_1438 = arith.constant 0 : i32
      %dma_start3A_1439 = arith.constant 0 : i32
      %dma_start3A_1440 = tpu.memref_slice %arg3[%add3A, %dma_start3A_1438, %dma_start3A_1439] : memref<32x160x128xi32, #tpu.memory_space<hbm>> -> memref<1x40x128xi32, #tpu.memory_space<hbm>>
      %dma_start3A_1441 = tpu.memref_squeeze %dma_start3A_1440 : memref<1x40x128xi32, #tpu.memory_space<hbm>> -> memref<40x128xi32, #tpu.memory_space<hbm>>
      tpu.enqueue_dma source(%dma_start3A_1441 : memref<40x128xi32, #tpu.memory_space<hbm>>) target(%arg8 : memref<40x128xi32, #tpu.memory_space<vmem>>) target_semaphore(%run_scoped3A : memref<!tpu.dma_semaphore, #tpu.memory_space<semaphore_mem>>)
      %dma_wait3A_1442 = arith.constant 0 : i32
      %dma_wait3A_1443 = arith.constant 0 : i32
      %dma_wait3A_1444 = tpu.memref_slice %arg3[%add3A, %dma_wait3A_1442, %dma_wait3A_1443] : memref<32x160x128xi32, #tpu.memory_space<hbm>> -> memref<1x40x128xi32, #tpu.memory_space<hbm>>
      %dma_wait3A_1445 = tpu.memref_squeeze %dma_wait3A_1444 : memref<1x40x128xi32, #tpu.memory_space<hbm>> -> memref<40x128xi32, #tpu.memory_space<hbm>>
      %dma_wait3A_1446 = arith.constant 0 : i32
      %dma_wait3A_1447 = arith.constant 0 : i32
      %dma_wait3A_1448 = tpu.memref_slice %arg3[%add3A, %dma_wait3A_1446, %dma_wait3A_1447] : memref<32x160x128xi32, #tpu.memory_space<hbm>> -> memref<1x40x128xi32, #tpu.memory_space<hbm>>
      %dma_wait3A_1449 = tpu.memref_squeeze %dma_wait3A_1448 : memref<1x40x128xi32, #tpu.memory_space<hbm>> -> memref<40x128xi32, #tpu.memory_space<hbm>>
      tpu.wait_dma2 semaphore(%run_scoped3A : memref<!tpu.dma_semaphore, #tpu.memory_space<semaphore_mem>>) src(%dma_wait3A_1449 : memref<40x128xi32, #tpu.memory_space<hbm>>) dst(%arg8 : memref<40x128xi32, #tpu.memory_space<vmem>>)
      tpu.yield
    }) : () -> ()
    "tpu.region"() ({
      %run_scoped3A = tpu.sem_alloc : memref<!tpu.dma_semaphore, #tpu.memory_space<semaphore_mem>>
      %dma_start3A = arith.constant 0 : i32
      %dma_start3A_1435 = arith.constant 0 : i32
      %dma_start3A_1436 = tpu.memref_slice %arg4[%add3A, %dma_start3A, %dma_start3A_1435] : memref<32x160x128xi32, #tpu.memory_space<hbm>> -> memref<1x40x128xi32, #tpu.memory_space<hbm>>
      %dma_start3A_1437 = tpu.memref_squeeze %dma_start3A_1436 : memref<1x40x128xi32, #tpu.memory_space<hbm>> -> memref<40x128xi32, #tpu.memory_space<hbm>>
      %dma_start3A_1438 = arith.constant 0 : i32
      %dma_start3A_1439 = arith.constant 0 : i32
      %dma_start3A_1440 = tpu.memref_slice %arg4[%add3A, %dma_start3A_1438, %dma_start3A_1439] : memref<32x160x128xi32, #tpu.memory_space<hbm>> -> memref<1x40x128xi32, #tpu.memory_space<hbm>>
      %dma_start3A_1441 = tpu.memref_squeeze %dma_start3A_1440 : memref<1x40x128xi32, #tpu.memory_space<hbm>> -> memref<40x128xi32, #tpu.memory_space<hbm>>
      tpu.enqueue_dma source(%dma_start3A_1441 : memref<40x128xi32, #tpu.memory_space<hbm>>) target(%arg9 : memref<40x128xi32, #tpu.memory_space<vmem>>) target_semaphore(%run_scoped3A : memref<!tpu.dma_semaphore, #tpu.memory_space<semaphore_mem>>)
      %dma_wait3A_1442 = arith.constant 0 : i32
      %dma_wait3A_1443 = arith.constant 0 : i32
      %dma_wait3A_1444 = tpu.memref_slice %arg4[%add3A, %dma_wait3A_1442, %dma_wait3A_1443] : memref<32x160x128xi32, #tpu.memory_space<hbm>> -> memref<1x40x128xi32, #tpu.memory_space<hbm>>
      %dma_wait3A_1445 = tpu.memref_squeeze %dma_wait3A_1444 : memref<1x40x128xi32, #tpu.memory_space<hbm>> -> memref<40x128xi32, #tpu.memory_space<hbm>>
      %dma_wait3A_1446 = arith.constant 0 : i32
      %dma_wait3A_1447 = arith.constant 0 : i32
      %dma_wait3A_1448 = tpu.memref_slice %arg4[%add3A, %dma_wait3A_1446, %dma_wait3A_1447] : memref<32x160x128xi32, #tpu.memory_space<hbm>> -> memref<1x40x128xi32, #tpu.memory_space<hbm>>
      %dma_wait3A_1449 = tpu.memref_squeeze %dma_wait3A_1448 : memref<1x40x128xi32, #tpu.memory_space<hbm>> -> memref<40x128xi32, #tpu.memory_space<hbm>>
      tpu.wait_dma2 semaphore(%run_scoped3A : memref<!tpu.dma_semaphore, #tpu.memory_space<semaphore_mem>>) src(%dma_wait3A_1449 : memref<40x128xi32, #tpu.memory_space<hbm>>) dst(%arg9 : memref<40x128xi32, #tpu.memory_space<vmem>>)
      tpu.yield
    }) : () -> ()
    %scan3A = arith.constant 0 : i32
    %scan3A_289 = arith.constant 0 : i32
    %scan3A_290 = arith.constant 20 : i32
    %scan3A_291 = arith.addi %scan3A_289, %scan3A_290 : i32
    %scan3A_292 = arith.constant 1 : i32
    scf.for %scan3A_1435 = %scan3A_289 to %scan3A_291 step %scan3A_292  : i32 {
      %mul3A_1436 = arith.constant 2 : i32
      %mul3A_1437 = arith.muli %mul3A_1436, %scan3A_1435 : i32
      %dma_start3A = arith.constant 0 : i32
      %dma_start3A_1438 = tpu.memref_slice %arg8[%mul3A_1437, %dma_start3A] : memref<40x128xi32, #tpu.memory_space<vmem>> -> memref<1x128xi32, #tpu.memory_space<vmem>>
      %dma_start3A_1439 = tpu.memref_squeeze %dma_start3A_1438 : memref<1x128xi32, #tpu.memory_space<vmem>> -> memref<128xi32, #tpu.memory_space<vmem>>
      %dma_start3A_1440 = arith.constant 0 : i32
      %dma_start3A_1441 = arith.constant 0 : i32
      %dma_start3A_1442 = tpu.memref_slice %arg2[%dma_start3A_1440, %dma_start3A_1441] : memref<20000x128xf32, #tpu.memory_space<hbm>> -> memref<20000x128xf32, #tpu.memory_space<hbm>>
      tpu.enqueue_indirect_dma source(%dma_start3A_1442 : memref<20000x128xf32, #tpu.memory_space<hbm>>) target(%arg10 : memref<128x128xf32, #tpu.memory_space<vmem>>) offsets(%dma_start3A_1439 : memref<128xi32, #tpu.memory_space<vmem>>) semaphore(%arg16 : memref<!tpu.dma_semaphore, #tpu.memory_space<semaphore_mem>>)
      %mul3A_1443 = arith.constant 2 : i32
      %mul3A_1444 = arith.muli %mul3A_1443, %scan3A_1435 : i32
      %add3A_1445 = arith.constant 1 : i32
      %add3A_1446 = arith.addi %mul3A_1444, %add3A_1445 : i32
      %dma_start3A_1447 = arith.constant 0 : i32
      %dma_start3A_1448 = tpu.memref_slice %arg8[%add3A_1446, %dma_start3A_1447] : memref<40x128xi32, #tpu.memory_space<vmem>> -> memref<1x128xi32, #tpu.memory_space<vmem>>
      %dma_start3A_1449 = tpu.memref_squeeze %dma_start3A_1448 : memref<1x128xi32, #tpu.memory_space<vmem>> -> memref<128xi32, #tpu.memory_space<vmem>>
      %dma_start3A_1450 = arith.constant 0 : i32
      %dma_start3A_1451 = arith.constant 0 : i32
      %dma_start3A_1452 = tpu.memref_slice %arg2[%dma_start3A_1450, %dma_start3A_1451] : memref<20000x128xf32, #tpu.memory_space<hbm>> -> memref<20000x128xf32, #tpu.memory_space<hbm>>
      tpu.enqueue_indirect_dma source(%dma_start3A_1452 : memref<20000x128xf32, #tpu.memory_space<hbm>>) target(%arg11 : memref<128x128xf32, #tpu.memory_space<vmem>>) offsets(%dma_start3A_1449 : memref<128xi32, #tpu.memory_space<vmem>>) semaphore(%arg17 : memref<!tpu.dma_semaphore, #tpu.memory_space<semaphore_mem>>)
    }
    %scan3A_293 = arith.constant 20 : i32
    %dma_wait3A = arith.constant 0 : i32
    %dma_wait3A_294 = arith.constant 0 : i32
    %dma_wait3A_295 = tpu.memref_slice %arg8[%dma_wait3A, %dma_wait3A_294] : memref<40x128xi32, #tpu.memory_space<vmem>> -> memref<1x128xi32, #tpu.memory_space<vmem>>
    %dma_wait3A_296 = tpu.memref_squeeze %dma_wait3A_295 : memref<1x128xi32, #tpu.memory_space<vmem>> -> memref<128xi32, #tpu.memory_space<vmem>>
    %dma_wait3A_297 = arith.constant 0 : i32
    %dma_wait3A_298 = arith.constant 0 : i32
    %dma_wait3A_299 = tpu.memref_slice %arg2[%dma_wait3A_297, %dma_wait3A_298] : memref<20000x128xf32, #tpu.memory_space<hbm>> -> memref<20000x128xf32, #tpu.memory_space<hbm>>
    tpu.wait_indirect_dma semaphore(%arg16 : memref<!tpu.dma_semaphore, #tpu.memory_space<semaphore_mem>>) src(%dma_wait3A_299 : memref<20000x128xf32, #tpu.memory_space<hbm>>) dst(%arg10 : memref<128x128xf32, #tpu.memory_space<vmem>>)
    %dma_wait3A_300 = arith.constant 0 : i32
    %dma_wait3A_301 = arith.constant 0 : i32
    %dma_wait3A_302 = tpu.memref_slice %arg8[%dma_wait3A_300, %dma_wait3A_301] : memref<40x128xi32, #tpu.memory_space<vmem>> -> memref<1x128xi32, #tpu.memory_space<vmem>>
    %dma_wait3A_303 = tpu.memref_squeeze %dma_wait3A_302 : memref<1x128xi32, #tpu.memory_space<vmem>> -> memref<128xi32, #tpu.memory_space<vmem>>
    %dma_wait3A_304 = arith.constant 0 : i32
    %dma_wait3A_305 = arith.constant 0 : i32
    %dma_wait3A_306 = tpu.memref_slice %arg2[%dma_wait3A_304, %dma_wait3A_305] : memref<20000x128xf32, #tpu.memory_space<hbm>> -> memref<20000x128xf32, #tpu.memory_space<hbm>>
    tpu.wait_indirect_dma semaphore(%arg17 : memref<!tpu.dma_semaphore, #tpu.memory_space<semaphore_mem>>) src(%dma_wait3A_306 : memref<20000x128xf32, #tpu.memory_space<hbm>>) dst(%arg11 : memref<128x128xf32, #tpu.memory_space<vmem>>)
    %dma_wait3A_307 = arith.constant 0 : i32
    %dma_wait3A_308 = arith.constant 0 : i32
    %dma_wait3A_309 = tpu.memref_slice %arg8[%dma_wait3A_307, %dma_wait3A_308] : memref<40x128xi32, #tpu.memory_space<vmem>> -> memref<1x128xi32, #tpu.memory_space<vmem>>
    %dma_wait3A_310 = tpu.memref_squeeze %dma_wait3A_309 : memref<1x128xi32, #tpu.memory_space<vmem>> -> memref<128xi32, #tpu.memory_space<vmem>>
    %dma_wait3A_311 = arith.constant 0 : i32
    %dma_wait3A_312 = arith.constant 0 : i32
    %dma_wait3A_313 = tpu.memref_slice %arg2[%dma_wait3A_311, %dma_wait3A_312] : memref<20000x128xf32, #tpu.memory_space<hbm>> -> memref<20000x128xf32, #tpu.memory_space<hbm>>
    tpu.wait_indirect_dma semaphore(%arg16 : memref<!tpu.dma_semaphore, #tpu.memory_space<semaphore_mem>>) src(%dma_wait3A_313 : memref<20000x128xf32, #tpu.memory_space<hbm>>) dst(%arg10 : memref<128x128xf32, #tpu.memory_space<vmem>>)
    %dma_wait3A_314 = arith.constant 0 : i32
    %dma_wait3A_315 = arith.constant 0 : i32
    %dma_wait3A_316 = tpu.memref_slice %arg8[%dma_wait3A_314, %dma_wait3A_315] : memref<40x128xi32, #tpu.memory_space<vmem>> -> memref<1x128xi32, #tpu.memory_space<vmem>>
    %dma_wait3A_317 = tpu.memref_squeeze %dma_wait3A_316 : memref<1x128xi32, #tpu.memory_space<vmem>> -> memref<128xi32, #tpu.memory_space<vmem>>
    %dma_wait3A_318 = arith.constant 0 : i32
    %dma_wait3A_319 = arith.constant 0 : i32
    %dma_wait3A_320 = tpu.memref_slice %arg2[%dma_wait3A_318, %dma_wait3A_319] : memref<20000x128xf32, #tpu.memory_space<hbm>> -> memref<20000x128xf32, #tpu.memory_space<hbm>>
    tpu.wait_indirect_dma semaphore(%arg17 : memref<!tpu.dma_semaphore, #tpu.memory_space<semaphore_mem>>) src(%dma_wait3A_320 : memref<20000x128xf32, #tpu.memory_space<hbm>>) dst(%arg11 : memref<128x128xf32, #tpu.memory_space<vmem>>)
    %dma_wait3A_321 = arith.constant 0 : i32
    %dma_wait3A_322 = arith.constant 0 : i32
    %dma_wait3A_323 = tpu.memref_slice %arg8[%dma_wait3A_321, %dma_wait3A_322] : memref<40x128xi32, #tpu.memory_space<vmem>> -> memref<1x128xi32, #tpu.memory_space<vmem>>
    %dma_wait3A_324 = tpu.memref_squeeze %dma_wait3A_323 : memref<1x128xi32, #tpu.memory_space<vmem>> -> memref<128xi32, #tpu.memory_space<vmem>>
    %dma_wait3A_325 = arith.constant 0 : i32
    %dma_wait3A_326 = arith.constant 0 : i32
    %dma_wait3A_327 = tpu.memref_slice %arg2[%dma_wait3A_325, %dma_wait3A_326] : memref<20000x128xf32, #tpu.memory_space<hbm>> -> memref<20000x128xf32, #tpu.memory_space<hbm>>
    tpu.wait_indirect_dma semaphore(%arg16 : memref<!tpu.dma_semaphore, #tpu.memory_space<semaphore_mem>>) src(%dma_wait3A_327 : memref<20000x128xf32, #tpu.memory_space<hbm>>) dst(%arg10 : memref<128x128xf32, #tpu.memory_space<vmem>>)
    %dma_wait3A_328 = arith.constant 0 : i32
    %dma_wait3A_329 = arith.constant 0 : i32
    %dma_wait3A_330 = tpu.memref_slice %arg8[%dma_wait3A_328, %dma_wait3A_329] : memref<40x128xi32, #tpu.memory_space<vmem>> -> memref<1x128xi32, #tpu.memory_space<vmem>>
    %dma_wait3A_331 = tpu.memref_squeeze %dma_wait3A_330 : memref<1x128xi32, #tpu.memory_space<vmem>> -> memref<128xi32, #tpu.memory_space<vmem>>
    %dma_wait3A_332 = arith.constant 0 : i32
    %dma_wait3A_333 = arith.constant 0 : i32
    %dma_wait3A_334 = tpu.memref_slice %arg2[%dma_wait3A_332, %dma_wait3A_333] : memref<20000x128xf32, #tpu.memory_space<hbm>> -> memref<20000x128xf32, #tpu.memory_space<hbm>>
    tpu.wait_indirect_dma semaphore(%arg17 : memref<!tpu.dma_semaphore, #tpu.memory_space<semaphore_mem>>) src(%dma_wait3A_334 : memref<20000x128xf32, #tpu.memory_space<hbm>>) dst(%arg11 : memref<128x128xf32, #tpu.memory_space<vmem>>)
    %dma_wait3A_335 = arith.constant 0 : i32
    %dma_wait3A_336 = arith.constant 0 : i32
    %dma_wait3A_337 = tpu.memref_slice %arg8[%dma_wait3A_335, %dma_wait3A_336] : memref<40x128xi32, #tpu.memory_space<vmem>> -> memref<1x128xi32, #tpu.memory_space<vmem>>
    %dma_wait3A_338 = tpu.memref_squeeze %dma_wait3A_337 : memref<1x128xi32, #tpu.memory_space<vmem>> -> memref<128xi32, #tpu.memory_space<vmem>>
    %dma_wait3A_339 = arith.constant 0 : i32
    %dma_wait3A_340 = arith.constant 0 : i32
    %dma_wait3A_341 = tpu.memref_slice %arg2[%dma_wait3A_339, %dma_wait3A_340] : memref<20000x128xf32, #tpu.memory_space<hbm>> -> memref<20000x128xf32, #tpu.memory_space<hbm>>
    tpu.wait_indirect_dma semaphore(%arg16 : memref<!tpu.dma_semaphore, #tpu.memory_space<semaphore_mem>>) src(%dma_wait3A_341 : memref<20000x128xf32, #tpu.memory_space<hbm>>) dst(%arg10 : memref<128x128xf32, #tpu.memory_space<vmem>>)
    %dma_wait3A_342 = arith.constant 0 : i32
    %dma_wait3A_343 = arith.constant 0 : i32
    %dma_wait3A_344 = tpu.memref_slice %arg8[%dma_wait3A_342, %dma_wait3A_343] : memref<40x128xi32, #tpu.memory_space<vmem>> -> memref<1x128xi32, #tpu.memory_space<vmem>>
    %dma_wait3A_345 = tpu.memref_squeeze %dma_wait3A_344 : memref<1x128xi32, #tpu.memory_space<vmem>> -> memref<128xi32, #tpu.memory_space<vmem>>
    %dma_wait3A_346 = arith.constant 0 : i32
    %dma_wait3A_347 = arith.constant 0 : i32
    %dma_wait3A_348 = tpu.memref_slice %arg2[%dma_wait3A_346, %dma_wait3A_347] : memref<20000x128xf32, #tpu.memory_space<hbm>> -> memref<20000x128xf32, #tpu.memory_space<hbm>>
    tpu.wait_indirect_dma semaphore(%arg17 : memref<!tpu.dma_semaphore, #tpu.memory_space<semaphore_mem>>) src(%dma_wait3A_348 : memref<20000x128xf32, #tpu.memory_space<hbm>>) dst(%arg11 : memref<128x128xf32, #tpu.memory_space<vmem>>)
    %dma_wait3A_349 = arith.constant 0 : i32
    %dma_wait3A_350 = arith.constant 0 : i32
    %dma_wait3A_351 = tpu.memref_slice %arg8[%dma_wait3A_349, %dma_wait3A_350] : memref<40x128xi32, #tpu.memory_space<vmem>> -> memref<1x128xi32, #tpu.memory_space<vmem>>
    %dma_wait3A_352 = tpu.memref_squeeze %dma_wait3A_351 : memref<1x128xi32, #tpu.memory_space<vmem>> -> memref<128xi32, #tpu.memory_space<vmem>>
    %dma_wait3A_353 = arith.constant 0 : i32
    %dma_wait3A_354 = arith.constant 0 : i32
    %dma_wait3A_355 = tpu.memref_slice %arg2[%dma_wait3A_353, %dma_wait3A_354] : memref<20000x128xf32, #tpu.memory_space<hbm>> -> memref<20000x128xf32, #tpu.memory_space<hbm>>
    tpu.wait_indirect_dma semaphore(%arg16 : memref<!tpu.dma_semaphore, #tpu.memory_space<semaphore_mem>>) src(%dma_wait3A_355 : memref<20000x128xf32, #tpu.memory_space<hbm>>) dst(%arg10 : memref<128x128xf32, #tpu.memory_space<vmem>>)
    %dma_wait3A_356 = arith.constant 0 : i32
    %dma_wait3A_357 = arith.constant 0 : i32
    %dma_wait3A_358 = tpu.memref_slice %arg8[%dma_wait3A_356, %dma_wait3A_357] : memref<40x128xi32, #tpu.memory_space<vmem>> -> memref<1x128xi32, #tpu.memory_space<vmem>>
    %dma_wait3A_359 = tpu.memref_squeeze %dma_wait3A_358 : memref<1x128xi32, #tpu.memory_space<vmem>> -> memref<128xi32, #tpu.memory_space<vmem>>
    %dma_wait3A_360 = arith.constant 0 : i32
    %dma_wait3A_361 = arith.constant 0 : i32
    %dma_wait3A_362 = tpu.memref_slice %arg2[%dma_wait3A_360, %dma_wait3A_361] : memref<20000x128xf32, #tpu.memory_space<hbm>> -> memref<20000x128xf32, #tpu.memory_space<hbm>>
    tpu.wait_indirect_dma semaphore(%arg17 : memref<!tpu.dma_semaphore, #tpu.memory_space<semaphore_mem>>) src(%dma_wait3A_362 : memref<20000x128xf32, #tpu.memory_space<hbm>>) dst(%arg11 : memref<128x128xf32, #tpu.memory_space<vmem>>)
    %dma_wait3A_363 = arith.constant 0 : i32
    %dma_wait3A_364 = arith.constant 0 : i32
    %dma_wait3A_365 = tpu.memref_slice %arg8[%dma_wait3A_363, %dma_wait3A_364] : memref<40x128xi32, #tpu.memory_space<vmem>> -> memref<1x128xi32, #tpu.memory_space<vmem>>
    %dma_wait3A_366 = tpu.memref_squeeze %dma_wait3A_365 : memref<1x128xi32, #tpu.memory_space<vmem>> -> memref<128xi32, #tpu.memory_space<vmem>>
    %dma_wait3A_367 = arith.constant 0 : i32
    %dma_wait3A_368 = arith.constant 0 : i32
    %dma_wait3A_369 = tpu.memref_slice %arg2[%dma_wait3A_367, %dma_wait3A_368] : memref<20000x128xf32, #tpu.memory_space<hbm>> -> memref<20000x128xf32, #tpu.memory_space<hbm>>
    tpu.wait_indirect_dma semaphore(%arg16 : memref<!tpu.dma_semaphore, #tpu.memory_space<semaphore_mem>>) src(%dma_wait3A_369 : memref<20000x128xf32, #tpu.memory_space<hbm>>) dst(%arg10 : memref<128x128xf32, #tpu.memory_space<vmem>>)
    %dma_wait3A_370 = arith.constant 0 : i32
    %dma_wait3A_371 = arith.constant 0 : i32
    %dma_wait3A_372 = tpu.memref_slice %arg8[%dma_wait3A_370, %dma_wait3A_371] : memref<40x128xi32, #tpu.memory_space<vmem>> -> memref<1x128xi32, #tpu.memory_space<vmem>>
    %dma_wait3A_373 = tpu.memref_squeeze %dma_wait3A_372 : memref<1x128xi32, #tpu.memory_space<vmem>> -> memref<128xi32, #tpu.memory_space<vmem>>
    %dma_wait3A_374 = arith.constant 0 : i32
    %dma_wait3A_375 = arith.constant 0 : i32
    %dma_wait3A_376 = tpu.memref_slice %arg2[%dma_wait3A_374, %dma_wait3A_375] : memref<20000x128xf32, #tpu.memory_space<hbm>> -> memref<20000x128xf32, #tpu.memory_space<hbm>>
    tpu.wait_indirect_dma semaphore(%arg17 : memref<!tpu.dma_semaphore, #tpu.memory_space<semaphore_mem>>) src(%dma_wait3A_376 : memref<20000x128xf32, #tpu.memory_space<hbm>>) dst(%arg11 : memref<128x128xf32, #tpu.memory_space<vmem>>)
    %dma_wait3A_377 = arith.constant 0 : i32
    %dma_wait3A_378 = arith.constant 0 : i32
    %dma_wait3A_379 = tpu.memref_slice %arg8[%dma_wait3A_377, %dma_wait3A_378] : memref<40x128xi32, #tpu.memory_space<vmem>> -> memref<1x128xi32, #tpu.memory_space<vmem>>
    %dma_wait3A_380 = tpu.memref_squeeze %dma_wait3A_379 : memref<1x128xi32, #tpu.memory_space<vmem>> -> memref<128xi32, #tpu.memory_space<vmem>>
    %dma_wait3A_381 = arith.constant 0 : i32
    %dma_wait3A_382 = arith.constant 0 : i32
    %dma_wait3A_383 = tpu.memref_slice %arg2[%dma_wait3A_381, %dma_wait3A_382] : memref<20000x128xf32, #tpu.memory_space<hbm>> -> memref<20000x128xf32, #tpu.memory_space<hbm>>
    tpu.wait_indirect_dma semaphore(%arg16 : memref<!tpu.dma_semaphore, #tpu.memory_space<semaphore_mem>>) src(%dma_wait3A_383 : memref<20000x128xf32, #tpu.memory_space<hbm>>) dst(%arg10 : memref<128x128xf32, #tpu.memory_space<vmem>>)
    %dma_wait3A_384 = arith.constant 0 : i32
    %dma_wait3A_385 = arith.constant 0 : i32
    %dma_wait3A_386 = tpu.memref_slice %arg8[%dma_wait3A_384, %dma_wait3A_385] : memref<40x128xi32, #tpu.memory_space<vmem>> -> memref<1x128xi32, #tpu.memory_space<vmem>>
    %dma_wait3A_387 = tpu.memref_squeeze %dma_wait3A_386 : memref<1x128xi32, #tpu.memory_space<vmem>> -> memref<128xi32, #tpu.memory_space<vmem>>
    %dma_wait3A_388 = arith.constant 0 : i32
    %dma_wait3A_389 = arith.constant 0 : i32
    %dma_wait3A_390 = tpu.memref_slice %arg2[%dma_wait3A_388, %dma_wait3A_389] : memref<20000x128xf32, #tpu.memory_space<hbm>> -> memref<20000x128xf32, #tpu.memory_space<hbm>>
    tpu.wait_indirect_dma semaphore(%arg17 : memref<!tpu.dma_semaphore, #tpu.memory_space<semaphore_mem>>) src(%dma_wait3A_390 : memref<20000x128xf32, #tpu.memory_space<hbm>>) dst(%arg11 : memref<128x128xf32, #tpu.memory_space<vmem>>)
    %dma_wait3A_391 = arith.constant 0 : i32
    %dma_wait3A_392 = arith.constant 0 : i32
    %dma_wait3A_393 = tpu.memref_slice %arg8[%dma_wait3A_391, %dma_wait3A_392] : memref<40x128xi32, #tpu.memory_space<vmem>> -> memref<1x128xi32, #tpu.memory_space<vmem>>
    %dma_wait3A_394 = tpu.memref_squeeze %dma_wait3A_393 : memref<1x128xi32, #tpu.memory_space<vmem>> -> memref<128xi32, #tpu.memory_space<vmem>>
    %dma_wait3A_395 = arith.constant 0 : i32
    %dma_wait3A_396 = arith.constant 0 : i32
    %dma_wait3A_397 = tpu.memref_slice %arg2[%dma_wait3A_395, %dma_wait3A_396] : memref<20000x128xf32, #tpu.memory_space<hbm>> -> memref<20000x128xf32, #tpu.memory_space<hbm>>
    tpu.wait_indirect_dma semaphore(%arg16 : memref<!tpu.dma_semaphore, #tpu.memory_space<semaphore_mem>>) src(%dma_wait3A_397 : memref<20000x128xf32, #tpu.memory_space<hbm>>) dst(%arg10 : memref<128x128xf32, #tpu.memory_space<vmem>>)
    %dma_wait3A_398 = arith.constant 0 : i32
    %dma_wait3A_399 = arith.constant 0 : i32
    %dma_wait3A_400 = tpu.memref_slice %arg8[%dma_wait3A_398, %dma_wait3A_399] : memref<40x128xi32, #tpu.memory_space<vmem>> -> memref<1x128xi32, #tpu.memory_space<vmem>>
    %dma_wait3A_401 = tpu.memref_squeeze %dma_wait3A_400 : memref<1x128xi32, #tpu.memory_space<vmem>> -> memref<128xi32, #tpu.memory_space<vmem>>
    %dma_wait3A_402 = arith.constant 0 : i32
    %dma_wait3A_403 = arith.constant 0 : i32
    %dma_wait3A_404 = tpu.memref_slice %arg2[%dma_wait3A_402, %dma_wait3A_403] : memref<20000x128xf32, #tpu.memory_space<hbm>> -> memref<20000x128xf32, #tpu.memory_space<hbm>>
    tpu.wait_indirect_dma semaphore(%arg17 : memref<!tpu.dma_semaphore, #tpu.memory_space<semaphore_mem>>) src(%dma_wait3A_404 : memref<20000x128xf32, #tpu.memory_space<hbm>>) dst(%arg11 : memref<128x128xf32, #tpu.memory_space<vmem>>)
    %dma_wait3A_405 = arith.constant 0 : i32
    %dma_wait3A_406 = arith.constant 0 : i32
    %dma_wait3A_407 = tpu.memref_slice %arg8[%dma_wait3A_405, %dma_wait3A_406] : memref<40x128xi32, #tpu.memory_space<vmem>> -> memref<1x128xi32, #tpu.memory_space<vmem>>
    %dma_wait3A_408 = tpu.memref_squeeze %dma_wait3A_407 : memref<1x128xi32, #tpu.memory_space<vmem>> -> memref<128xi32, #tpu.memory_space<vmem>>
    %dma_wait3A_409 = arith.constant 0 : i32
    %dma_wait3A_410 = arith.constant 0 : i32
    %dma_wait3A_411 = tpu.memref_slice %arg2[%dma_wait3A_409, %dma_wait3A_410] : memref<20000x128xf32, #tpu.memory_space<hbm>> -> memref<20000x128xf32, #tpu.memory_space<hbm>>
    tpu.wait_indirect_dma semaphore(%arg16 : memref<!tpu.dma_semaphore, #tpu.memory_space<semaphore_mem>>) src(%dma_wait3A_411 : memref<20000x128xf32, #tpu.memory_space<hbm>>) dst(%arg10 : memref<128x128xf32, #tpu.memory_space<vmem>>)
    %dma_wait3A_412 = arith.constant 0 : i32
    %dma_wait3A_413 = arith.constant 0 : i32
    %dma_wait3A_414 = tpu.memref_slice %arg8[%dma_wait3A_412, %dma_wait3A_413] : memref<40x128xi32, #tpu.memory_space<vmem>> -> memref<1x128xi32, #tpu.memory_space<vmem>>
    %dma_wait3A_415 = tpu.memref_squeeze %dma_wait3A_414 : memref<1x128xi32, #tpu.memory_space<vmem>> -> memref<128xi32, #tpu.memory_space<vmem>>
    %dma_wait3A_416 = arith.constant 0 : i32
    %dma_wait3A_417 = arith.constant 0 : i32
    %dma_wait3A_418 = tpu.memref_slice %arg2[%dma_wait3A_416, %dma_wait3A_417] : memref<20000x128xf32, #tpu.memory_space<hbm>> -> memref<20000x128xf32, #tpu.memory_space<hbm>>
    tpu.wait_indirect_dma semaphore(%arg17 : memref<!tpu.dma_semaphore, #tpu.memory_space<semaphore_mem>>) src(%dma_wait3A_418 : memref<20000x128xf32, #tpu.memory_space<hbm>>) dst(%arg11 : memref<128x128xf32, #tpu.memory_space<vmem>>)
    %dma_wait3A_419 = arith.constant 0 : i32
    %dma_wait3A_420 = arith.constant 0 : i32
    %dma_wait3A_421 = tpu.memref_slice %arg8[%dma_wait3A_419, %dma_wait3A_420] : memref<40x128xi32, #tpu.memory_space<vmem>> -> memref<1x128xi32, #tpu.memory_space<vmem>>
    %dma_wait3A_422 = tpu.memref_squeeze %dma_wait3A_421 : memref<1x128xi32, #tpu.memory_space<vmem>> -> memref<128xi32, #tpu.memory_space<vmem>>
    %dma_wait3A_423 = arith.constant 0 : i32
    %dma_wait3A_424 = arith.constant 0 : i32
    %dma_wait3A_425 = tpu.memref_slice %arg2[%dma_wait3A_423, %dma_wait3A_424] : memref<20000x128xf32, #tpu.memory_space<hbm>> -> memref<20000x128xf32, #tpu.memory_space<hbm>>
    tpu.wait_indirect_dma semaphore(%arg16 : memref<!tpu.dma_semaphore, #tpu.memory_space<semaphore_mem>>) src(%dma_wait3A_425 : memref<20000x128xf32, #tpu.memory_space<hbm>>) dst(%arg10 : memref<128x128xf32, #tpu.memory_space<vmem>>)
    %dma_wait3A_426 = arith.constant 0 : i32
    %dma_wait3A_427 = arith.constant 0 : i32
    %dma_wait3A_428 = tpu.memref_slice %arg8[%dma_wait3A_426, %dma_wait3A_427] : memref<40x128xi32, #tpu.memory_space<vmem>> -> memref<1x128xi32, #tpu.memory_space<vmem>>
    %dma_wait3A_429 = tpu.memref_squeeze %dma_wait3A_428 : memref<1x128xi32, #tpu.memory_space<vmem>> -> memref<128xi32, #tpu.memory_space<vmem>>
    %dma_wait3A_430 = arith.constant 0 : i32
    %dma_wait3A_431 = arith.constant 0 : i32
    %dma_wait3A_432 = tpu.memref_slice %arg2[%dma_wait3A_430, %dma_wait3A_431] : memref<20000x128xf32, #tpu.memory_space<hbm>> -> memref<20000x128xf32, #tpu.memory_space<hbm>>
    tpu.wait_indirect_dma semaphore(%arg17 : memref<!tpu.dma_semaphore, #tpu.memory_space<semaphore_mem>>) src(%dma_wait3A_432 : memref<20000x128xf32, #tpu.memory_space<hbm>>) dst(%arg11 : memref<128x128xf32, #tpu.memory_space<vmem>>)
    %dma_wait3A_433 = arith.constant 0 : i32
    %dma_wait3A_434 = arith.constant 0 : i32
    %dma_wait3A_435 = tpu.memref_slice %arg8[%dma_wait3A_433, %dma_wait3A_434] : memref<40x128xi32, #tpu.memory_space<vmem>> -> memref<1x128xi32, #tpu.memory_space<vmem>>
    %dma_wait3A_436 = tpu.memref_squeeze %dma_wait3A_435 : memref<1x128xi32, #tpu.memory_space<vmem>> -> memref<128xi32, #tpu.memory_space<vmem>>
    %dma_wait3A_437 = arith.constant 0 : i32
    %dma_wait3A_438 = arith.constant 0 : i32
    %dma_wait3A_439 = tpu.memref_slice %arg2[%dma_wait3A_437, %dma_wait3A_438] : memref<20000x128xf32, #tpu.memory_space<hbm>> -> memref<20000x128xf32, #tpu.memory_space<hbm>>
    tpu.wait_indirect_dma semaphore(%arg16 : memref<!tpu.dma_semaphore, #tpu.memory_space<semaphore_mem>>) src(%dma_wait3A_439 : memref<20000x128xf32, #tpu.memory_space<hbm>>) dst(%arg10 : memref<128x128xf32, #tpu.memory_space<vmem>>)
    %dma_wait3A_440 = arith.constant 0 : i32
    %dma_wait3A_441 = arith.constant 0 : i32
    %dma_wait3A_442 = tpu.memref_slice %arg8[%dma_wait3A_440, %dma_wait3A_441] : memref<40x128xi32, #tpu.memory_space<vmem>> -> memref<1x128xi32, #tpu.memory_space<vmem>>
    %dma_wait3A_443 = tpu.memref_squeeze %dma_wait3A_442 : memref<1x128xi32, #tpu.memory_space<vmem>> -> memref<128xi32, #tpu.memory_space<vmem>>
    %dma_wait3A_444 = arith.constant 0 : i32
    %dma_wait3A_445 = arith.constant 0 : i32
    %dma_wait3A_446 = tpu.memref_slice %arg2[%dma_wait3A_444, %dma_wait3A_445] : memref<20000x128xf32, #tpu.memory_space<hbm>> -> memref<20000x128xf32, #tpu.memory_space<hbm>>
    tpu.wait_indirect_dma semaphore(%arg17 : memref<!tpu.dma_semaphore, #tpu.memory_space<semaphore_mem>>) src(%dma_wait3A_446 : memref<20000x128xf32, #tpu.memory_space<hbm>>) dst(%arg11 : memref<128x128xf32, #tpu.memory_space<vmem>>)
    %dma_wait3A_447 = arith.constant 0 : i32
    %dma_wait3A_448 = arith.constant 0 : i32
    %dma_wait3A_449 = tpu.memref_slice %arg8[%dma_wait3A_447, %dma_wait3A_448] : memref<40x128xi32, #tpu.memory_space<vmem>> -> memref<1x128xi32, #tpu.memory_space<vmem>>
    %dma_wait3A_450 = tpu.memref_squeeze %dma_wait3A_449 : memref<1x128xi32, #tpu.memory_space<vmem>> -> memref<128xi32, #tpu.memory_space<vmem>>
    %dma_wait3A_451 = arith.constant 0 : i32
    %dma_wait3A_452 = arith.constant 0 : i32
    %dma_wait3A_453 = tpu.memref_slice %arg2[%dma_wait3A_451, %dma_wait3A_452] : memref<20000x128xf32, #tpu.memory_space<hbm>> -> memref<20000x128xf32, #tpu.memory_space<hbm>>
    tpu.wait_indirect_dma semaphore(%arg16 : memref<!tpu.dma_semaphore, #tpu.memory_space<semaphore_mem>>) src(%dma_wait3A_453 : memref<20000x128xf32, #tpu.memory_space<hbm>>) dst(%arg10 : memref<128x128xf32, #tpu.memory_space<vmem>>)
    %dma_wait3A_454 = arith.constant 0 : i32
    %dma_wait3A_455 = arith.constant 0 : i32
    %dma_wait3A_456 = tpu.memref_slice %arg8[%dma_wait3A_454, %dma_wait3A_455] : memref<40x128xi32, #tpu.memory_space<vmem>> -> memref<1x128xi32, #tpu.memory_space<vmem>>
    %dma_wait3A_457 = tpu.memref_squeeze %dma_wait3A_456 : memref<1x128xi32, #tpu.memory_space<vmem>> -> memref<128xi32, #tpu.memory_space<vmem>>
    %dma_wait3A_458 = arith.constant 0 : i32
    %dma_wait3A_459 = arith.constant 0 : i32
    %dma_wait3A_460 = tpu.memref_slice %arg2[%dma_wait3A_458, %dma_wait3A_459] : memref<20000x128xf32, #tpu.memory_space<hbm>> -> memref<20000x128xf32, #tpu.memory_space<hbm>>
    tpu.wait_indirect_dma semaphore(%arg17 : memref<!tpu.dma_semaphore, #tpu.memory_space<semaphore_mem>>) src(%dma_wait3A_460 : memref<20000x128xf32, #tpu.memory_space<hbm>>) dst(%arg11 : memref<128x128xf32, #tpu.memory_space<vmem>>)
    %dma_wait3A_461 = arith.constant 0 : i32
    %dma_wait3A_462 = arith.constant 0 : i32
    %dma_wait3A_463 = tpu.memref_slice %arg8[%dma_wait3A_461, %dma_wait3A_462] : memref<40x128xi32, #tpu.memory_space<vmem>> -> memref<1x128xi32, #tpu.memory_space<vmem>>
    %dma_wait3A_464 = tpu.memref_squeeze %dma_wait3A_463 : memref<1x128xi32, #tpu.memory_space<vmem>> -> memref<128xi32, #tpu.memory_space<vmem>>
    %dma_wait3A_465 = arith.constant 0 : i32
    %dma_wait3A_466 = arith.constant 0 : i32
    %dma_wait3A_467 = tpu.memref_slice %arg2[%dma_wait3A_465, %dma_wait3A_466] : memref<20000x128xf32, #tpu.memory_space<hbm>> -> memref<20000x128xf32, #tpu.memory_space<hbm>>
    tpu.wait_indirect_dma semaphore(%arg16 : memref<!tpu.dma_semaphore, #tpu.memory_space<semaphore_mem>>) src(%dma_wait3A_467 : memref<20000x128xf32, #tpu.memory_space<hbm>>) dst(%arg10 : memref<128x128xf32, #tpu.memory_space<vmem>>)
    %dma_wait3A_468 = arith.constant 0 : i32
    %dma_wait3A_469 = arith.constant 0 : i32
    %dma_wait3A_470 = tpu.memref_slice %arg8[%dma_wait3A_468, %dma_wait3A_469] : memref<40x128xi32, #tpu.memory_space<vmem>> -> memref<1x128xi32, #tpu.memory_space<vmem>>
    %dma_wait3A_471 = tpu.memref_squeeze %dma_wait3A_470 : memref<1x128xi32, #tpu.memory_space<vmem>> -> memref<128xi32, #tpu.memory_space<vmem>>
    %dma_wait3A_472 = arith.constant 0 : i32
    %dma_wait3A_473 = arith.constant 0 : i32
    %dma_wait3A_474 = tpu.memref_slice %arg2[%dma_wait3A_472, %dma_wait3A_473] : memref<20000x128xf32, #tpu.memory_space<hbm>> -> memref<20000x128xf32, #tpu.memory_space<hbm>>
    tpu.wait_indirect_dma semaphore(%arg17 : memref<!tpu.dma_semaphore, #tpu.memory_space<semaphore_mem>>) src(%dma_wait3A_474 : memref<20000x128xf32, #tpu.memory_space<hbm>>) dst(%arg11 : memref<128x128xf32, #tpu.memory_space<vmem>>)
    %dma_wait3A_475 = arith.constant 0 : i32
    %dma_wait3A_476 = arith.constant 0 : i32
    %dma_wait3A_477 = tpu.memref_slice %arg8[%dma_wait3A_475, %dma_wait3A_476] : memref<40x128xi32, #tpu.memory_space<vmem>> -> memref<1x128xi32, #tpu.memory_space<vmem>>
    %dma_wait3A_478 = tpu.memref_squeeze %dma_wait3A_477 : memref<1x128xi32, #tpu.memory_space<vmem>> -> memref<128xi32, #tpu.memory_space<vmem>>
    %dma_wait3A_479 = arith.constant 0 : i32
    %dma_wait3A_480 = arith.constant 0 : i32
    %dma_wait3A_481 = tpu.memref_slice %arg2[%dma_wait3A_479, %dma_wait3A_480] : memref<20000x128xf32, #tpu.memory_space<hbm>> -> memref<20000x128xf32, #tpu.memory_space<hbm>>
    tpu.wait_indirect_dma semaphore(%arg16 : memref<!tpu.dma_semaphore, #tpu.memory_space<semaphore_mem>>) src(%dma_wait3A_481 : memref<20000x128xf32, #tpu.memory_space<hbm>>) dst(%arg10 : memref<128x128xf32, #tpu.memory_space<vmem>>)
    %dma_wait3A_482 = arith.constant 0 : i32
    %dma_wait3A_483 = arith.constant 0 : i32
    %dma_wait3A_484 = tpu.memref_slice %arg8[%dma_wait3A_482, %dma_wait3A_483] : memref<40x128xi32, #tpu.memory_space<vmem>> -> memref<1x128xi32, #tpu.memory_space<vmem>>
    %dma_wait3A_485 = tpu.memref_squeeze %dma_wait3A_484 : memref<1x128xi32, #tpu.memory_space<vmem>> -> memref<128xi32, #tpu.memory_space<vmem>>
    %dma_wait3A_486 = arith.constant 0 : i32
    %dma_wait3A_487 = arith.constant 0 : i32
    %dma_wait3A_488 = tpu.memref_slice %arg2[%dma_wait3A_486, %dma_wait3A_487] : memref<20000x128xf32, #tpu.memory_space<hbm>> -> memref<20000x128xf32, #tpu.memory_space<hbm>>
    tpu.wait_indirect_dma semaphore(%arg17 : memref<!tpu.dma_semaphore, #tpu.memory_space<semaphore_mem>>) src(%dma_wait3A_488 : memref<20000x128xf32, #tpu.memory_space<hbm>>) dst(%arg11 : memref<128x128xf32, #tpu.memory_space<vmem>>)
    %dma_wait3A_489 = arith.constant 0 : i32
    %dma_wait3A_490 = arith.constant 0 : i32
    %dma_wait3A_491 = tpu.memref_slice %arg8[%dma_wait3A_489, %dma_wait3A_490] : memref<40x128xi32, #tpu.memory_space<vmem>> -> memref<1x128xi32, #tpu.memory_space<vmem>>
    %dma_wait3A_492 = tpu.memref_squeeze %dma_wait3A_491 : memref<1x128xi32, #tpu.memory_space<vmem>> -> memref<128xi32, #tpu.memory_space<vmem>>
    %dma_wait3A_493 = arith.constant 0 : i32
    %dma_wait3A_494 = arith.constant 0 : i32
    %dma_wait3A_495 = tpu.memref_slice %arg2[%dma_wait3A_493, %dma_wait3A_494] : memref<20000x128xf32, #tpu.memory_space<hbm>> -> memref<20000x128xf32, #tpu.memory_space<hbm>>
    tpu.wait_indirect_dma semaphore(%arg16 : memref<!tpu.dma_semaphore, #tpu.memory_space<semaphore_mem>>) src(%dma_wait3A_495 : memref<20000x128xf32, #tpu.memory_space<hbm>>) dst(%arg10 : memref<128x128xf32, #tpu.memory_space<vmem>>)
    %dma_wait3A_496 = arith.constant 0 : i32
    %dma_wait3A_497 = arith.constant 0 : i32
    %dma_wait3A_498 = tpu.memref_slice %arg8[%dma_wait3A_496, %dma_wait3A_497] : memref<40x128xi32, #tpu.memory_space<vmem>> -> memref<1x128xi32, #tpu.memory_space<vmem>>
    %dma_wait3A_499 = tpu.memref_squeeze %dma_wait3A_498 : memref<1x128xi32, #tpu.memory_space<vmem>> -> memref<128xi32, #tpu.memory_space<vmem>>
    %dma_wait3A_500 = arith.constant 0 : i32
    %dma_wait3A_501 = arith.constant 0 : i32
    %dma_wait3A_502 = tpu.memref_slice %arg2[%dma_wait3A_500, %dma_wait3A_501] : memref<20000x128xf32, #tpu.memory_space<hbm>> -> memref<20000x128xf32, #tpu.memory_space<hbm>>
    tpu.wait_indirect_dma semaphore(%arg17 : memref<!tpu.dma_semaphore, #tpu.memory_space<semaphore_mem>>) src(%dma_wait3A_502 : memref<20000x128xf32, #tpu.memory_space<hbm>>) dst(%arg11 : memref<128x128xf32, #tpu.memory_space<vmem>>)
    %dma_wait3A_503 = arith.constant 0 : i32
    %dma_wait3A_504 = arith.constant 0 : i32
    %dma_wait3A_505 = tpu.memref_slice %arg8[%dma_wait3A_503, %dma_wait3A_504] : memref<40x128xi32, #tpu.memory_space<vmem>> -> memref<1x128xi32, #tpu.memory_space<vmem>>
    %dma_wait3A_506 = tpu.memref_squeeze %dma_wait3A_505 : memref<1x128xi32, #tpu.memory_space<vmem>> -> memref<128xi32, #tpu.memory_space<vmem>>
    %dma_wait3A_507 = arith.constant 0 : i32
    %dma_wait3A_508 = arith.constant 0 : i32
    %dma_wait3A_509 = tpu.memref_slice %arg2[%dma_wait3A_507, %dma_wait3A_508] : memref<20000x128xf32, #tpu.memory_space<hbm>> -> memref<20000x128xf32, #tpu.memory_space<hbm>>
    tpu.wait_indirect_dma semaphore(%arg16 : memref<!tpu.dma_semaphore, #tpu.memory_space<semaphore_mem>>) src(%dma_wait3A_509 : memref<20000x128xf32, #tpu.memory_space<hbm>>) dst(%arg10 : memref<128x128xf32, #tpu.memory_space<vmem>>)
    %dma_wait3A_510 = arith.constant 0 : i32
    %dma_wait3A_511 = arith.constant 0 : i32
    %dma_wait3A_512 = tpu.memref_slice %arg8[%dma_wait3A_510, %dma_wait3A_511] : memref<40x128xi32, #tpu.memory_space<vmem>> -> memref<1x128xi32, #tpu.memory_space<vmem>>
    %dma_wait3A_513 = tpu.memref_squeeze %dma_wait3A_512 : memref<1x128xi32, #tpu.memory_space<vmem>> -> memref<128xi32, #tpu.memory_space<vmem>>
    %dma_wait3A_514 = arith.constant 0 : i32
    %dma_wait3A_515 = arith.constant 0 : i32
    %dma_wait3A_516 = tpu.memref_slice %arg2[%dma_wait3A_514, %dma_wait3A_515] : memref<20000x128xf32, #tpu.memory_space<hbm>> -> memref<20000x128xf32, #tpu.memory_space<hbm>>
    tpu.wait_indirect_dma semaphore(%arg17 : memref<!tpu.dma_semaphore, #tpu.memory_space<semaphore_mem>>) src(%dma_wait3A_516 : memref<20000x128xf32, #tpu.memory_space<hbm>>) dst(%arg11 : memref<128x128xf32, #tpu.memory_space<vmem>>)
    %dma_wait3A_517 = arith.constant 0 : i32
    %dma_wait3A_518 = arith.constant 0 : i32
    %dma_wait3A_519 = tpu.memref_slice %arg8[%dma_wait3A_517, %dma_wait3A_518] : memref<40x128xi32, #tpu.memory_space<vmem>> -> memref<1x128xi32, #tpu.memory_space<vmem>>
    %dma_wait3A_520 = tpu.memref_squeeze %dma_wait3A_519 : memref<1x128xi32, #tpu.memory_space<vmem>> -> memref<128xi32, #tpu.memory_space<vmem>>
    %dma_wait3A_521 = arith.constant 0 : i32
    %dma_wait3A_522 = arith.constant 0 : i32
    %dma_wait3A_523 = tpu.memref_slice %arg2[%dma_wait3A_521, %dma_wait3A_522] : memref<20000x128xf32, #tpu.memory_space<hbm>> -> memref<20000x128xf32, #tpu.memory_space<hbm>>
    tpu.wait_indirect_dma semaphore(%arg16 : memref<!tpu.dma_semaphore, #tpu.memory_space<semaphore_mem>>) src(%dma_wait3A_523 : memref<20000x128xf32, #tpu.memory_space<hbm>>) dst(%arg10 : memref<128x128xf32, #tpu.memory_space<vmem>>)
    %dma_wait3A_524 = arith.constant 0 : i32
    %dma_wait3A_525 = arith.constant 0 : i32
    %dma_wait3A_526 = tpu.memref_slice %arg8[%dma_wait3A_524, %dma_wait3A_525] : memref<40x128xi32, #tpu.memory_space<vmem>> -> memref<1x128xi32, #tpu.memory_space<vmem>>
    %dma_wait3A_527 = tpu.memref_squeeze %dma_wait3A_526 : memref<1x128xi32, #tpu.memory_space<vmem>> -> memref<128xi32, #tpu.memory_space<vmem>>
    %dma_wait3A_528 = arith.constant 0 : i32
    %dma_wait3A_529 = arith.constant 0 : i32
    %dma_wait3A_530 = tpu.memref_slice %arg2[%dma_wait3A_528, %dma_wait3A_529] : memref<20000x128xf32, #tpu.memory_space<hbm>> -> memref<20000x128xf32, #tpu.memory_space<hbm>>
    tpu.wait_indirect_dma semaphore(%arg17 : memref<!tpu.dma_semaphore, #tpu.memory_space<semaphore_mem>>) src(%dma_wait3A_530 : memref<20000x128xf32, #tpu.memory_space<hbm>>) dst(%arg11 : memref<128x128xf32, #tpu.memory_space<vmem>>)
    %dma_wait3A_531 = arith.constant 0 : i32
    %dma_wait3A_532 = arith.constant 0 : i32
    %dma_wait3A_533 = tpu.memref_slice %arg8[%dma_wait3A_531, %dma_wait3A_532] : memref<40x128xi32, #tpu.memory_space<vmem>> -> memref<1x128xi32, #tpu.memory_space<vmem>>
    %dma_wait3A_534 = tpu.memref_squeeze %dma_wait3A_533 : memref<1x128xi32, #tpu.memory_space<vmem>> -> memref<128xi32, #tpu.memory_space<vmem>>
    %dma_wait3A_535 = arith.constant 0 : i32
    %dma_wait3A_536 = arith.constant 0 : i32
    %dma_wait3A_537 = tpu.memref_slice %arg2[%dma_wait3A_535, %dma_wait3A_536] : memref<20000x128xf32, #tpu.memory_space<hbm>> -> memref<20000x128xf32, #tpu.memory_space<hbm>>
    tpu.wait_indirect_dma semaphore(%arg16 : memref<!tpu.dma_semaphore, #tpu.memory_space<semaphore_mem>>) src(%dma_wait3A_537 : memref<20000x128xf32, #tpu.memory_space<hbm>>) dst(%arg10 : memref<128x128xf32, #tpu.memory_space<vmem>>)
    %dma_wait3A_538 = arith.constant 0 : i32
    %dma_wait3A_539 = arith.constant 0 : i32
    %dma_wait3A_540 = tpu.memref_slice %arg8[%dma_wait3A_538, %dma_wait3A_539] : memref<40x128xi32, #tpu.memory_space<vmem>> -> memref<1x128xi32, #tpu.memory_space<vmem>>
    %dma_wait3A_541 = tpu.memref_squeeze %dma_wait3A_540 : memref<1x128xi32, #tpu.memory_space<vmem>> -> memref<128xi32, #tpu.memory_space<vmem>>
    %dma_wait3A_542 = arith.constant 0 : i32
    %dma_wait3A_543 = arith.constant 0 : i32
    %dma_wait3A_544 = tpu.memref_slice %arg2[%dma_wait3A_542, %dma_wait3A_543] : memref<20000x128xf32, #tpu.memory_space<hbm>> -> memref<20000x128xf32, #tpu.memory_space<hbm>>
    tpu.wait_indirect_dma semaphore(%arg17 : memref<!tpu.dma_semaphore, #tpu.memory_space<semaphore_mem>>) src(%dma_wait3A_544 : memref<20000x128xf32, #tpu.memory_space<hbm>>) dst(%arg11 : memref<128x128xf32, #tpu.memory_space<vmem>>)
    %dma_wait3A_545 = arith.constant 0 : i32
    %dma_wait3A_546 = arith.constant 0 : i32
    %dma_wait3A_547 = tpu.memref_slice %arg8[%dma_wait3A_545, %dma_wait3A_546] : memref<40x128xi32, #tpu.memory_space<vmem>> -> memref<1x128xi32, #tpu.memory_space<vmem>>
    %dma_wait3A_548 = tpu.memref_squeeze %dma_wait3A_547 : memref<1x128xi32, #tpu.memory_space<vmem>> -> memref<128xi32, #tpu.memory_space<vmem>>
    %dma_wait3A_549 = arith.constant 0 : i32
    %dma_wait3A_550 = arith.constant 0 : i32
    %dma_wait3A_551 = tpu.memref_slice %arg2[%dma_wait3A_549, %dma_wait3A_550] : memref<20000x128xf32, #tpu.memory_space<hbm>> -> memref<20000x128xf32, #tpu.memory_space<hbm>>
    tpu.wait_indirect_dma semaphore(%arg16 : memref<!tpu.dma_semaphore, #tpu.memory_space<semaphore_mem>>) src(%dma_wait3A_551 : memref<20000x128xf32, #tpu.memory_space<hbm>>) dst(%arg10 : memref<128x128xf32, #tpu.memory_space<vmem>>)
    %dma_wait3A_552 = arith.constant 0 : i32
    %dma_wait3A_553 = arith.constant 0 : i32
    %dma_wait3A_554 = tpu.memref_slice %arg8[%dma_wait3A_552, %dma_wait3A_553] : memref<40x128xi32, #tpu.memory_space<vmem>> -> memref<1x128xi32, #tpu.memory_space<vmem>>
    %dma_wait3A_555 = tpu.memref_squeeze %dma_wait3A_554 : memref<1x128xi32, #tpu.memory_space<vmem>> -> memref<128xi32, #tpu.memory_space<vmem>>
    %dma_wait3A_556 = arith.constant 0 : i32
    %dma_wait3A_557 = arith.constant 0 : i32
    %dma_wait3A_558 = tpu.memref_slice %arg2[%dma_wait3A_556, %dma_wait3A_557] : memref<20000x128xf32, #tpu.memory_space<hbm>> -> memref<20000x128xf32, #tpu.memory_space<hbm>>
    tpu.wait_indirect_dma semaphore(%arg17 : memref<!tpu.dma_semaphore, #tpu.memory_space<semaphore_mem>>) src(%dma_wait3A_558 : memref<20000x128xf32, #tpu.memory_space<hbm>>) dst(%arg11 : memref<128x128xf32, #tpu.memory_space<vmem>>)
    %dma_wait3A_559 = arith.constant 0 : i32
    %dma_wait3A_560 = arith.constant 0 : i32
    %dma_wait3A_561 = tpu.memref_slice %arg8[%dma_wait3A_559, %dma_wait3A_560] : memref<40x128xi32, #tpu.memory_space<vmem>> -> memref<1x128xi32, #tpu.memory_space<vmem>>
    %dma_wait3A_562 = tpu.memref_squeeze %dma_wait3A_561 : memref<1x128xi32, #tpu.memory_space<vmem>> -> memref<128xi32, #tpu.memory_space<vmem>>
    %dma_wait3A_563 = arith.constant 0 : i32
    %dma_wait3A_564 = arith.constant 0 : i32
    %dma_wait3A_565 = tpu.memref_slice %arg2[%dma_wait3A_563, %dma_wait3A_564] : memref<20000x128xf32, #tpu.memory_space<hbm>> -> memref<20000x128xf32, #tpu.memory_space<hbm>>
    tpu.wait_indirect_dma semaphore(%arg16 : memref<!tpu.dma_semaphore, #tpu.memory_space<semaphore_mem>>) src(%dma_wait3A_565 : memref<20000x128xf32, #tpu.memory_space<hbm>>) dst(%arg10 : memref<128x128xf32, #tpu.memory_space<vmem>>)
    %dma_wait3A_566 = arith.constant 0 : i32
    %dma_wait3A_567 = arith.constant 0 : i32
    %dma_wait3A_568 = tpu.memref_slice %arg8[%dma_wait3A_566, %dma_wait3A_567] : memref<40x128xi32, #tpu.memory_space<vmem>> -> memref<1x128xi32, #tpu.memory_space<vmem>>
    %dma_wait3A_569 = tpu.memref_squeeze %dma_wait3A_568 : memref<1x128xi32, #tpu.memory_space<vmem>> -> memref<128xi32, #tpu.memory_space<vmem>>
    %dma_wait3A_570 = arith.constant 0 : i32
    %dma_wait3A_571 = arith.constant 0 : i32
    %dma_wait3A_572 = tpu.memref_slice %arg2[%dma_wait3A_570, %dma_wait3A_571] : memref<20000x128xf32, #tpu.memory_space<hbm>> -> memref<20000x128xf32, #tpu.memory_space<hbm>>
    tpu.wait_indirect_dma semaphore(%arg17 : memref<!tpu.dma_semaphore, #tpu.memory_space<semaphore_mem>>) src(%dma_wait3A_572 : memref<20000x128xf32, #tpu.memory_space<hbm>>) dst(%arg11 : memref<128x128xf32, #tpu.memory_space<vmem>>)
    "tpu.region"() ({
      %run_scoped3A = tpu.sem_alloc : memref<!tpu.dma_semaphore, #tpu.memory_space<semaphore_mem>>
      %dma_start3A = arith.constant 40 : i32
      %dma_start3A_1435 = arith.constant 0 : i32
      %dma_start3A_1436 = tpu.memref_slice %arg3[%add3A, %dma_start3A, %dma_start3A_1435] : memref<32x160x128xi32, #tpu.memory_space<hbm>> -> memref<1x40x128xi32, #tpu.memory_space<hbm>>
      %dma_start3A_1437 = tpu.memref_squeeze %dma_start3A_1436 : memref<1x40x128xi32, #tpu.memory_space<hbm>> -> memref<40x128xi32, #tpu.memory_space<hbm>>
      %dma_start3A_1438 = arith.constant 40 : i32
      %dma_start3A_1439 = arith.constant 0 : i32
      %dma_start3A_1440 = tpu.memref_slice %arg3[%add3A, %dma_start3A_1438, %dma_start3A_1439] : memref<32x160x128xi32, #tpu.memory_space<hbm>> -> memref<1x40x128xi32, #tpu.memory_space<hbm>>
      %dma_start3A_1441 = tpu.memref_squeeze %dma_start3A_1440 : memref<1x40x128xi32, #tpu.memory_space<hbm>> -> memref<40x128xi32, #tpu.memory_space<hbm>>
      tpu.enqueue_dma source(%dma_start3A_1441 : memref<40x128xi32, #tpu.memory_space<hbm>>) target(%arg8 : memref<40x128xi32, #tpu.memory_space<vmem>>) target_semaphore(%run_scoped3A : memref<!tpu.dma_semaphore, #tpu.memory_space<semaphore_mem>>)
      %dma_wait3A_1442 = arith.constant 40 : i32
      %dma_wait3A_1443 = arith.constant 0 : i32
      %dma_wait3A_1444 = tpu.memref_slice %arg3[%add3A, %dma_wait3A_1442, %dma_wait3A_1443] : memref<32x160x128xi32, #tpu.memory_space<hbm>> -> memref<1x40x128xi32, #tpu.memory_space<hbm>>
      %dma_wait3A_1445 = tpu.memref_squeeze %dma_wait3A_1444 : memref<1x40x128xi32, #tpu.memory_space<hbm>> -> memref<40x128xi32, #tpu.memory_space<hbm>>
      %dma_wait3A_1446 = arith.constant 40 : i32
      %dma_wait3A_1447 = arith.constant 0 : i32
      %dma_wait3A_1448 = tpu.memref_slice %arg3[%add3A, %dma_wait3A_1446, %dma_wait3A_1447] : memref<32x160x128xi32, #tpu.memory_space<hbm>> -> memref<1x40x128xi32, #tpu.memory_space<hbm>>
      %dma_wait3A_1449 = tpu.memref_squeeze %dma_wait3A_1448 : memref<1x40x128xi32, #tpu.memory_space<hbm>> -> memref<40x128xi32, #tpu.memory_space<hbm>>
      tpu.wait_dma2 semaphore(%run_scoped3A : memref<!tpu.dma_semaphore, #tpu.memory_space<semaphore_mem>>) src(%dma_wait3A_1449 : memref<40x128xi32, #tpu.memory_space<hbm>>) dst(%arg8 : memref<40x128xi32, #tpu.memory_space<vmem>>)
      tpu.yield
    }) : () -> ()
    "tpu.region"() ({
      %run_scoped3A = tpu.sem_alloc : memref<!tpu.dma_semaphore, #tpu.memory_space<semaphore_mem>>
      %dma_start3A = arith.constant 40 : i32
      %dma_start3A_1435 = arith.constant 0 : i32
      %dma_start3A_1436 = tpu.memref_slice %arg4[%add3A, %dma_start3A, %dma_start3A_1435] : memref<32x160x128xi32, #tpu.memory_space<hbm>> -> memref<1x40x128xi32, #tpu.memory_space<hbm>>
      %dma_start3A_1437 = tpu.memref_squeeze %dma_start3A_1436 : memref<1x40x128xi32, #tpu.memory_space<hbm>> -> memref<40x128xi32, #tpu.memory_space<hbm>>
      %dma_start3A_1438 = arith.constant 40 : i32
      %dma_start3A_1439 = arith.constant 0 : i32
      %dma_start3A_1440 = tpu.memref_slice %arg4[%add3A, %dma_start3A_1438, %dma_start3A_1439] : memref<32x160x128xi32, #tpu.memory_space<hbm>> -> memref<1x40x128xi32, #tpu.memory_space<hbm>>
      %dma_start3A_1441 = tpu.memref_squeeze %dma_start3A_1440 : memref<1x40x128xi32, #tpu.memory_space<hbm>> -> memref<40x128xi32, #tpu.memory_space<hbm>>
      tpu.enqueue_dma source(%dma_start3A_1441 : memref<40x128xi32, #tpu.memory_space<hbm>>) target(%arg9 : memref<40x128xi32, #tpu.memory_space<vmem>>) target_semaphore(%run_scoped3A : memref<!tpu.dma_semaphore, #tpu.memory_space<semaphore_mem>>)
      %dma_wait3A_1442 = arith.constant 40 : i32
      %dma_wait3A_1443 = arith.constant 0 : i32
      %dma_wait3A_1444 = tpu.memref_slice %arg4[%add3A, %dma_wait3A_1442, %dma_wait3A_1443] : memref<32x160x128xi32, #tpu.memory_space<hbm>> -> memref<1x40x128xi32, #tpu.memory_space<hbm>>
      %dma_wait3A_1445 = tpu.memref_squeeze %dma_wait3A_1444 : memref<1x40x128xi32, #tpu.memory_space<hbm>> -> memref<40x128xi32, #tpu.memory_space<hbm>>
      %dma_wait3A_1446 = arith.constant 40 : i32
      %dma_wait3A_1447 = arith.constant 0 : i32
      %dma_wait3A_1448 = tpu.memref_slice %arg4[%add3A, %dma_wait3A_1446, %dma_wait3A_1447] : memref<32x160x128xi32, #tpu.memory_space<hbm>> -> memref<1x40x128xi32, #tpu.memory_space<hbm>>
      %dma_wait3A_1449 = tpu.memref_squeeze %dma_wait3A_1448 : memref<1x40x128xi32, #tpu.memory_space<hbm>> -> memref<40x128xi32, #tpu.memory_space<hbm>>
      tpu.wait_dma2 semaphore(%run_scoped3A : memref<!tpu.dma_semaphore, #tpu.memory_space<semaphore_mem>>) src(%dma_wait3A_1449 : memref<40x128xi32, #tpu.memory_space<hbm>>) dst(%arg9 : memref<40x128xi32, #tpu.memory_space<vmem>>)
      tpu.yield
    }) : () -> ()
    %scan3A_573 = arith.constant 0 : i32
    %scan3A_574 = arith.constant 0 : i32
    %scan3A_575 = arith.constant 20 : i32
    %scan3A_576 = arith.addi %scan3A_574, %scan3A_575 : i32
    %scan3A_577 = arith.constant 1 : i32
    scf.for %scan3A_1435 = %scan3A_574 to %scan3A_576 step %scan3A_577  : i32 {
      %mul3A_1436 = arith.constant 2 : i32
      %mul3A_1437 = arith.muli %mul3A_1436, %scan3A_1435 : i32
      %dma_start3A = arith.constant 0 : i32
      %dma_start3A_1438 = tpu.memref_slice %arg8[%mul3A_1437, %dma_start3A] : memref<40x128xi32, #tpu.memory_space<vmem>> -> memref<1x128xi32, #tpu.memory_space<vmem>>
      %dma_start3A_1439 = tpu.memref_squeeze %dma_start3A_1438 : memref<1x128xi32, #tpu.memory_space<vmem>> -> memref<128xi32, #tpu.memory_space<vmem>>
      %dma_start3A_1440 = arith.constant 0 : i32
      %dma_start3A_1441 = arith.constant 0 : i32
      %dma_start3A_1442 = tpu.memref_slice %arg2[%dma_start3A_1440, %dma_start3A_1441] : memref<20000x128xf32, #tpu.memory_space<hbm>> -> memref<20000x128xf32, #tpu.memory_space<hbm>>
      tpu.enqueue_indirect_dma source(%dma_start3A_1442 : memref<20000x128xf32, #tpu.memory_space<hbm>>) target(%arg10 : memref<128x128xf32, #tpu.memory_space<vmem>>) offsets(%dma_start3A_1439 : memref<128xi32, #tpu.memory_space<vmem>>) semaphore(%arg16 : memref<!tpu.dma_semaphore, #tpu.memory_space<semaphore_mem>>)
      %mul3A_1443 = arith.constant 2 : i32
      %mul3A_1444 = arith.muli %mul3A_1443, %scan3A_1435 : i32
      %add3A_1445 = arith.constant 1 : i32
      %add3A_1446 = arith.addi %mul3A_1444, %add3A_1445 : i32
      %dma_start3A_1447 = arith.constant 0 : i32
      %dma_start3A_1448 = tpu.memref_slice %arg8[%add3A_1446, %dma_start3A_1447] : memref<40x128xi32, #tpu.memory_space<vmem>> -> memref<1x128xi32, #tpu.memory_space<vmem>>
      %dma_start3A_1449 = tpu.memref_squeeze %dma_start3A_1448 : memref<1x128xi32, #tpu.memory_space<vmem>> -> memref<128xi32, #tpu.memory_space<vmem>>
      %dma_start3A_1450 = arith.constant 0 : i32
      %dma_start3A_1451 = arith.constant 0 : i32
      %dma_start3A_1452 = tpu.memref_slice %arg2[%dma_start3A_1450, %dma_start3A_1451] : memref<20000x128xf32, #tpu.memory_space<hbm>> -> memref<20000x128xf32, #tpu.memory_space<hbm>>
      tpu.enqueue_indirect_dma source(%dma_start3A_1452 : memref<20000x128xf32, #tpu.memory_space<hbm>>) target(%arg11 : memref<128x128xf32, #tpu.memory_space<vmem>>) offsets(%dma_start3A_1449 : memref<128xi32, #tpu.memory_space<vmem>>) semaphore(%arg17 : memref<!tpu.dma_semaphore, #tpu.memory_space<semaphore_mem>>)
    }
    %scan3A_578 = arith.constant 20 : i32
    %dma_wait3A_579 = arith.constant 0 : i32
    %dma_wait3A_580 = arith.constant 0 : i32
    %dma_wait3A_581 = tpu.memref_slice %arg8[%dma_wait3A_579, %dma_wait3A_580] : memref<40x128xi32, #tpu.memory_space<vmem>> -> memref<1x128xi32, #tpu.memory_space<vmem>>
    %dma_wait3A_582 = tpu.memref_squeeze %dma_wait3A_581 : memref<1x128xi32, #tpu.memory_space<vmem>> -> memref<128xi32, #tpu.memory_space<vmem>>
    %dma_wait3A_583 = arith.constant 0 : i32
    %dma_wait3A_584 = arith.constant 0 : i32
    %dma_wait3A_585 = tpu.memref_slice %arg2[%dma_wait3A_583, %dma_wait3A_584] : memref<20000x128xf32, #tpu.memory_space<hbm>> -> memref<20000x128xf32, #tpu.memory_space<hbm>>
    tpu.wait_indirect_dma semaphore(%arg16 : memref<!tpu.dma_semaphore, #tpu.memory_space<semaphore_mem>>) src(%dma_wait3A_585 : memref<20000x128xf32, #tpu.memory_space<hbm>>) dst(%arg10 : memref<128x128xf32, #tpu.memory_space<vmem>>)
    %dma_wait3A_586 = arith.constant 0 : i32
    %dma_wait3A_587 = arith.constant 0 : i32
    %dma_wait3A_588 = tpu.memref_slice %arg8[%dma_wait3A_586, %dma_wait3A_587] : memref<40x128xi32, #tpu.memory_space<vmem>> -> memref<1x128xi32, #tpu.memory_space<vmem>>
    %dma_wait3A_589 = tpu.memref_squeeze %dma_wait3A_588 : memref<1x128xi32, #tpu.memory_space<vmem>> -> memref<128xi32, #tpu.memory_space<vmem>>
    %dma_wait3A_590 = arith.constant 0 : i32
    %dma_wait3A_591 = arith.constant 0 : i32
    %dma_wait3A_592 = tpu.memref_slice %arg2[%dma_wait3A_590, %dma_wait3A_591] : memref<20000x128xf32, #tpu.memory_space<hbm>> -> memref<20000x128xf32, #tpu.memory_space<hbm>>
    tpu.wait_indirect_dma semaphore(%arg17 : memref<!tpu.dma_semaphore, #tpu.memory_space<semaphore_mem>>) src(%dma_wait3A_592 : memref<20000x128xf32, #tpu.memory_space<hbm>>) dst(%arg11 : memref<128x128xf32, #tpu.memory_space<vmem>>)
    %dma_wait3A_593 = arith.constant 0 : i32
    %dma_wait3A_594 = arith.constant 0 : i32
    %dma_wait3A_595 = tpu.memref_slice %arg8[%dma_wait3A_593, %dma_wait3A_594] : memref<40x128xi32, #tpu.memory_space<vmem>> -> memref<1x128xi32, #tpu.memory_space<vmem>>
    %dma_wait3A_596 = tpu.memref_squeeze %dma_wait3A_595 : memref<1x128xi32, #tpu.memory_space<vmem>> -> memref<128xi32, #tpu.memory_space<vmem>>
    %dma_wait3A_597 = arith.constant 0 : i32
    %dma_wait3A_598 = arith.constant 0 : i32
    %dma_wait3A_599 = tpu.memref_slice %arg2[%dma_wait3A_597, %dma_wait3A_598] : memref<20000x128xf32, #tpu.memory_space<hbm>> -> memref<20000x128xf32, #tpu.memory_space<hbm>>
    tpu.wait_indirect_dma semaphore(%arg16 : memref<!tpu.dma_semaphore, #tpu.memory_space<semaphore_mem>>) src(%dma_wait3A_599 : memref<20000x128xf32, #tpu.memory_space<hbm>>) dst(%arg10 : memref<128x128xf32, #tpu.memory_space<vmem>>)
    %dma_wait3A_600 = arith.constant 0 : i32
    %dma_wait3A_601 = arith.constant 0 : i32
    %dma_wait3A_602 = tpu.memref_slice %arg8[%dma_wait3A_600, %dma_wait3A_601] : memref<40x128xi32, #tpu.memory_space<vmem>> -> memref<1x128xi32, #tpu.memory_space<vmem>>
    %dma_wait3A_603 = tpu.memref_squeeze %dma_wait3A_602 : memref<1x128xi32, #tpu.memory_space<vmem>> -> memref<128xi32, #tpu.memory_space<vmem>>
    %dma_wait3A_604 = arith.constant 0 : i32
    %dma_wait3A_605 = arith.constant 0 : i32
    %dma_wait3A_606 = tpu.memref_slice %arg2[%dma_wait3A_604, %dma_wait3A_605] : memref<20000x128xf32, #tpu.memory_space<hbm>> -> memref<20000x128xf32, #tpu.memory_space<hbm>>
    tpu.wait_indirect_dma semaphore(%arg17 : memref<!tpu.dma_semaphore, #tpu.memory_space<semaphore_mem>>) src(%dma_wait3A_606 : memref<20000x128xf32, #tpu.memory_space<hbm>>) dst(%arg11 : memref<128x128xf32, #tpu.memory_space<vmem>>)
    %dma_wait3A_607 = arith.constant 0 : i32
    %dma_wait3A_608 = arith.constant 0 : i32
    %dma_wait3A_609 = tpu.memref_slice %arg8[%dma_wait3A_607, %dma_wait3A_608] : memref<40x128xi32, #tpu.memory_space<vmem>> -> memref<1x128xi32, #tpu.memory_space<vmem>>
    %dma_wait3A_610 = tpu.memref_squeeze %dma_wait3A_609 : memref<1x128xi32, #tpu.memory_space<vmem>> -> memref<128xi32, #tpu.memory_space<vmem>>
    %dma_wait3A_611 = arith.constant 0 : i32
    %dma_wait3A_612 = arith.constant 0 : i32
    %dma_wait3A_613 = tpu.memref_slice %arg2[%dma_wait3A_611, %dma_wait3A_612] : memref<20000x128xf32, #tpu.memory_space<hbm>> -> memref<20000x128xf32, #tpu.memory_space<hbm>>
    tpu.wait_indirect_dma semaphore(%arg16 : memref<!tpu.dma_semaphore, #tpu.memory_space<semaphore_mem>>) src(%dma_wait3A_613 : memref<20000x128xf32, #tpu.memory_space<hbm>>) dst(%arg10 : memref<128x128xf32, #tpu.memory_space<vmem>>)
    %dma_wait3A_614 = arith.constant 0 : i32
    %dma_wait3A_615 = arith.constant 0 : i32
    %dma_wait3A_616 = tpu.memref_slice %arg8[%dma_wait3A_614, %dma_wait3A_615] : memref<40x128xi32, #tpu.memory_space<vmem>> -> memref<1x128xi32, #tpu.memory_space<vmem>>
    %dma_wait3A_617 = tpu.memref_squeeze %dma_wait3A_616 : memref<1x128xi32, #tpu.memory_space<vmem>> -> memref<128xi32, #tpu.memory_space<vmem>>
    %dma_wait3A_618 = arith.constant 0 : i32
    %dma_wait3A_619 = arith.constant 0 : i32
    %dma_wait3A_620 = tpu.memref_slice %arg2[%dma_wait3A_618, %dma_wait3A_619] : memref<20000x128xf32, #tpu.memory_space<hbm>> -> memref<20000x128xf32, #tpu.memory_space<hbm>>
    tpu.wait_indirect_dma semaphore(%arg17 : memref<!tpu.dma_semaphore, #tpu.memory_space<semaphore_mem>>) src(%dma_wait3A_620 : memref<20000x128xf32, #tpu.memory_space<hbm>>) dst(%arg11 : memref<128x128xf32, #tpu.memory_space<vmem>>)
    %dma_wait3A_621 = arith.constant 0 : i32
    %dma_wait3A_622 = arith.constant 0 : i32
    %dma_wait3A_623 = tpu.memref_slice %arg8[%dma_wait3A_621, %dma_wait3A_622] : memref<40x128xi32, #tpu.memory_space<vmem>> -> memref<1x128xi32, #tpu.memory_space<vmem>>
    %dma_wait3A_624 = tpu.memref_squeeze %dma_wait3A_623 : memref<1x128xi32, #tpu.memory_space<vmem>> -> memref<128xi32, #tpu.memory_space<vmem>>
    %dma_wait3A_625 = arith.constant 0 : i32
    %dma_wait3A_626 = arith.constant 0 : i32
    %dma_wait3A_627 = tpu.memref_slice %arg2[%dma_wait3A_625, %dma_wait3A_626] : memref<20000x128xf32, #tpu.memory_space<hbm>> -> memref<20000x128xf32, #tpu.memory_space<hbm>>
    tpu.wait_indirect_dma semaphore(%arg16 : memref<!tpu.dma_semaphore, #tpu.memory_space<semaphore_mem>>) src(%dma_wait3A_627 : memref<20000x128xf32, #tpu.memory_space<hbm>>) dst(%arg10 : memref<128x128xf32, #tpu.memory_space<vmem>>)
    %dma_wait3A_628 = arith.constant 0 : i32
    %dma_wait3A_629 = arith.constant 0 : i32
    %dma_wait3A_630 = tpu.memref_slice %arg8[%dma_wait3A_628, %dma_wait3A_629] : memref<40x128xi32, #tpu.memory_space<vmem>> -> memref<1x128xi32, #tpu.memory_space<vmem>>
    %dma_wait3A_631 = tpu.memref_squeeze %dma_wait3A_630 : memref<1x128xi32, #tpu.memory_space<vmem>> -> memref<128xi32, #tpu.memory_space<vmem>>
    %dma_wait3A_632 = arith.constant 0 : i32
    %dma_wait3A_633 = arith.constant 0 : i32
    %dma_wait3A_634 = tpu.memref_slice %arg2[%dma_wait3A_632, %dma_wait3A_633] : memref<20000x128xf32, #tpu.memory_space<hbm>> -> memref<20000x128xf32, #tpu.memory_space<hbm>>
    tpu.wait_indirect_dma semaphore(%arg17 : memref<!tpu.dma_semaphore, #tpu.memory_space<semaphore_mem>>) src(%dma_wait3A_634 : memref<20000x128xf32, #tpu.memory_space<hbm>>) dst(%arg11 : memref<128x128xf32, #tpu.memory_space<vmem>>)
    %dma_wait3A_635 = arith.constant 0 : i32
    %dma_wait3A_636 = arith.constant 0 : i32
    %dma_wait3A_637 = tpu.memref_slice %arg8[%dma_wait3A_635, %dma_wait3A_636] : memref<40x128xi32, #tpu.memory_space<vmem>> -> memref<1x128xi32, #tpu.memory_space<vmem>>
    %dma_wait3A_638 = tpu.memref_squeeze %dma_wait3A_637 : memref<1x128xi32, #tpu.memory_space<vmem>> -> memref<128xi32, #tpu.memory_space<vmem>>
    %dma_wait3A_639 = arith.constant 0 : i32
    %dma_wait3A_640 = arith.constant 0 : i32
    %dma_wait3A_641 = tpu.memref_slice %arg2[%dma_wait3A_639, %dma_wait3A_640] : memref<20000x128xf32, #tpu.memory_space<hbm>> -> memref<20000x128xf32, #tpu.memory_space<hbm>>
    tpu.wait_indirect_dma semaphore(%arg16 : memref<!tpu.dma_semaphore, #tpu.memory_space<semaphore_mem>>) src(%dma_wait3A_641 : memref<20000x128xf32, #tpu.memory_space<hbm>>) dst(%arg10 : memref<128x128xf32, #tpu.memory_space<vmem>>)
    %dma_wait3A_642 = arith.constant 0 : i32
    %dma_wait3A_643 = arith.constant 0 : i32
    %dma_wait3A_644 = tpu.memref_slice %arg8[%dma_wait3A_642, %dma_wait3A_643] : memref<40x128xi32, #tpu.memory_space<vmem>> -> memref<1x128xi32, #tpu.memory_space<vmem>>
    %dma_wait3A_645 = tpu.memref_squeeze %dma_wait3A_644 : memref<1x128xi32, #tpu.memory_space<vmem>> -> memref<128xi32, #tpu.memory_space<vmem>>
    %dma_wait3A_646 = arith.constant 0 : i32
    %dma_wait3A_647 = arith.constant 0 : i32
    %dma_wait3A_648 = tpu.memref_slice %arg2[%dma_wait3A_646, %dma_wait3A_647] : memref<20000x128xf32, #tpu.memory_space<hbm>> -> memref<20000x128xf32, #tpu.memory_space<hbm>>
    tpu.wait_indirect_dma semaphore(%arg17 : memref<!tpu.dma_semaphore, #tpu.memory_space<semaphore_mem>>) src(%dma_wait3A_648 : memref<20000x128xf32, #tpu.memory_space<hbm>>) dst(%arg11 : memref<128x128xf32, #tpu.memory_space<vmem>>)
    %dma_wait3A_649 = arith.constant 0 : i32
    %dma_wait3A_650 = arith.constant 0 : i32
    %dma_wait3A_651 = tpu.memref_slice %arg8[%dma_wait3A_649, %dma_wait3A_650] : memref<40x128xi32, #tpu.memory_space<vmem>> -> memref<1x128xi32, #tpu.memory_space<vmem>>
    %dma_wait3A_652 = tpu.memref_squeeze %dma_wait3A_651 : memref<1x128xi32, #tpu.memory_space<vmem>> -> memref<128xi32, #tpu.memory_space<vmem>>
    %dma_wait3A_653 = arith.constant 0 : i32
    %dma_wait3A_654 = arith.constant 0 : i32
    %dma_wait3A_655 = tpu.memref_slice %arg2[%dma_wait3A_653, %dma_wait3A_654] : memref<20000x128xf32, #tpu.memory_space<hbm>> -> memref<20000x128xf32, #tpu.memory_space<hbm>>
    tpu.wait_indirect_dma semaphore(%arg16 : memref<!tpu.dma_semaphore, #tpu.memory_space<semaphore_mem>>) src(%dma_wait3A_655 : memref<20000x128xf32, #tpu.memory_space<hbm>>) dst(%arg10 : memref<128x128xf32, #tpu.memory_space<vmem>>)
    %dma_wait3A_656 = arith.constant 0 : i32
    %dma_wait3A_657 = arith.constant 0 : i32
    %dma_wait3A_658 = tpu.memref_slice %arg8[%dma_wait3A_656, %dma_wait3A_657] : memref<40x128xi32, #tpu.memory_space<vmem>> -> memref<1x128xi32, #tpu.memory_space<vmem>>
    %dma_wait3A_659 = tpu.memref_squeeze %dma_wait3A_658 : memref<1x128xi32, #tpu.memory_space<vmem>> -> memref<128xi32, #tpu.memory_space<vmem>>
    %dma_wait3A_660 = arith.constant 0 : i32
    %dma_wait3A_661 = arith.constant 0 : i32
    %dma_wait3A_662 = tpu.memref_slice %arg2[%dma_wait3A_660, %dma_wait3A_661] : memref<20000x128xf32, #tpu.memory_space<hbm>> -> memref<20000x128xf32, #tpu.memory_space<hbm>>
    tpu.wait_indirect_dma semaphore(%arg17 : memref<!tpu.dma_semaphore, #tpu.memory_space<semaphore_mem>>) src(%dma_wait3A_662 : memref<20000x128xf32, #tpu.memory_space<hbm>>) dst(%arg11 : memref<128x128xf32, #tpu.memory_space<vmem>>)
    %dma_wait3A_663 = arith.constant 0 : i32
    %dma_wait3A_664 = arith.constant 0 : i32
    %dma_wait3A_665 = tpu.memref_slice %arg8[%dma_wait3A_663, %dma_wait3A_664] : memref<40x128xi32, #tpu.memory_space<vmem>> -> memref<1x128xi32, #tpu.memory_space<vmem>>
    %dma_wait3A_666 = tpu.memref_squeeze %dma_wait3A_665 : memref<1x128xi32, #tpu.memory_space<vmem>> -> memref<128xi32, #tpu.memory_space<vmem>>
    %dma_wait3A_667 = arith.constant 0 : i32
    %dma_wait3A_668 = arith.constant 0 : i32
    %dma_wait3A_669 = tpu.memref_slice %arg2[%dma_wait3A_667, %dma_wait3A_668] : memref<20000x128xf32, #tpu.memory_space<hbm>> -> memref<20000x128xf32, #tpu.memory_space<hbm>>
    tpu.wait_indirect_dma semaphore(%arg16 : memref<!tpu.dma_semaphore, #tpu.memory_space<semaphore_mem>>) src(%dma_wait3A_669 : memref<20000x128xf32, #tpu.memory_space<hbm>>) dst(%arg10 : memref<128x128xf32, #tpu.memory_space<vmem>>)
    %dma_wait3A_670 = arith.constant 0 : i32
    %dma_wait3A_671 = arith.constant 0 : i32
    %dma_wait3A_672 = tpu.memref_slice %arg8[%dma_wait3A_670, %dma_wait3A_671] : memref<40x128xi32, #tpu.memory_space<vmem>> -> memref<1x128xi32, #tpu.memory_space<vmem>>
    %dma_wait3A_673 = tpu.memref_squeeze %dma_wait3A_672 : memref<1x128xi32, #tpu.memory_space<vmem>> -> memref<128xi32, #tpu.memory_space<vmem>>
    %dma_wait3A_674 = arith.constant 0 : i32
    %dma_wait3A_675 = arith.constant 0 : i32
    %dma_wait3A_676 = tpu.memref_slice %arg2[%dma_wait3A_674, %dma_wait3A_675] : memref<20000x128xf32, #tpu.memory_space<hbm>> -> memref<20000x128xf32, #tpu.memory_space<hbm>>
    tpu.wait_indirect_dma semaphore(%arg17 : memref<!tpu.dma_semaphore, #tpu.memory_space<semaphore_mem>>) src(%dma_wait3A_676 : memref<20000x128xf32, #tpu.memory_space<hbm>>) dst(%arg11 : memref<128x128xf32, #tpu.memory_space<vmem>>)
    %dma_wait3A_677 = arith.constant 0 : i32
    %dma_wait3A_678 = arith.constant 0 : i32
    %dma_wait3A_679 = tpu.memref_slice %arg8[%dma_wait3A_677, %dma_wait3A_678] : memref<40x128xi32, #tpu.memory_space<vmem>> -> memref<1x128xi32, #tpu.memory_space<vmem>>
    %dma_wait3A_680 = tpu.memref_squeeze %dma_wait3A_679 : memref<1x128xi32, #tpu.memory_space<vmem>> -> memref<128xi32, #tpu.memory_space<vmem>>
    %dma_wait3A_681 = arith.constant 0 : i32
    %dma_wait3A_682 = arith.constant 0 : i32
    %dma_wait3A_683 = tpu.memref_slice %arg2[%dma_wait3A_681, %dma_wait3A_682] : memref<20000x128xf32, #tpu.memory_space<hbm>> -> memref<20000x128xf32, #tpu.memory_space<hbm>>
    tpu.wait_indirect_dma semaphore(%arg16 : memref<!tpu.dma_semaphore, #tpu.memory_space<semaphore_mem>>) src(%dma_wait3A_683 : memref<20000x128xf32, #tpu.memory_space<hbm>>) dst(%arg10 : memref<128x128xf32, #tpu.memory_space<vmem>>)
    %dma_wait3A_684 = arith.constant 0 : i32
    %dma_wait3A_685 = arith.constant 0 : i32
    %dma_wait3A_686 = tpu.memref_slice %arg8[%dma_wait3A_684, %dma_wait3A_685] : memref<40x128xi32, #tpu.memory_space<vmem>> -> memref<1x128xi32, #tpu.memory_space<vmem>>
    %dma_wait3A_687 = tpu.memref_squeeze %dma_wait3A_686 : memref<1x128xi32, #tpu.memory_space<vmem>> -> memref<128xi32, #tpu.memory_space<vmem>>
    %dma_wait3A_688 = arith.constant 0 : i32
    %dma_wait3A_689 = arith.constant 0 : i32
    %dma_wait3A_690 = tpu.memref_slice %arg2[%dma_wait3A_688, %dma_wait3A_689] : memref<20000x128xf32, #tpu.memory_space<hbm>> -> memref<20000x128xf32, #tpu.memory_space<hbm>>
    tpu.wait_indirect_dma semaphore(%arg17 : memref<!tpu.dma_semaphore, #tpu.memory_space<semaphore_mem>>) src(%dma_wait3A_690 : memref<20000x128xf32, #tpu.memory_space<hbm>>) dst(%arg11 : memref<128x128xf32, #tpu.memory_space<vmem>>)
    %dma_wait3A_691 = arith.constant 0 : i32
    %dma_wait3A_692 = arith.constant 0 : i32
    %dma_wait3A_693 = tpu.memref_slice %arg8[%dma_wait3A_691, %dma_wait3A_692] : memref<40x128xi32, #tpu.memory_space<vmem>> -> memref<1x128xi32, #tpu.memory_space<vmem>>
    %dma_wait3A_694 = tpu.memref_squeeze %dma_wait3A_693 : memref<1x128xi32, #tpu.memory_space<vmem>> -> memref<128xi32, #tpu.memory_space<vmem>>
    %dma_wait3A_695 = arith.constant 0 : i32
    %dma_wait3A_696 = arith.constant 0 : i32
    %dma_wait3A_697 = tpu.memref_slice %arg2[%dma_wait3A_695, %dma_wait3A_696] : memref<20000x128xf32, #tpu.memory_space<hbm>> -> memref<20000x128xf32, #tpu.memory_space<hbm>>
    tpu.wait_indirect_dma semaphore(%arg16 : memref<!tpu.dma_semaphore, #tpu.memory_space<semaphore_mem>>) src(%dma_wait3A_697 : memref<20000x128xf32, #tpu.memory_space<hbm>>) dst(%arg10 : memref<128x128xf32, #tpu.memory_space<vmem>>)
    %dma_wait3A_698 = arith.constant 0 : i32
    %dma_wait3A_699 = arith.constant 0 : i32
    %dma_wait3A_700 = tpu.memref_slice %arg8[%dma_wait3A_698, %dma_wait3A_699] : memref<40x128xi32, #tpu.memory_space<vmem>> -> memref<1x128xi32, #tpu.memory_space<vmem>>
    %dma_wait3A_701 = tpu.memref_squeeze %dma_wait3A_700 : memref<1x128xi32, #tpu.memory_space<vmem>> -> memref<128xi32, #tpu.memory_space<vmem>>
    %dma_wait3A_702 = arith.constant 0 : i32
    %dma_wait3A_703 = arith.constant 0 : i32
    %dma_wait3A_704 = tpu.memref_slice %arg2[%dma_wait3A_702, %dma_wait3A_703] : memref<20000x128xf32, #tpu.memory_space<hbm>> -> memref<20000x128xf32, #tpu.memory_space<hbm>>
    tpu.wait_indirect_dma semaphore(%arg17 : memref<!tpu.dma_semaphore, #tpu.memory_space<semaphore_mem>>) src(%dma_wait3A_704 : memref<20000x128xf32, #tpu.memory_space<hbm>>) dst(%arg11 : memref<128x128xf32, #tpu.memory_space<vmem>>)
    %dma_wait3A_705 = arith.constant 0 : i32
    %dma_wait3A_706 = arith.constant 0 : i32
    %dma_wait3A_707 = tpu.memref_slice %arg8[%dma_wait3A_705, %dma_wait3A_706] : memref<40x128xi32, #tpu.memory_space<vmem>> -> memref<1x128xi32, #tpu.memory_space<vmem>>
    %dma_wait3A_708 = tpu.memref_squeeze %dma_wait3A_707 : memref<1x128xi32, #tpu.memory_space<vmem>> -> memref<128xi32, #tpu.memory_space<vmem>>
    %dma_wait3A_709 = arith.constant 0 : i32
    %dma_wait3A_710 = arith.constant 0 : i32
    %dma_wait3A_711 = tpu.memref_slice %arg2[%dma_wait3A_709, %dma_wait3A_710] : memref<20000x128xf32, #tpu.memory_space<hbm>> -> memref<20000x128xf32, #tpu.memory_space<hbm>>
    tpu.wait_indirect_dma semaphore(%arg16 : memref<!tpu.dma_semaphore, #tpu.memory_space<semaphore_mem>>) src(%dma_wait3A_711 : memref<20000x128xf32, #tpu.memory_space<hbm>>) dst(%arg10 : memref<128x128xf32, #tpu.memory_space<vmem>>)
    %dma_wait3A_712 = arith.constant 0 : i32
    %dma_wait3A_713 = arith.constant 0 : i32
    %dma_wait3A_714 = tpu.memref_slice %arg8[%dma_wait3A_712, %dma_wait3A_713] : memref<40x128xi32, #tpu.memory_space<vmem>> -> memref<1x128xi32, #tpu.memory_space<vmem>>
    %dma_wait3A_715 = tpu.memref_squeeze %dma_wait3A_714 : memref<1x128xi32, #tpu.memory_space<vmem>> -> memref<128xi32, #tpu.memory_space<vmem>>
    %dma_wait3A_716 = arith.constant 0 : i32
    %dma_wait3A_717 = arith.constant 0 : i32
    %dma_wait3A_718 = tpu.memref_slice %arg2[%dma_wait3A_716, %dma_wait3A_717] : memref<20000x128xf32, #tpu.memory_space<hbm>> -> memref<20000x128xf32, #tpu.memory_space<hbm>>
    tpu.wait_indirect_dma semaphore(%arg17 : memref<!tpu.dma_semaphore, #tpu.memory_space<semaphore_mem>>) src(%dma_wait3A_718 : memref<20000x128xf32, #tpu.memory_space<hbm>>) dst(%arg11 : memref<128x128xf32, #tpu.memory_space<vmem>>)
    %dma_wait3A_719 = arith.constant 0 : i32
    %dma_wait3A_720 = arith.constant 0 : i32
    %dma_wait3A_721 = tpu.memref_slice %arg8[%dma_wait3A_719, %dma_wait3A_720] : memref<40x128xi32, #tpu.memory_space<vmem>> -> memref<1x128xi32, #tpu.memory_space<vmem>>
    %dma_wait3A_722 = tpu.memref_squeeze %dma_wait3A_721 : memref<1x128xi32, #tpu.memory_space<vmem>> -> memref<128xi32, #tpu.memory_space<vmem>>
    %dma_wait3A_723 = arith.constant 0 : i32
    %dma_wait3A_724 = arith.constant 0 : i32
    %dma_wait3A_725 = tpu.memref_slice %arg2[%dma_wait3A_723, %dma_wait3A_724] : memref<20000x128xf32, #tpu.memory_space<hbm>> -> memref<20000x128xf32, #tpu.memory_space<hbm>>
    tpu.wait_indirect_dma semaphore(%arg16 : memref<!tpu.dma_semaphore, #tpu.memory_space<semaphore_mem>>) src(%dma_wait3A_725 : memref<20000x128xf32, #tpu.memory_space<hbm>>) dst(%arg10 : memref<128x128xf32, #tpu.memory_space<vmem>>)
    %dma_wait3A_726 = arith.constant 0 : i32
    %dma_wait3A_727 = arith.constant 0 : i32
    %dma_wait3A_728 = tpu.memref_slice %arg8[%dma_wait3A_726, %dma_wait3A_727] : memref<40x128xi32, #tpu.memory_space<vmem>> -> memref<1x128xi32, #tpu.memory_space<vmem>>
    %dma_wait3A_729 = tpu.memref_squeeze %dma_wait3A_728 : memref<1x128xi32, #tpu.memory_space<vmem>> -> memref<128xi32, #tpu.memory_space<vmem>>
    %dma_wait3A_730 = arith.constant 0 : i32
    %dma_wait3A_731 = arith.constant 0 : i32
    %dma_wait3A_732 = tpu.memref_slice %arg2[%dma_wait3A_730, %dma_wait3A_731] : memref<20000x128xf32, #tpu.memory_space<hbm>> -> memref<20000x128xf32, #tpu.memory_space<hbm>>
    tpu.wait_indirect_dma semaphore(%arg17 : memref<!tpu.dma_semaphore, #tpu.memory_space<semaphore_mem>>) src(%dma_wait3A_732 : memref<20000x128xf32, #tpu.memory_space<hbm>>) dst(%arg11 : memref<128x128xf32, #tpu.memory_space<vmem>>)
    %dma_wait3A_733 = arith.constant 0 : i32
    %dma_wait3A_734 = arith.constant 0 : i32
    %dma_wait3A_735 = tpu.memref_slice %arg8[%dma_wait3A_733, %dma_wait3A_734] : memref<40x128xi32, #tpu.memory_space<vmem>> -> memref<1x128xi32, #tpu.memory_space<vmem>>
    %dma_wait3A_736 = tpu.memref_squeeze %dma_wait3A_735 : memref<1x128xi32, #tpu.memory_space<vmem>> -> memref<128xi32, #tpu.memory_space<vmem>>
    %dma_wait3A_737 = arith.constant 0 : i32
    %dma_wait3A_738 = arith.constant 0 : i32
    %dma_wait3A_739 = tpu.memref_slice %arg2[%dma_wait3A_737, %dma_wait3A_738] : memref<20000x128xf32, #tpu.memory_space<hbm>> -> memref<20000x128xf32, #tpu.memory_space<hbm>>
    tpu.wait_indirect_dma semaphore(%arg16 : memref<!tpu.dma_semaphore, #tpu.memory_space<semaphore_mem>>) src(%dma_wait3A_739 : memref<20000x128xf32, #tpu.memory_space<hbm>>) dst(%arg10 : memref<128x128xf32, #tpu.memory_space<vmem>>)
    %dma_wait3A_740 = arith.constant 0 : i32
    %dma_wait3A_741 = arith.constant 0 : i32
    %dma_wait3A_742 = tpu.memref_slice %arg8[%dma_wait3A_740, %dma_wait3A_741] : memref<40x128xi32, #tpu.memory_space<vmem>> -> memref<1x128xi32, #tpu.memory_space<vmem>>
    %dma_wait3A_743 = tpu.memref_squeeze %dma_wait3A_742 : memref<1x128xi32, #tpu.memory_space<vmem>> -> memref<128xi32, #tpu.memory_space<vmem>>
    %dma_wait3A_744 = arith.constant 0 : i32
    %dma_wait3A_745 = arith.constant 0 : i32
    %dma_wait3A_746 = tpu.memref_slice %arg2[%dma_wait3A_744, %dma_wait3A_745] : memref<20000x128xf32, #tpu.memory_space<hbm>> -> memref<20000x128xf32, #tpu.memory_space<hbm>>
    tpu.wait_indirect_dma semaphore(%arg17 : memref<!tpu.dma_semaphore, #tpu.memory_space<semaphore_mem>>) src(%dma_wait3A_746 : memref<20000x128xf32, #tpu.memory_space<hbm>>) dst(%arg11 : memref<128x128xf32, #tpu.memory_space<vmem>>)
    %dma_wait3A_747 = arith.constant 0 : i32
    %dma_wait3A_748 = arith.constant 0 : i32
    %dma_wait3A_749 = tpu.memref_slice %arg8[%dma_wait3A_747, %dma_wait3A_748] : memref<40x128xi32, #tpu.memory_space<vmem>> -> memref<1x128xi32, #tpu.memory_space<vmem>>
    %dma_wait3A_750 = tpu.memref_squeeze %dma_wait3A_749 : memref<1x128xi32, #tpu.memory_space<vmem>> -> memref<128xi32, #tpu.memory_space<vmem>>
    %dma_wait3A_751 = arith.constant 0 : i32
    %dma_wait3A_752 = arith.constant 0 : i32
    %dma_wait3A_753 = tpu.memref_slice %arg2[%dma_wait3A_751, %dma_wait3A_752] : memref<20000x128xf32, #tpu.memory_space<hbm>> -> memref<20000x128xf32, #tpu.memory_space<hbm>>
    tpu.wait_indirect_dma semaphore(%arg16 : memref<!tpu.dma_semaphore, #tpu.memory_space<semaphore_mem>>) src(%dma_wait3A_753 : memref<20000x128xf32, #tpu.memory_space<hbm>>) dst(%arg10 : memref<128x128xf32, #tpu.memory_space<vmem>>)
    %dma_wait3A_754 = arith.constant 0 : i32
    %dma_wait3A_755 = arith.constant 0 : i32
    %dma_wait3A_756 = tpu.memref_slice %arg8[%dma_wait3A_754, %dma_wait3A_755] : memref<40x128xi32, #tpu.memory_space<vmem>> -> memref<1x128xi32, #tpu.memory_space<vmem>>
    %dma_wait3A_757 = tpu.memref_squeeze %dma_wait3A_756 : memref<1x128xi32, #tpu.memory_space<vmem>> -> memref<128xi32, #tpu.memory_space<vmem>>
    %dma_wait3A_758 = arith.constant 0 : i32
    %dma_wait3A_759 = arith.constant 0 : i32
    %dma_wait3A_760 = tpu.memref_slice %arg2[%dma_wait3A_758, %dma_wait3A_759] : memref<20000x128xf32, #tpu.memory_space<hbm>> -> memref<20000x128xf32, #tpu.memory_space<hbm>>
    tpu.wait_indirect_dma semaphore(%arg17 : memref<!tpu.dma_semaphore, #tpu.memory_space<semaphore_mem>>) src(%dma_wait3A_760 : memref<20000x128xf32, #tpu.memory_space<hbm>>) dst(%arg11 : memref<128x128xf32, #tpu.memory_space<vmem>>)
    %dma_wait3A_761 = arith.constant 0 : i32
    %dma_wait3A_762 = arith.constant 0 : i32
    %dma_wait3A_763 = tpu.memref_slice %arg8[%dma_wait3A_761, %dma_wait3A_762] : memref<40x128xi32, #tpu.memory_space<vmem>> -> memref<1x128xi32, #tpu.memory_space<vmem>>
    %dma_wait3A_764 = tpu.memref_squeeze %dma_wait3A_763 : memref<1x128xi32, #tpu.memory_space<vmem>> -> memref<128xi32, #tpu.memory_space<vmem>>
    %dma_wait3A_765 = arith.constant 0 : i32
    %dma_wait3A_766 = arith.constant 0 : i32
    %dma_wait3A_767 = tpu.memref_slice %arg2[%dma_wait3A_765, %dma_wait3A_766] : memref<20000x128xf32, #tpu.memory_space<hbm>> -> memref<20000x128xf32, #tpu.memory_space<hbm>>
    tpu.wait_indirect_dma semaphore(%arg16 : memref<!tpu.dma_semaphore, #tpu.memory_space<semaphore_mem>>) src(%dma_wait3A_767 : memref<20000x128xf32, #tpu.memory_space<hbm>>) dst(%arg10 : memref<128x128xf32, #tpu.memory_space<vmem>>)
    %dma_wait3A_768 = arith.constant 0 : i32
    %dma_wait3A_769 = arith.constant 0 : i32
    %dma_wait3A_770 = tpu.memref_slice %arg8[%dma_wait3A_768, %dma_wait3A_769] : memref<40x128xi32, #tpu.memory_space<vmem>> -> memref<1x128xi32, #tpu.memory_space<vmem>>
    %dma_wait3A_771 = tpu.memref_squeeze %dma_wait3A_770 : memref<1x128xi32, #tpu.memory_space<vmem>> -> memref<128xi32, #tpu.memory_space<vmem>>
    %dma_wait3A_772 = arith.constant 0 : i32
    %dma_wait3A_773 = arith.constant 0 : i32
    %dma_wait3A_774 = tpu.memref_slice %arg2[%dma_wait3A_772, %dma_wait3A_773] : memref<20000x128xf32, #tpu.memory_space<hbm>> -> memref<20000x128xf32, #tpu.memory_space<hbm>>
    tpu.wait_indirect_dma semaphore(%arg17 : memref<!tpu.dma_semaphore, #tpu.memory_space<semaphore_mem>>) src(%dma_wait3A_774 : memref<20000x128xf32, #tpu.memory_space<hbm>>) dst(%arg11 : memref<128x128xf32, #tpu.memory_space<vmem>>)
    %dma_wait3A_775 = arith.constant 0 : i32
    %dma_wait3A_776 = arith.constant 0 : i32
    %dma_wait3A_777 = tpu.memref_slice %arg8[%dma_wait3A_775, %dma_wait3A_776] : memref<40x128xi32, #tpu.memory_space<vmem>> -> memref<1x128xi32, #tpu.memory_space<vmem>>
    %dma_wait3A_778 = tpu.memref_squeeze %dma_wait3A_777 : memref<1x128xi32, #tpu.memory_space<vmem>> -> memref<128xi32, #tpu.memory_space<vmem>>
    %dma_wait3A_779 = arith.constant 0 : i32
    %dma_wait3A_780 = arith.constant 0 : i32
    %dma_wait3A_781 = tpu.memref_slice %arg2[%dma_wait3A_779, %dma_wait3A_780] : memref<20000x128xf32, #tpu.memory_space<hbm>> -> memref<20000x128xf32, #tpu.memory_space<hbm>>
    tpu.wait_indirect_dma semaphore(%arg16 : memref<!tpu.dma_semaphore, #tpu.memory_space<semaphore_mem>>) src(%dma_wait3A_781 : memref<20000x128xf32, #tpu.memory_space<hbm>>) dst(%arg10 : memref<128x128xf32, #tpu.memory_space<vmem>>)
    %dma_wait3A_782 = arith.constant 0 : i32
    %dma_wait3A_783 = arith.constant 0 : i32
    %dma_wait3A_784 = tpu.memref_slice %arg8[%dma_wait3A_782, %dma_wait3A_783] : memref<40x128xi32, #tpu.memory_space<vmem>> -> memref<1x128xi32, #tpu.memory_space<vmem>>
    %dma_wait3A_785 = tpu.memref_squeeze %dma_wait3A_784 : memref<1x128xi32, #tpu.memory_space<vmem>> -> memref<128xi32, #tpu.memory_space<vmem>>
    %dma_wait3A_786 = arith.constant 0 : i32
    %dma_wait3A_787 = arith.constant 0 : i32
    %dma_wait3A_788 = tpu.memref_slice %arg2[%dma_wait3A_786, %dma_wait3A_787] : memref<20000x128xf32, #tpu.memory_space<hbm>> -> memref<20000x128xf32, #tpu.memory_space<hbm>>
    tpu.wait_indirect_dma semaphore(%arg17 : memref<!tpu.dma_semaphore, #tpu.memory_space<semaphore_mem>>) src(%dma_wait3A_788 : memref<20000x128xf32, #tpu.memory_space<hbm>>) dst(%arg11 : memref<128x128xf32, #tpu.memory_space<vmem>>)
    %dma_wait3A_789 = arith.constant 0 : i32
    %dma_wait3A_790 = arith.constant 0 : i32
    %dma_wait3A_791 = tpu.memref_slice %arg8[%dma_wait3A_789, %dma_wait3A_790] : memref<40x128xi32, #tpu.memory_space<vmem>> -> memref<1x128xi32, #tpu.memory_space<vmem>>
    %dma_wait3A_792 = tpu.memref_squeeze %dma_wait3A_791 : memref<1x128xi32, #tpu.memory_space<vmem>> -> memref<128xi32, #tpu.memory_space<vmem>>
    %dma_wait3A_793 = arith.constant 0 : i32
    %dma_wait3A_794 = arith.constant 0 : i32
    %dma_wait3A_795 = tpu.memref_slice %arg2[%dma_wait3A_793, %dma_wait3A_794] : memref<20000x128xf32, #tpu.memory_space<hbm>> -> memref<20000x128xf32, #tpu.memory_space<hbm>>
    tpu.wait_indirect_dma semaphore(%arg16 : memref<!tpu.dma_semaphore, #tpu.memory_space<semaphore_mem>>) src(%dma_wait3A_795 : memref<20000x128xf32, #tpu.memory_space<hbm>>) dst(%arg10 : memref<128x128xf32, #tpu.memory_space<vmem>>)
    %dma_wait3A_796 = arith.constant 0 : i32
    %dma_wait3A_797 = arith.constant 0 : i32
    %dma_wait3A_798 = tpu.memref_slice %arg8[%dma_wait3A_796, %dma_wait3A_797] : memref<40x128xi32, #tpu.memory_space<vmem>> -> memref<1x128xi32, #tpu.memory_space<vmem>>
    %dma_wait3A_799 = tpu.memref_squeeze %dma_wait3A_798 : memref<1x128xi32, #tpu.memory_space<vmem>> -> memref<128xi32, #tpu.memory_space<vmem>>
    %dma_wait3A_800 = arith.constant 0 : i32
    %dma_wait3A_801 = arith.constant 0 : i32
    %dma_wait3A_802 = tpu.memref_slice %arg2[%dma_wait3A_800, %dma_wait3A_801] : memref<20000x128xf32, #tpu.memory_space<hbm>> -> memref<20000x128xf32, #tpu.memory_space<hbm>>
    tpu.wait_indirect_dma semaphore(%arg17 : memref<!tpu.dma_semaphore, #tpu.memory_space<semaphore_mem>>) src(%dma_wait3A_802 : memref<20000x128xf32, #tpu.memory_space<hbm>>) dst(%arg11 : memref<128x128xf32, #tpu.memory_space<vmem>>)
    %dma_wait3A_803 = arith.constant 0 : i32
    %dma_wait3A_804 = arith.constant 0 : i32
    %dma_wait3A_805 = tpu.memref_slice %arg8[%dma_wait3A_803, %dma_wait3A_804] : memref<40x128xi32, #tpu.memory_space<vmem>> -> memref<1x128xi32, #tpu.memory_space<vmem>>
    %dma_wait3A_806 = tpu.memref_squeeze %dma_wait3A_805 : memref<1x128xi32, #tpu.memory_space<vmem>> -> memref<128xi32, #tpu.memory_space<vmem>>
    %dma_wait3A_807 = arith.constant 0 : i32
    %dma_wait3A_808 = arith.constant 0 : i32
    %dma_wait3A_809 = tpu.memref_slice %arg2[%dma_wait3A_807, %dma_wait3A_808] : memref<20000x128xf32, #tpu.memory_space<hbm>> -> memref<20000x128xf32, #tpu.memory_space<hbm>>
    tpu.wait_indirect_dma semaphore(%arg16 : memref<!tpu.dma_semaphore, #tpu.memory_space<semaphore_mem>>) src(%dma_wait3A_809 : memref<20000x128xf32, #tpu.memory_space<hbm>>) dst(%arg10 : memref<128x128xf32, #tpu.memory_space<vmem>>)
    %dma_wait3A_810 = arith.constant 0 : i32
    %dma_wait3A_811 = arith.constant 0 : i32
    %dma_wait3A_812 = tpu.memref_slice %arg8[%dma_wait3A_810, %dma_wait3A_811] : memref<40x128xi32, #tpu.memory_space<vmem>> -> memref<1x128xi32, #tpu.memory_space<vmem>>
    %dma_wait3A_813 = tpu.memref_squeeze %dma_wait3A_812 : memref<1x128xi32, #tpu.memory_space<vmem>> -> memref<128xi32, #tpu.memory_space<vmem>>
    %dma_wait3A_814 = arith.constant 0 : i32
    %dma_wait3A_815 = arith.constant 0 : i32
    %dma_wait3A_816 = tpu.memref_slice %arg2[%dma_wait3A_814, %dma_wait3A_815] : memref<20000x128xf32, #tpu.memory_space<hbm>> -> memref<20000x128xf32, #tpu.memory_space<hbm>>
    tpu.wait_indirect_dma semaphore(%arg17 : memref<!tpu.dma_semaphore, #tpu.memory_space<semaphore_mem>>) src(%dma_wait3A_816 : memref<20000x128xf32, #tpu.memory_space<hbm>>) dst(%arg11 : memref<128x128xf32, #tpu.memory_space<vmem>>)
    %dma_wait3A_817 = arith.constant 0 : i32
    %dma_wait3A_818 = arith.constant 0 : i32
    %dma_wait3A_819 = tpu.memref_slice %arg8[%dma_wait3A_817, %dma_wait3A_818] : memref<40x128xi32, #tpu.memory_space<vmem>> -> memref<1x128xi32, #tpu.memory_space<vmem>>
    %dma_wait3A_820 = tpu.memref_squeeze %dma_wait3A_819 : memref<1x128xi32, #tpu.memory_space<vmem>> -> memref<128xi32, #tpu.memory_space<vmem>>
    %dma_wait3A_821 = arith.constant 0 : i32
    %dma_wait3A_822 = arith.constant 0 : i32
    %dma_wait3A_823 = tpu.memref_slice %arg2[%dma_wait3A_821, %dma_wait3A_822] : memref<20000x128xf32, #tpu.memory_space<hbm>> -> memref<20000x128xf32, #tpu.memory_space<hbm>>
    tpu.wait_indirect_dma semaphore(%arg16 : memref<!tpu.dma_semaphore, #tpu.memory_space<semaphore_mem>>) src(%dma_wait3A_823 : memref<20000x128xf32, #tpu.memory_space<hbm>>) dst(%arg10 : memref<128x128xf32, #tpu.memory_space<vmem>>)
    %dma_wait3A_824 = arith.constant 0 : i32
    %dma_wait3A_825 = arith.constant 0 : i32
    %dma_wait3A_826 = tpu.memref_slice %arg8[%dma_wait3A_824, %dma_wait3A_825] : memref<40x128xi32, #tpu.memory_space<vmem>> -> memref<1x128xi32, #tpu.memory_space<vmem>>
    %dma_wait3A_827 = tpu.memref_squeeze %dma_wait3A_826 : memref<1x128xi32, #tpu.memory_space<vmem>> -> memref<128xi32, #tpu.memory_space<vmem>>
    %dma_wait3A_828 = arith.constant 0 : i32
    %dma_wait3A_829 = arith.constant 0 : i32
    %dma_wait3A_830 = tpu.memref_slice %arg2[%dma_wait3A_828, %dma_wait3A_829] : memref<20000x128xf32, #tpu.memory_space<hbm>> -> memref<20000x128xf32, #tpu.memory_space<hbm>>
    tpu.wait_indirect_dma semaphore(%arg17 : memref<!tpu.dma_semaphore, #tpu.memory_space<semaphore_mem>>) src(%dma_wait3A_830 : memref<20000x128xf32, #tpu.memory_space<hbm>>) dst(%arg11 : memref<128x128xf32, #tpu.memory_space<vmem>>)
    %dma_wait3A_831 = arith.constant 0 : i32
    %dma_wait3A_832 = arith.constant 0 : i32
    %dma_wait3A_833 = tpu.memref_slice %arg8[%dma_wait3A_831, %dma_wait3A_832] : memref<40x128xi32, #tpu.memory_space<vmem>> -> memref<1x128xi32, #tpu.memory_space<vmem>>
    %dma_wait3A_834 = tpu.memref_squeeze %dma_wait3A_833 : memref<1x128xi32, #tpu.memory_space<vmem>> -> memref<128xi32, #tpu.memory_space<vmem>>
    %dma_wait3A_835 = arith.constant 0 : i32
    %dma_wait3A_836 = arith.constant 0 : i32
    %dma_wait3A_837 = tpu.memref_slice %arg2[%dma_wait3A_835, %dma_wait3A_836] : memref<20000x128xf32, #tpu.memory_space<hbm>> -> memref<20000x128xf32, #tpu.memory_space<hbm>>
    tpu.wait_indirect_dma semaphore(%arg16 : memref<!tpu.dma_semaphore, #tpu.memory_space<semaphore_mem>>) src(%dma_wait3A_837 : memref<20000x128xf32, #tpu.memory_space<hbm>>) dst(%arg10 : memref<128x128xf32, #tpu.memory_space<vmem>>)
    %dma_wait3A_838 = arith.constant 0 : i32
    %dma_wait3A_839 = arith.constant 0 : i32
    %dma_wait3A_840 = tpu.memref_slice %arg8[%dma_wait3A_838, %dma_wait3A_839] : memref<40x128xi32, #tpu.memory_space<vmem>> -> memref<1x128xi32, #tpu.memory_space<vmem>>
    %dma_wait3A_841 = tpu.memref_squeeze %dma_wait3A_840 : memref<1x128xi32, #tpu.memory_space<vmem>> -> memref<128xi32, #tpu.memory_space<vmem>>
    %dma_wait3A_842 = arith.constant 0 : i32
    %dma_wait3A_843 = arith.constant 0 : i32
    %dma_wait3A_844 = tpu.memref_slice %arg2[%dma_wait3A_842, %dma_wait3A_843] : memref<20000x128xf32, #tpu.memory_space<hbm>> -> memref<20000x128xf32, #tpu.memory_space<hbm>>
    tpu.wait_indirect_dma semaphore(%arg17 : memref<!tpu.dma_semaphore, #tpu.memory_space<semaphore_mem>>) src(%dma_wait3A_844 : memref<20000x128xf32, #tpu.memory_space<hbm>>) dst(%arg11 : memref<128x128xf32, #tpu.memory_space<vmem>>)
    %dma_wait3A_845 = arith.constant 0 : i32
    %dma_wait3A_846 = arith.constant 0 : i32
    %dma_wait3A_847 = tpu.memref_slice %arg8[%dma_wait3A_845, %dma_wait3A_846] : memref<40x128xi32, #tpu.memory_space<vmem>> -> memref<1x128xi32, #tpu.memory_space<vmem>>
    %dma_wait3A_848 = tpu.memref_squeeze %dma_wait3A_847 : memref<1x128xi32, #tpu.memory_space<vmem>> -> memref<128xi32, #tpu.memory_space<vmem>>
    %dma_wait3A_849 = arith.constant 0 : i32
    %dma_wait3A_850 = arith.constant 0 : i32
    %dma_wait3A_851 = tpu.memref_slice %arg2[%dma_wait3A_849, %dma_wait3A_850] : memref<20000x128xf32, #tpu.memory_space<hbm>> -> memref<20000x128xf32, #tpu.memory_space<hbm>>
    tpu.wait_indirect_dma semaphore(%arg16 : memref<!tpu.dma_semaphore, #tpu.memory_space<semaphore_mem>>) src(%dma_wait3A_851 : memref<20000x128xf32, #tpu.memory_space<hbm>>) dst(%arg10 : memref<128x128xf32, #tpu.memory_space<vmem>>)
    %dma_wait3A_852 = arith.constant 0 : i32
    %dma_wait3A_853 = arith.constant 0 : i32
    %dma_wait3A_854 = tpu.memref_slice %arg8[%dma_wait3A_852, %dma_wait3A_853] : memref<40x128xi32, #tpu.memory_space<vmem>> -> memref<1x128xi32, #tpu.memory_space<vmem>>
    %dma_wait3A_855 = tpu.memref_squeeze %dma_wait3A_854 : memref<1x128xi32, #tpu.memory_space<vmem>> -> memref<128xi32, #tpu.memory_space<vmem>>
    %dma_wait3A_856 = arith.constant 0 : i32
    %dma_wait3A_857 = arith.constant 0 : i32
    %dma_wait3A_858 = tpu.memref_slice %arg2[%dma_wait3A_856, %dma_wait3A_857] : memref<20000x128xf32, #tpu.memory_space<hbm>> -> memref<20000x128xf32, #tpu.memory_space<hbm>>
    tpu.wait_indirect_dma semaphore(%arg17 : memref<!tpu.dma_semaphore, #tpu.memory_space<semaphore_mem>>) src(%dma_wait3A_858 : memref<20000x128xf32, #tpu.memory_space<hbm>>) dst(%arg11 : memref<128x128xf32, #tpu.memory_space<vmem>>)
    "tpu.region"() ({
      %run_scoped3A = tpu.sem_alloc : memref<!tpu.dma_semaphore, #tpu.memory_space<semaphore_mem>>
      %dma_start3A = arith.constant 80 : i32
      %dma_start3A_1435 = arith.constant 0 : i32
      %dma_start3A_1436 = tpu.memref_slice %arg3[%add3A, %dma_start3A, %dma_start3A_1435] : memref<32x160x128xi32, #tpu.memory_space<hbm>> -> memref<1x40x128xi32, #tpu.memory_space<hbm>>
      %dma_start3A_1437 = tpu.memref_squeeze %dma_start3A_1436 : memref<1x40x128xi32, #tpu.memory_space<hbm>> -> memref<40x128xi32, #tpu.memory_space<hbm>>
      %dma_start3A_1438 = arith.constant 80 : i32
      %dma_start3A_1439 = arith.constant 0 : i32
      %dma_start3A_1440 = tpu.memref_slice %arg3[%add3A, %dma_start3A_1438, %dma_start3A_1439] : memref<32x160x128xi32, #tpu.memory_space<hbm>> -> memref<1x40x128xi32, #tpu.memory_space<hbm>>
      %dma_start3A_1441 = tpu.memref_squeeze %dma_start3A_1440 : memref<1x40x128xi32, #tpu.memory_space<hbm>> -> memref<40x128xi32, #tpu.memory_space<hbm>>
      tpu.enqueue_dma source(%dma_start3A_1441 : memref<40x128xi32, #tpu.memory_space<hbm>>) target(%arg8 : memref<40x128xi32, #tpu.memory_space<vmem>>) target_semaphore(%run_scoped3A : memref<!tpu.dma_semaphore, #tpu.memory_space<semaphore_mem>>)
      %dma_wait3A_1442 = arith.constant 80 : i32
      %dma_wait3A_1443 = arith.constant 0 : i32
      %dma_wait3A_1444 = tpu.memref_slice %arg3[%add3A, %dma_wait3A_1442, %dma_wait3A_1443] : memref<32x160x128xi32, #tpu.memory_space<hbm>> -> memref<1x40x128xi32, #tpu.memory_space<hbm>>
      %dma_wait3A_1445 = tpu.memref_squeeze %dma_wait3A_1444 : memref<1x40x128xi32, #tpu.memory_space<hbm>> -> memref<40x128xi32, #tpu.memory_space<hbm>>
      %dma_wait3A_1446 = arith.constant 80 : i32
      %dma_wait3A_1447 = arith.constant 0 : i32
      %dma_wait3A_1448 = tpu.memref_slice %arg3[%add3A, %dma_wait3A_1446, %dma_wait3A_1447] : memref<32x160x128xi32, #tpu.memory_space<hbm>> -> memref<1x40x128xi32, #tpu.memory_space<hbm>>
      %dma_wait3A_1449 = tpu.memref_squeeze %dma_wait3A_1448 : memref<1x40x128xi32, #tpu.memory_space<hbm>> -> memref<40x128xi32, #tpu.memory_space<hbm>>
      tpu.wait_dma2 semaphore(%run_scoped3A : memref<!tpu.dma_semaphore, #tpu.memory_space<semaphore_mem>>) src(%dma_wait3A_1449 : memref<40x128xi32, #tpu.memory_space<hbm>>) dst(%arg8 : memref<40x128xi32, #tpu.memory_space<vmem>>)
      tpu.yield
    }) : () -> ()
    "tpu.region"() ({
      %run_scoped3A = tpu.sem_alloc : memref<!tpu.dma_semaphore, #tpu.memory_space<semaphore_mem>>
      %dma_start3A = arith.constant 80 : i32
      %dma_start3A_1435 = arith.constant 0 : i32
      %dma_start3A_1436 = tpu.memref_slice %arg4[%add3A, %dma_start3A, %dma_start3A_1435] : memref<32x160x128xi32, #tpu.memory_space<hbm>> -> memref<1x40x128xi32, #tpu.memory_space<hbm>>
      %dma_start3A_1437 = tpu.memref_squeeze %dma_start3A_1436 : memref<1x40x128xi32, #tpu.memory_space<hbm>> -> memref<40x128xi32, #tpu.memory_space<hbm>>
      %dma_start3A_1438 = arith.constant 80 : i32
      %dma_start3A_1439 = arith.constant 0 : i32
      %dma_start3A_1440 = tpu.memref_slice %arg4[%add3A, %dma_start3A_1438, %dma_start3A_1439] : memref<32x160x128xi32, #tpu.memory_space<hbm>> -> memref<1x40x128xi32, #tpu.memory_space<hbm>>
      %dma_start3A_1441 = tpu.memref_squeeze %dma_start3A_1440 : memref<1x40x128xi32, #tpu.memory_space<hbm>> -> memref<40x128xi32, #tpu.memory_space<hbm>>
      tpu.enqueue_dma source(%dma_start3A_1441 : memref<40x128xi32, #tpu.memory_space<hbm>>) target(%arg9 : memref<40x128xi32, #tpu.memory_space<vmem>>) target_semaphore(%run_scoped3A : memref<!tpu.dma_semaphore, #tpu.memory_space<semaphore_mem>>)
      %dma_wait3A_1442 = arith.constant 80 : i32
      %dma_wait3A_1443 = arith.constant 0 : i32
      %dma_wait3A_1444 = tpu.memref_slice %arg4[%add3A, %dma_wait3A_1442, %dma_wait3A_1443] : memref<32x160x128xi32, #tpu.memory_space<hbm>> -> memref<1x40x128xi32, #tpu.memory_space<hbm>>
      %dma_wait3A_1445 = tpu.memref_squeeze %dma_wait3A_1444 : memref<1x40x128xi32, #tpu.memory_space<hbm>> -> memref<40x128xi32, #tpu.memory_space<hbm>>
      %dma_wait3A_1446 = arith.constant 80 : i32
      %dma_wait3A_1447 = arith.constant 0 : i32
      %dma_wait3A_1448 = tpu.memref_slice %arg4[%add3A, %dma_wait3A_1446, %dma_wait3A_1447] : memref<32x160x128xi32, #tpu.memory_space<hbm>> -> memref<1x40x128xi32, #tpu.memory_space<hbm>>
      %dma_wait3A_1449 = tpu.memref_squeeze %dma_wait3A_1448 : memref<1x40x128xi32, #tpu.memory_space<hbm>> -> memref<40x128xi32, #tpu.memory_space<hbm>>
      tpu.wait_dma2 semaphore(%run_scoped3A : memref<!tpu.dma_semaphore, #tpu.memory_space<semaphore_mem>>) src(%dma_wait3A_1449 : memref<40x128xi32, #tpu.memory_space<hbm>>) dst(%arg9 : memref<40x128xi32, #tpu.memory_space<vmem>>)
      tpu.yield
    }) : () -> ()
    %scan3A_859 = arith.constant 0 : i32
    %scan3A_860 = arith.constant 0 : i32
    %scan3A_861 = arith.constant 20 : i32
    %scan3A_862 = arith.addi %scan3A_860, %scan3A_861 : i32
    %scan3A_863 = arith.constant 1 : i32
    scf.for %scan3A_1435 = %scan3A_860 to %scan3A_862 step %scan3A_863  : i32 {
      %mul3A_1436 = arith.constant 2 : i32
      %mul3A_1437 = arith.muli %mul3A_1436, %scan3A_1435 : i32
      %dma_start3A = arith.constant 0 : i32
      %dma_start3A_1438 = tpu.memref_slice %arg8[%mul3A_1437, %dma_start3A] : memref<40x128xi32, #tpu.memory_space<vmem>> -> memref<1x128xi32, #tpu.memory_space<vmem>>
      %dma_start3A_1439 = tpu.memref_squeeze %dma_start3A_1438 : memref<1x128xi32, #tpu.memory_space<vmem>> -> memref<128xi32, #tpu.memory_space<vmem>>
      %dma_start3A_1440 = arith.constant 0 : i32
      %dma_start3A_1441 = arith.constant 0 : i32
      %dma_start3A_1442 = tpu.memref_slice %arg2[%dma_start3A_1440, %dma_start3A_1441] : memref<20000x128xf32, #tpu.memory_space<hbm>> -> memref<20000x128xf32, #tpu.memory_space<hbm>>
      tpu.enqueue_indirect_dma source(%dma_start3A_1442 : memref<20000x128xf32, #tpu.memory_space<hbm>>) target(%arg10 : memref<128x128xf32, #tpu.memory_space<vmem>>) offsets(%dma_start3A_1439 : memref<128xi32, #tpu.memory_space<vmem>>) semaphore(%arg16 : memref<!tpu.dma_semaphore, #tpu.memory_space<semaphore_mem>>)
      %mul3A_1443 = arith.constant 2 : i32
      %mul3A_1444 = arith.muli %mul3A_1443, %scan3A_1435 : i32
      %add3A_1445 = arith.constant 1 : i32
      %add3A_1446 = arith.addi %mul3A_1444, %add3A_1445 : i32
      %dma_start3A_1447 = arith.constant 0 : i32
      %dma_start3A_1448 = tpu.memref_slice %arg8[%add3A_1446, %dma_start3A_1447] : memref<40x128xi32, #tpu.memory_space<vmem>> -> memref<1x128xi32, #tpu.memory_space<vmem>>
      %dma_start3A_1449 = tpu.memref_squeeze %dma_start3A_1448 : memref<1x128xi32, #tpu.memory_space<vmem>> -> memref<128xi32, #tpu.memory_space<vmem>>
      %dma_start3A_1450 = arith.constant 0 : i32
      %dma_start3A_1451 = arith.constant 0 : i32
      %dma_start3A_1452 = tpu.memref_slice %arg2[%dma_start3A_1450, %dma_start3A_1451] : memref<20000x128xf32, #tpu.memory_space<hbm>> -> memref<20000x128xf32, #tpu.memory_space<hbm>>
      tpu.enqueue_indirect_dma source(%dma_start3A_1452 : memref<20000x128xf32, #tpu.memory_space<hbm>>) target(%arg11 : memref<128x128xf32, #tpu.memory_space<vmem>>) offsets(%dma_start3A_1449 : memref<128xi32, #tpu.memory_space<vmem>>) semaphore(%arg17 : memref<!tpu.dma_semaphore, #tpu.memory_space<semaphore_mem>>)
    }
    %scan3A_864 = arith.constant 20 : i32
    %dma_wait3A_865 = arith.constant 0 : i32
    %dma_wait3A_866 = arith.constant 0 : i32
    %dma_wait3A_867 = tpu.memref_slice %arg8[%dma_wait3A_865, %dma_wait3A_866] : memref<40x128xi32, #tpu.memory_space<vmem>> -> memref<1x128xi32, #tpu.memory_space<vmem>>
    %dma_wait3A_868 = tpu.memref_squeeze %dma_wait3A_867 : memref<1x128xi32, #tpu.memory_space<vmem>> -> memref<128xi32, #tpu.memory_space<vmem>>
    %dma_wait3A_869 = arith.constant 0 : i32
    %dma_wait3A_870 = arith.constant 0 : i32
    %dma_wait3A_871 = tpu.memref_slice %arg2[%dma_wait3A_869, %dma_wait3A_870] : memref<20000x128xf32, #tpu.memory_space<hbm>> -> memref<20000x128xf32, #tpu.memory_space<hbm>>
    tpu.wait_indirect_dma semaphore(%arg16 : memref<!tpu.dma_semaphore, #tpu.memory_space<semaphore_mem>>) src(%dma_wait3A_871 : memref<20000x128xf32, #tpu.memory_space<hbm>>) dst(%arg10 : memref<128x128xf32, #tpu.memory_space<vmem>>)
    %dma_wait3A_872 = arith.constant 0 : i32
    %dma_wait3A_873 = arith.constant 0 : i32
    %dma_wait3A_874 = tpu.memref_slice %arg8[%dma_wait3A_872, %dma_wait3A_873] : memref<40x128xi32, #tpu.memory_space<vmem>> -> memref<1x128xi32, #tpu.memory_space<vmem>>
    %dma_wait3A_875 = tpu.memref_squeeze %dma_wait3A_874 : memref<1x128xi32, #tpu.memory_space<vmem>> -> memref<128xi32, #tpu.memory_space<vmem>>
    %dma_wait3A_876 = arith.constant 0 : i32
    %dma_wait3A_877 = arith.constant 0 : i32
    %dma_wait3A_878 = tpu.memref_slice %arg2[%dma_wait3A_876, %dma_wait3A_877] : memref<20000x128xf32, #tpu.memory_space<hbm>> -> memref<20000x128xf32, #tpu.memory_space<hbm>>
    tpu.wait_indirect_dma semaphore(%arg17 : memref<!tpu.dma_semaphore, #tpu.memory_space<semaphore_mem>>) src(%dma_wait3A_878 : memref<20000x128xf32, #tpu.memory_space<hbm>>) dst(%arg11 : memref<128x128xf32, #tpu.memory_space<vmem>>)
    %dma_wait3A_879 = arith.constant 0 : i32
    %dma_wait3A_880 = arith.constant 0 : i32
    %dma_wait3A_881 = tpu.memref_slice %arg8[%dma_wait3A_879, %dma_wait3A_880] : memref<40x128xi32, #tpu.memory_space<vmem>> -> memref<1x128xi32, #tpu.memory_space<vmem>>
    %dma_wait3A_882 = tpu.memref_squeeze %dma_wait3A_881 : memref<1x128xi32, #tpu.memory_space<vmem>> -> memref<128xi32, #tpu.memory_space<vmem>>
    %dma_wait3A_883 = arith.constant 0 : i32
    %dma_wait3A_884 = arith.constant 0 : i32
    %dma_wait3A_885 = tpu.memref_slice %arg2[%dma_wait3A_883, %dma_wait3A_884] : memref<20000x128xf32, #tpu.memory_space<hbm>> -> memref<20000x128xf32, #tpu.memory_space<hbm>>
    tpu.wait_indirect_dma semaphore(%arg16 : memref<!tpu.dma_semaphore, #tpu.memory_space<semaphore_mem>>) src(%dma_wait3A_885 : memref<20000x128xf32, #tpu.memory_space<hbm>>) dst(%arg10 : memref<128x128xf32, #tpu.memory_space<vmem>>)
    %dma_wait3A_886 = arith.constant 0 : i32
    %dma_wait3A_887 = arith.constant 0 : i32
    %dma_wait3A_888 = tpu.memref_slice %arg8[%dma_wait3A_886, %dma_wait3A_887] : memref<40x128xi32, #tpu.memory_space<vmem>> -> memref<1x128xi32, #tpu.memory_space<vmem>>
    %dma_wait3A_889 = tpu.memref_squeeze %dma_wait3A_888 : memref<1x128xi32, #tpu.memory_space<vmem>> -> memref<128xi32, #tpu.memory_space<vmem>>
    %dma_wait3A_890 = arith.constant 0 : i32
    %dma_wait3A_891 = arith.constant 0 : i32
    %dma_wait3A_892 = tpu.memref_slice %arg2[%dma_wait3A_890, %dma_wait3A_891] : memref<20000x128xf32, #tpu.memory_space<hbm>> -> memref<20000x128xf32, #tpu.memory_space<hbm>>
    tpu.wait_indirect_dma semaphore(%arg17 : memref<!tpu.dma_semaphore, #tpu.memory_space<semaphore_mem>>) src(%dma_wait3A_892 : memref<20000x128xf32, #tpu.memory_space<hbm>>) dst(%arg11 : memref<128x128xf32, #tpu.memory_space<vmem>>)
    %dma_wait3A_893 = arith.constant 0 : i32
    %dma_wait3A_894 = arith.constant 0 : i32
    %dma_wait3A_895 = tpu.memref_slice %arg8[%dma_wait3A_893, %dma_wait3A_894] : memref<40x128xi32, #tpu.memory_space<vmem>> -> memref<1x128xi32, #tpu.memory_space<vmem>>
    %dma_wait3A_896 = tpu.memref_squeeze %dma_wait3A_895 : memref<1x128xi32, #tpu.memory_space<vmem>> -> memref<128xi32, #tpu.memory_space<vmem>>
    %dma_wait3A_897 = arith.constant 0 : i32
    %dma_wait3A_898 = arith.constant 0 : i32
    %dma_wait3A_899 = tpu.memref_slice %arg2[%dma_wait3A_897, %dma_wait3A_898] : memref<20000x128xf32, #tpu.memory_space<hbm>> -> memref<20000x128xf32, #tpu.memory_space<hbm>>
    tpu.wait_indirect_dma semaphore(%arg16 : memref<!tpu.dma_semaphore, #tpu.memory_space<semaphore_mem>>) src(%dma_wait3A_899 : memref<20000x128xf32, #tpu.memory_space<hbm>>) dst(%arg10 : memref<128x128xf32, #tpu.memory_space<vmem>>)
    %dma_wait3A_900 = arith.constant 0 : i32
    %dma_wait3A_901 = arith.constant 0 : i32
    %dma_wait3A_902 = tpu.memref_slice %arg8[%dma_wait3A_900, %dma_wait3A_901] : memref<40x128xi32, #tpu.memory_space<vmem>> -> memref<1x128xi32, #tpu.memory_space<vmem>>
    %dma_wait3A_903 = tpu.memref_squeeze %dma_wait3A_902 : memref<1x128xi32, #tpu.memory_space<vmem>> -> memref<128xi32, #tpu.memory_space<vmem>>
    %dma_wait3A_904 = arith.constant 0 : i32
    %dma_wait3A_905 = arith.constant 0 : i32
    %dma_wait3A_906 = tpu.memref_slice %arg2[%dma_wait3A_904, %dma_wait3A_905] : memref<20000x128xf32, #tpu.memory_space<hbm>> -> memref<20000x128xf32, #tpu.memory_space<hbm>>
    tpu.wait_indirect_dma semaphore(%arg17 : memref<!tpu.dma_semaphore, #tpu.memory_space<semaphore_mem>>) src(%dma_wait3A_906 : memref<20000x128xf32, #tpu.memory_space<hbm>>) dst(%arg11 : memref<128x128xf32, #tpu.memory_space<vmem>>)
    %dma_wait3A_907 = arith.constant 0 : i32
    %dma_wait3A_908 = arith.constant 0 : i32
    %dma_wait3A_909 = tpu.memref_slice %arg8[%dma_wait3A_907, %dma_wait3A_908] : memref<40x128xi32, #tpu.memory_space<vmem>> -> memref<1x128xi32, #tpu.memory_space<vmem>>
    %dma_wait3A_910 = tpu.memref_squeeze %dma_wait3A_909 : memref<1x128xi32, #tpu.memory_space<vmem>> -> memref<128xi32, #tpu.memory_space<vmem>>
    %dma_wait3A_911 = arith.constant 0 : i32
    %dma_wait3A_912 = arith.constant 0 : i32
    %dma_wait3A_913 = tpu.memref_slice %arg2[%dma_wait3A_911, %dma_wait3A_912] : memref<20000x128xf32, #tpu.memory_space<hbm>> -> memref<20000x128xf32, #tpu.memory_space<hbm>>
    tpu.wait_indirect_dma semaphore(%arg16 : memref<!tpu.dma_semaphore, #tpu.memory_space<semaphore_mem>>) src(%dma_wait3A_913 : memref<20000x128xf32, #tpu.memory_space<hbm>>) dst(%arg10 : memref<128x128xf32, #tpu.memory_space<vmem>>)
    %dma_wait3A_914 = arith.constant 0 : i32
    %dma_wait3A_915 = arith.constant 0 : i32
    %dma_wait3A_916 = tpu.memref_slice %arg8[%dma_wait3A_914, %dma_wait3A_915] : memref<40x128xi32, #tpu.memory_space<vmem>> -> memref<1x128xi32, #tpu.memory_space<vmem>>
    %dma_wait3A_917 = tpu.memref_squeeze %dma_wait3A_916 : memref<1x128xi32, #tpu.memory_space<vmem>> -> memref<128xi32, #tpu.memory_space<vmem>>
    %dma_wait3A_918 = arith.constant 0 : i32
    %dma_wait3A_919 = arith.constant 0 : i32
    %dma_wait3A_920 = tpu.memref_slice %arg2[%dma_wait3A_918, %dma_wait3A_919] : memref<20000x128xf32, #tpu.memory_space<hbm>> -> memref<20000x128xf32, #tpu.memory_space<hbm>>
    tpu.wait_indirect_dma semaphore(%arg17 : memref<!tpu.dma_semaphore, #tpu.memory_space<semaphore_mem>>) src(%dma_wait3A_920 : memref<20000x128xf32, #tpu.memory_space<hbm>>) dst(%arg11 : memref<128x128xf32, #tpu.memory_space<vmem>>)
    %dma_wait3A_921 = arith.constant 0 : i32
    %dma_wait3A_922 = arith.constant 0 : i32
    %dma_wait3A_923 = tpu.memref_slice %arg8[%dma_wait3A_921, %dma_wait3A_922] : memref<40x128xi32, #tpu.memory_space<vmem>> -> memref<1x128xi32, #tpu.memory_space<vmem>>
    %dma_wait3A_924 = tpu.memref_squeeze %dma_wait3A_923 : memref<1x128xi32, #tpu.memory_space<vmem>> -> memref<128xi32, #tpu.memory_space<vmem>>
    %dma_wait3A_925 = arith.constant 0 : i32
    %dma_wait3A_926 = arith.constant 0 : i32
    %dma_wait3A_927 = tpu.memref_slice %arg2[%dma_wait3A_925, %dma_wait3A_926] : memref<20000x128xf32, #tpu.memory_space<hbm>> -> memref<20000x128xf32, #tpu.memory_space<hbm>>
    tpu.wait_indirect_dma semaphore(%arg16 : memref<!tpu.dma_semaphore, #tpu.memory_space<semaphore_mem>>) src(%dma_wait3A_927 : memref<20000x128xf32, #tpu.memory_space<hbm>>) dst(%arg10 : memref<128x128xf32, #tpu.memory_space<vmem>>)
    %dma_wait3A_928 = arith.constant 0 : i32
    %dma_wait3A_929 = arith.constant 0 : i32
    %dma_wait3A_930 = tpu.memref_slice %arg8[%dma_wait3A_928, %dma_wait3A_929] : memref<40x128xi32, #tpu.memory_space<vmem>> -> memref<1x128xi32, #tpu.memory_space<vmem>>
    %dma_wait3A_931 = tpu.memref_squeeze %dma_wait3A_930 : memref<1x128xi32, #tpu.memory_space<vmem>> -> memref<128xi32, #tpu.memory_space<vmem>>
    %dma_wait3A_932 = arith.constant 0 : i32
    %dma_wait3A_933 = arith.constant 0 : i32
    %dma_wait3A_934 = tpu.memref_slice %arg2[%dma_wait3A_932, %dma_wait3A_933] : memref<20000x128xf32, #tpu.memory_space<hbm>> -> memref<20000x128xf32, #tpu.memory_space<hbm>>
    tpu.wait_indirect_dma semaphore(%arg17 : memref<!tpu.dma_semaphore, #tpu.memory_space<semaphore_mem>>) src(%dma_wait3A_934 : memref<20000x128xf32, #tpu.memory_space<hbm>>) dst(%arg11 : memref<128x128xf32, #tpu.memory_space<vmem>>)
    %dma_wait3A_935 = arith.constant 0 : i32
    %dma_wait3A_936 = arith.constant 0 : i32
    %dma_wait3A_937 = tpu.memref_slice %arg8[%dma_wait3A_935, %dma_wait3A_936] : memref<40x128xi32, #tpu.memory_space<vmem>> -> memref<1x128xi32, #tpu.memory_space<vmem>>
    %dma_wait3A_938 = tpu.memref_squeeze %dma_wait3A_937 : memref<1x128xi32, #tpu.memory_space<vmem>> -> memref<128xi32, #tpu.memory_space<vmem>>
    %dma_wait3A_939 = arith.constant 0 : i32
    %dma_wait3A_940 = arith.constant 0 : i32
    %dma_wait3A_941 = tpu.memref_slice %arg2[%dma_wait3A_939, %dma_wait3A_940] : memref<20000x128xf32, #tpu.memory_space<hbm>> -> memref<20000x128xf32, #tpu.memory_space<hbm>>
    tpu.wait_indirect_dma semaphore(%arg16 : memref<!tpu.dma_semaphore, #tpu.memory_space<semaphore_mem>>) src(%dma_wait3A_941 : memref<20000x128xf32, #tpu.memory_space<hbm>>) dst(%arg10 : memref<128x128xf32, #tpu.memory_space<vmem>>)
    %dma_wait3A_942 = arith.constant 0 : i32
    %dma_wait3A_943 = arith.constant 0 : i32
    %dma_wait3A_944 = tpu.memref_slice %arg8[%dma_wait3A_942, %dma_wait3A_943] : memref<40x128xi32, #tpu.memory_space<vmem>> -> memref<1x128xi32, #tpu.memory_space<vmem>>
    %dma_wait3A_945 = tpu.memref_squeeze %dma_wait3A_944 : memref<1x128xi32, #tpu.memory_space<vmem>> -> memref<128xi32, #tpu.memory_space<vmem>>
    %dma_wait3A_946 = arith.constant 0 : i32
    %dma_wait3A_947 = arith.constant 0 : i32
    %dma_wait3A_948 = tpu.memref_slice %arg2[%dma_wait3A_946, %dma_wait3A_947] : memref<20000x128xf32, #tpu.memory_space<hbm>> -> memref<20000x128xf32, #tpu.memory_space<hbm>>
    tpu.wait_indirect_dma semaphore(%arg17 : memref<!tpu.dma_semaphore, #tpu.memory_space<semaphore_mem>>) src(%dma_wait3A_948 : memref<20000x128xf32, #tpu.memory_space<hbm>>) dst(%arg11 : memref<128x128xf32, #tpu.memory_space<vmem>>)
    %dma_wait3A_949 = arith.constant 0 : i32
    %dma_wait3A_950 = arith.constant 0 : i32
    %dma_wait3A_951 = tpu.memref_slice %arg8[%dma_wait3A_949, %dma_wait3A_950] : memref<40x128xi32, #tpu.memory_space<vmem>> -> memref<1x128xi32, #tpu.memory_space<vmem>>
    %dma_wait3A_952 = tpu.memref_squeeze %dma_wait3A_951 : memref<1x128xi32, #tpu.memory_space<vmem>> -> memref<128xi32, #tpu.memory_space<vmem>>
    %dma_wait3A_953 = arith.constant 0 : i32
    %dma_wait3A_954 = arith.constant 0 : i32
    %dma_wait3A_955 = tpu.memref_slice %arg2[%dma_wait3A_953, %dma_wait3A_954] : memref<20000x128xf32, #tpu.memory_space<hbm>> -> memref<20000x128xf32, #tpu.memory_space<hbm>>
    tpu.wait_indirect_dma semaphore(%arg16 : memref<!tpu.dma_semaphore, #tpu.memory_space<semaphore_mem>>) src(%dma_wait3A_955 : memref<20000x128xf32, #tpu.memory_space<hbm>>) dst(%arg10 : memref<128x128xf32, #tpu.memory_space<vmem>>)
    %dma_wait3A_956 = arith.constant 0 : i32
    %dma_wait3A_957 = arith.constant 0 : i32
    %dma_wait3A_958 = tpu.memref_slice %arg8[%dma_wait3A_956, %dma_wait3A_957] : memref<40x128xi32, #tpu.memory_space<vmem>> -> memref<1x128xi32, #tpu.memory_space<vmem>>
    %dma_wait3A_959 = tpu.memref_squeeze %dma_wait3A_958 : memref<1x128xi32, #tpu.memory_space<vmem>> -> memref<128xi32, #tpu.memory_space<vmem>>
    %dma_wait3A_960 = arith.constant 0 : i32
    %dma_wait3A_961 = arith.constant 0 : i32
    %dma_wait3A_962 = tpu.memref_slice %arg2[%dma_wait3A_960, %dma_wait3A_961] : memref<20000x128xf32, #tpu.memory_space<hbm>> -> memref<20000x128xf32, #tpu.memory_space<hbm>>
    tpu.wait_indirect_dma semaphore(%arg17 : memref<!tpu.dma_semaphore, #tpu.memory_space<semaphore_mem>>) src(%dma_wait3A_962 : memref<20000x128xf32, #tpu.memory_space<hbm>>) dst(%arg11 : memref<128x128xf32, #tpu.memory_space<vmem>>)
    %dma_wait3A_963 = arith.constant 0 : i32
    %dma_wait3A_964 = arith.constant 0 : i32
    %dma_wait3A_965 = tpu.memref_slice %arg8[%dma_wait3A_963, %dma_wait3A_964] : memref<40x128xi32, #tpu.memory_space<vmem>> -> memref<1x128xi32, #tpu.memory_space<vmem>>
    %dma_wait3A_966 = tpu.memref_squeeze %dma_wait3A_965 : memref<1x128xi32, #tpu.memory_space<vmem>> -> memref<128xi32, #tpu.memory_space<vmem>>
    %dma_wait3A_967 = arith.constant 0 : i32
    %dma_wait3A_968 = arith.constant 0 : i32
    %dma_wait3A_969 = tpu.memref_slice %arg2[%dma_wait3A_967, %dma_wait3A_968] : memref<20000x128xf32, #tpu.memory_space<hbm>> -> memref<20000x128xf32, #tpu.memory_space<hbm>>
    tpu.wait_indirect_dma semaphore(%arg16 : memref<!tpu.dma_semaphore, #tpu.memory_space<semaphore_mem>>) src(%dma_wait3A_969 : memref<20000x128xf32, #tpu.memory_space<hbm>>) dst(%arg10 : memref<128x128xf32, #tpu.memory_space<vmem>>)
    %dma_wait3A_970 = arith.constant 0 : i32
    %dma_wait3A_971 = arith.constant 0 : i32
    %dma_wait3A_972 = tpu.memref_slice %arg8[%dma_wait3A_970, %dma_wait3A_971] : memref<40x128xi32, #tpu.memory_space<vmem>> -> memref<1x128xi32, #tpu.memory_space<vmem>>
    %dma_wait3A_973 = tpu.memref_squeeze %dma_wait3A_972 : memref<1x128xi32, #tpu.memory_space<vmem>> -> memref<128xi32, #tpu.memory_space<vmem>>
    %dma_wait3A_974 = arith.constant 0 : i32
    %dma_wait3A_975 = arith.constant 0 : i32
    %dma_wait3A_976 = tpu.memref_slice %arg2[%dma_wait3A_974, %dma_wait3A_975] : memref<20000x128xf32, #tpu.memory_space<hbm>> -> memref<20000x128xf32, #tpu.memory_space<hbm>>
    tpu.wait_indirect_dma semaphore(%arg17 : memref<!tpu.dma_semaphore, #tpu.memory_space<semaphore_mem>>) src(%dma_wait3A_976 : memref<20000x128xf32, #tpu.memory_space<hbm>>) dst(%arg11 : memref<128x128xf32, #tpu.memory_space<vmem>>)
    %dma_wait3A_977 = arith.constant 0 : i32
    %dma_wait3A_978 = arith.constant 0 : i32
    %dma_wait3A_979 = tpu.memref_slice %arg8[%dma_wait3A_977, %dma_wait3A_978] : memref<40x128xi32, #tpu.memory_space<vmem>> -> memref<1x128xi32, #tpu.memory_space<vmem>>
    %dma_wait3A_980 = tpu.memref_squeeze %dma_wait3A_979 : memref<1x128xi32, #tpu.memory_space<vmem>> -> memref<128xi32, #tpu.memory_space<vmem>>
    %dma_wait3A_981 = arith.constant 0 : i32
    %dma_wait3A_982 = arith.constant 0 : i32
    %dma_wait3A_983 = tpu.memref_slice %arg2[%dma_wait3A_981, %dma_wait3A_982] : memref<20000x128xf32, #tpu.memory_space<hbm>> -> memref<20000x128xf32, #tpu.memory_space<hbm>>
    tpu.wait_indirect_dma semaphore(%arg16 : memref<!tpu.dma_semaphore, #tpu.memory_space<semaphore_mem>>) src(%dma_wait3A_983 : memref<20000x128xf32, #tpu.memory_space<hbm>>) dst(%arg10 : memref<128x128xf32, #tpu.memory_space<vmem>>)
    %dma_wait3A_984 = arith.constant 0 : i32
    %dma_wait3A_985 = arith.constant 0 : i32
    %dma_wait3A_986 = tpu.memref_slice %arg8[%dma_wait3A_984, %dma_wait3A_985] : memref<40x128xi32, #tpu.memory_space<vmem>> -> memref<1x128xi32, #tpu.memory_space<vmem>>
    %dma_wait3A_987 = tpu.memref_squeeze %dma_wait3A_986 : memref<1x128xi32, #tpu.memory_space<vmem>> -> memref<128xi32, #tpu.memory_space<vmem>>
    %dma_wait3A_988 = arith.constant 0 : i32
    %dma_wait3A_989 = arith.constant 0 : i32
    %dma_wait3A_990 = tpu.memref_slice %arg2[%dma_wait3A_988, %dma_wait3A_989] : memref<20000x128xf32, #tpu.memory_space<hbm>> -> memref<20000x128xf32, #tpu.memory_space<hbm>>
    tpu.wait_indirect_dma semaphore(%arg17 : memref<!tpu.dma_semaphore, #tpu.memory_space<semaphore_mem>>) src(%dma_wait3A_990 : memref<20000x128xf32, #tpu.memory_space<hbm>>) dst(%arg11 : memref<128x128xf32, #tpu.memory_space<vmem>>)
    %dma_wait3A_991 = arith.constant 0 : i32
    %dma_wait3A_992 = arith.constant 0 : i32
    %dma_wait3A_993 = tpu.memref_slice %arg8[%dma_wait3A_991, %dma_wait3A_992] : memref<40x128xi32, #tpu.memory_space<vmem>> -> memref<1x128xi32, #tpu.memory_space<vmem>>
    %dma_wait3A_994 = tpu.memref_squeeze %dma_wait3A_993 : memref<1x128xi32, #tpu.memory_space<vmem>> -> memref<128xi32, #tpu.memory_space<vmem>>
    %dma_wait3A_995 = arith.constant 0 : i32
    %dma_wait3A_996 = arith.constant 0 : i32
    %dma_wait3A_997 = tpu.memref_slice %arg2[%dma_wait3A_995, %dma_wait3A_996] : memref<20000x128xf32, #tpu.memory_space<hbm>> -> memref<20000x128xf32, #tpu.memory_space<hbm>>
    tpu.wait_indirect_dma semaphore(%arg16 : memref<!tpu.dma_semaphore, #tpu.memory_space<semaphore_mem>>) src(%dma_wait3A_997 : memref<20000x128xf32, #tpu.memory_space<hbm>>) dst(%arg10 : memref<128x128xf32, #tpu.memory_space<vmem>>)
    %dma_wait3A_998 = arith.constant 0 : i32
    %dma_wait3A_999 = arith.constant 0 : i32
    %dma_wait3A_1000 = tpu.memref_slice %arg8[%dma_wait3A_998, %dma_wait3A_999] : memref<40x128xi32, #tpu.memory_space<vmem>> -> memref<1x128xi32, #tpu.memory_space<vmem>>
    %dma_wait3A_1001 = tpu.memref_squeeze %dma_wait3A_1000 : memref<1x128xi32, #tpu.memory_space<vmem>> -> memref<128xi32, #tpu.memory_space<vmem>>
    %dma_wait3A_1002 = arith.constant 0 : i32
    %dma_wait3A_1003 = arith.constant 0 : i32
    %dma_wait3A_1004 = tpu.memref_slice %arg2[%dma_wait3A_1002, %dma_wait3A_1003] : memref<20000x128xf32, #tpu.memory_space<hbm>> -> memref<20000x128xf32, #tpu.memory_space<hbm>>
    tpu.wait_indirect_dma semaphore(%arg17 : memref<!tpu.dma_semaphore, #tpu.memory_space<semaphore_mem>>) src(%dma_wait3A_1004 : memref<20000x128xf32, #tpu.memory_space<hbm>>) dst(%arg11 : memref<128x128xf32, #tpu.memory_space<vmem>>)
    %dma_wait3A_1005 = arith.constant 0 : i32
    %dma_wait3A_1006 = arith.constant 0 : i32
    %dma_wait3A_1007 = tpu.memref_slice %arg8[%dma_wait3A_1005, %dma_wait3A_1006] : memref<40x128xi32, #tpu.memory_space<vmem>> -> memref<1x128xi32, #tpu.memory_space<vmem>>
    %dma_wait3A_1008 = tpu.memref_squeeze %dma_wait3A_1007 : memref<1x128xi32, #tpu.memory_space<vmem>> -> memref<128xi32, #tpu.memory_space<vmem>>
    %dma_wait3A_1009 = arith.constant 0 : i32
    %dma_wait3A_1010 = arith.constant 0 : i32
    %dma_wait3A_1011 = tpu.memref_slice %arg2[%dma_wait3A_1009, %dma_wait3A_1010] : memref<20000x128xf32, #tpu.memory_space<hbm>> -> memref<20000x128xf32, #tpu.memory_space<hbm>>
    tpu.wait_indirect_dma semaphore(%arg16 : memref<!tpu.dma_semaphore, #tpu.memory_space<semaphore_mem>>) src(%dma_wait3A_1011 : memref<20000x128xf32, #tpu.memory_space<hbm>>) dst(%arg10 : memref<128x128xf32, #tpu.memory_space<vmem>>)
    %dma_wait3A_1012 = arith.constant 0 : i32
    %dma_wait3A_1013 = arith.constant 0 : i32
    %dma_wait3A_1014 = tpu.memref_slice %arg8[%dma_wait3A_1012, %dma_wait3A_1013] : memref<40x128xi32, #tpu.memory_space<vmem>> -> memref<1x128xi32, #tpu.memory_space<vmem>>
    %dma_wait3A_1015 = tpu.memref_squeeze %dma_wait3A_1014 : memref<1x128xi32, #tpu.memory_space<vmem>> -> memref<128xi32, #tpu.memory_space<vmem>>
    %dma_wait3A_1016 = arith.constant 0 : i32
    %dma_wait3A_1017 = arith.constant 0 : i32
    %dma_wait3A_1018 = tpu.memref_slice %arg2[%dma_wait3A_1016, %dma_wait3A_1017] : memref<20000x128xf32, #tpu.memory_space<hbm>> -> memref<20000x128xf32, #tpu.memory_space<hbm>>
    tpu.wait_indirect_dma semaphore(%arg17 : memref<!tpu.dma_semaphore, #tpu.memory_space<semaphore_mem>>) src(%dma_wait3A_1018 : memref<20000x128xf32, #tpu.memory_space<hbm>>) dst(%arg11 : memref<128x128xf32, #tpu.memory_space<vmem>>)
    %dma_wait3A_1019 = arith.constant 0 : i32
    %dma_wait3A_1020 = arith.constant 0 : i32
    %dma_wait3A_1021 = tpu.memref_slice %arg8[%dma_wait3A_1019, %dma_wait3A_1020] : memref<40x128xi32, #tpu.memory_space<vmem>> -> memref<1x128xi32, #tpu.memory_space<vmem>>
    %dma_wait3A_1022 = tpu.memref_squeeze %dma_wait3A_1021 : memref<1x128xi32, #tpu.memory_space<vmem>> -> memref<128xi32, #tpu.memory_space<vmem>>
    %dma_wait3A_1023 = arith.constant 0 : i32
    %dma_wait3A_1024 = arith.constant 0 : i32
    %dma_wait3A_1025 = tpu.memref_slice %arg2[%dma_wait3A_1023, %dma_wait3A_1024] : memref<20000x128xf32, #tpu.memory_space<hbm>> -> memref<20000x128xf32, #tpu.memory_space<hbm>>
    tpu.wait_indirect_dma semaphore(%arg16 : memref<!tpu.dma_semaphore, #tpu.memory_space<semaphore_mem>>) src(%dma_wait3A_1025 : memref<20000x128xf32, #tpu.memory_space<hbm>>) dst(%arg10 : memref<128x128xf32, #tpu.memory_space<vmem>>)
    %dma_wait3A_1026 = arith.constant 0 : i32
    %dma_wait3A_1027 = arith.constant 0 : i32
    %dma_wait3A_1028 = tpu.memref_slice %arg8[%dma_wait3A_1026, %dma_wait3A_1027] : memref<40x128xi32, #tpu.memory_space<vmem>> -> memref<1x128xi32, #tpu.memory_space<vmem>>
    %dma_wait3A_1029 = tpu.memref_squeeze %dma_wait3A_1028 : memref<1x128xi32, #tpu.memory_space<vmem>> -> memref<128xi32, #tpu.memory_space<vmem>>
    %dma_wait3A_1030 = arith.constant 0 : i32
    %dma_wait3A_1031 = arith.constant 0 : i32
    %dma_wait3A_1032 = tpu.memref_slice %arg2[%dma_wait3A_1030, %dma_wait3A_1031] : memref<20000x128xf32, #tpu.memory_space<hbm>> -> memref<20000x128xf32, #tpu.memory_space<hbm>>
    tpu.wait_indirect_dma semaphore(%arg17 : memref<!tpu.dma_semaphore, #tpu.memory_space<semaphore_mem>>) src(%dma_wait3A_1032 : memref<20000x128xf32, #tpu.memory_space<hbm>>) dst(%arg11 : memref<128x128xf32, #tpu.memory_space<vmem>>)
    %dma_wait3A_1033 = arith.constant 0 : i32
    %dma_wait3A_1034 = arith.constant 0 : i32
    %dma_wait3A_1035 = tpu.memref_slice %arg8[%dma_wait3A_1033, %dma_wait3A_1034] : memref<40x128xi32, #tpu.memory_space<vmem>> -> memref<1x128xi32, #tpu.memory_space<vmem>>
    %dma_wait3A_1036 = tpu.memref_squeeze %dma_wait3A_1035 : memref<1x128xi32, #tpu.memory_space<vmem>> -> memref<128xi32, #tpu.memory_space<vmem>>
    %dma_wait3A_1037 = arith.constant 0 : i32
    %dma_wait3A_1038 = arith.constant 0 : i32
    %dma_wait3A_1039 = tpu.memref_slice %arg2[%dma_wait3A_1037, %dma_wait3A_1038] : memref<20000x128xf32, #tpu.memory_space<hbm>> -> memref<20000x128xf32, #tpu.memory_space<hbm>>
    tpu.wait_indirect_dma semaphore(%arg16 : memref<!tpu.dma_semaphore, #tpu.memory_space<semaphore_mem>>) src(%dma_wait3A_1039 : memref<20000x128xf32, #tpu.memory_space<hbm>>) dst(%arg10 : memref<128x128xf32, #tpu.memory_space<vmem>>)
    %dma_wait3A_1040 = arith.constant 0 : i32
    %dma_wait3A_1041 = arith.constant 0 : i32
    %dma_wait3A_1042 = tpu.memref_slice %arg8[%dma_wait3A_1040, %dma_wait3A_1041] : memref<40x128xi32, #tpu.memory_space<vmem>> -> memref<1x128xi32, #tpu.memory_space<vmem>>
    %dma_wait3A_1043 = tpu.memref_squeeze %dma_wait3A_1042 : memref<1x128xi32, #tpu.memory_space<vmem>> -> memref<128xi32, #tpu.memory_space<vmem>>
    %dma_wait3A_1044 = arith.constant 0 : i32
    %dma_wait3A_1045 = arith.constant 0 : i32
    %dma_wait3A_1046 = tpu.memref_slice %arg2[%dma_wait3A_1044, %dma_wait3A_1045] : memref<20000x128xf32, #tpu.memory_space<hbm>> -> memref<20000x128xf32, #tpu.memory_space<hbm>>
    tpu.wait_indirect_dma semaphore(%arg17 : memref<!tpu.dma_semaphore, #tpu.memory_space<semaphore_mem>>) src(%dma_wait3A_1046 : memref<20000x128xf32, #tpu.memory_space<hbm>>) dst(%arg11 : memref<128x128xf32, #tpu.memory_space<vmem>>)
    %dma_wait3A_1047 = arith.constant 0 : i32
    %dma_wait3A_1048 = arith.constant 0 : i32
    %dma_wait3A_1049 = tpu.memref_slice %arg8[%dma_wait3A_1047, %dma_wait3A_1048] : memref<40x128xi32, #tpu.memory_space<vmem>> -> memref<1x128xi32, #tpu.memory_space<vmem>>
    %dma_wait3A_1050 = tpu.memref_squeeze %dma_wait3A_1049 : memref<1x128xi32, #tpu.memory_space<vmem>> -> memref<128xi32, #tpu.memory_space<vmem>>
    %dma_wait3A_1051 = arith.constant 0 : i32
    %dma_wait3A_1052 = arith.constant 0 : i32
    %dma_wait3A_1053 = tpu.memref_slice %arg2[%dma_wait3A_1051, %dma_wait3A_1052] : memref<20000x128xf32, #tpu.memory_space<hbm>> -> memref<20000x128xf32, #tpu.memory_space<hbm>>
    tpu.wait_indirect_dma semaphore(%arg16 : memref<!tpu.dma_semaphore, #tpu.memory_space<semaphore_mem>>) src(%dma_wait3A_1053 : memref<20000x128xf32, #tpu.memory_space<hbm>>) dst(%arg10 : memref<128x128xf32, #tpu.memory_space<vmem>>)
    %dma_wait3A_1054 = arith.constant 0 : i32
    %dma_wait3A_1055 = arith.constant 0 : i32
    %dma_wait3A_1056 = tpu.memref_slice %arg8[%dma_wait3A_1054, %dma_wait3A_1055] : memref<40x128xi32, #tpu.memory_space<vmem>> -> memref<1x128xi32, #tpu.memory_space<vmem>>
    %dma_wait3A_1057 = tpu.memref_squeeze %dma_wait3A_1056 : memref<1x128xi32, #tpu.memory_space<vmem>> -> memref<128xi32, #tpu.memory_space<vmem>>
    %dma_wait3A_1058 = arith.constant 0 : i32
    %dma_wait3A_1059 = arith.constant 0 : i32
    %dma_wait3A_1060 = tpu.memref_slice %arg2[%dma_wait3A_1058, %dma_wait3A_1059] : memref<20000x128xf32, #tpu.memory_space<hbm>> -> memref<20000x128xf32, #tpu.memory_space<hbm>>
    tpu.wait_indirect_dma semaphore(%arg17 : memref<!tpu.dma_semaphore, #tpu.memory_space<semaphore_mem>>) src(%dma_wait3A_1060 : memref<20000x128xf32, #tpu.memory_space<hbm>>) dst(%arg11 : memref<128x128xf32, #tpu.memory_space<vmem>>)
    %dma_wait3A_1061 = arith.constant 0 : i32
    %dma_wait3A_1062 = arith.constant 0 : i32
    %dma_wait3A_1063 = tpu.memref_slice %arg8[%dma_wait3A_1061, %dma_wait3A_1062] : memref<40x128xi32, #tpu.memory_space<vmem>> -> memref<1x128xi32, #tpu.memory_space<vmem>>
    %dma_wait3A_1064 = tpu.memref_squeeze %dma_wait3A_1063 : memref<1x128xi32, #tpu.memory_space<vmem>> -> memref<128xi32, #tpu.memory_space<vmem>>
    %dma_wait3A_1065 = arith.constant 0 : i32
    %dma_wait3A_1066 = arith.constant 0 : i32
    %dma_wait3A_1067 = tpu.memref_slice %arg2[%dma_wait3A_1065, %dma_wait3A_1066] : memref<20000x128xf32, #tpu.memory_space<hbm>> -> memref<20000x128xf32, #tpu.memory_space<hbm>>
    tpu.wait_indirect_dma semaphore(%arg16 : memref<!tpu.dma_semaphore, #tpu.memory_space<semaphore_mem>>) src(%dma_wait3A_1067 : memref<20000x128xf32, #tpu.memory_space<hbm>>) dst(%arg10 : memref<128x128xf32, #tpu.memory_space<vmem>>)
    %dma_wait3A_1068 = arith.constant 0 : i32
    %dma_wait3A_1069 = arith.constant 0 : i32
    %dma_wait3A_1070 = tpu.memref_slice %arg8[%dma_wait3A_1068, %dma_wait3A_1069] : memref<40x128xi32, #tpu.memory_space<vmem>> -> memref<1x128xi32, #tpu.memory_space<vmem>>
    %dma_wait3A_1071 = tpu.memref_squeeze %dma_wait3A_1070 : memref<1x128xi32, #tpu.memory_space<vmem>> -> memref<128xi32, #tpu.memory_space<vmem>>
    %dma_wait3A_1072 = arith.constant 0 : i32
    %dma_wait3A_1073 = arith.constant 0 : i32
    %dma_wait3A_1074 = tpu.memref_slice %arg2[%dma_wait3A_1072, %dma_wait3A_1073] : memref<20000x128xf32, #tpu.memory_space<hbm>> -> memref<20000x128xf32, #tpu.memory_space<hbm>>
    tpu.wait_indirect_dma semaphore(%arg17 : memref<!tpu.dma_semaphore, #tpu.memory_space<semaphore_mem>>) src(%dma_wait3A_1074 : memref<20000x128xf32, #tpu.memory_space<hbm>>) dst(%arg11 : memref<128x128xf32, #tpu.memory_space<vmem>>)
    %dma_wait3A_1075 = arith.constant 0 : i32
    %dma_wait3A_1076 = arith.constant 0 : i32
    %dma_wait3A_1077 = tpu.memref_slice %arg8[%dma_wait3A_1075, %dma_wait3A_1076] : memref<40x128xi32, #tpu.memory_space<vmem>> -> memref<1x128xi32, #tpu.memory_space<vmem>>
    %dma_wait3A_1078 = tpu.memref_squeeze %dma_wait3A_1077 : memref<1x128xi32, #tpu.memory_space<vmem>> -> memref<128xi32, #tpu.memory_space<vmem>>
    %dma_wait3A_1079 = arith.constant 0 : i32
    %dma_wait3A_1080 = arith.constant 0 : i32
    %dma_wait3A_1081 = tpu.memref_slice %arg2[%dma_wait3A_1079, %dma_wait3A_1080] : memref<20000x128xf32, #tpu.memory_space<hbm>> -> memref<20000x128xf32, #tpu.memory_space<hbm>>
    tpu.wait_indirect_dma semaphore(%arg16 : memref<!tpu.dma_semaphore, #tpu.memory_space<semaphore_mem>>) src(%dma_wait3A_1081 : memref<20000x128xf32, #tpu.memory_space<hbm>>) dst(%arg10 : memref<128x128xf32, #tpu.memory_space<vmem>>)
    %dma_wait3A_1082 = arith.constant 0 : i32
    %dma_wait3A_1083 = arith.constant 0 : i32
    %dma_wait3A_1084 = tpu.memref_slice %arg8[%dma_wait3A_1082, %dma_wait3A_1083] : memref<40x128xi32, #tpu.memory_space<vmem>> -> memref<1x128xi32, #tpu.memory_space<vmem>>
    %dma_wait3A_1085 = tpu.memref_squeeze %dma_wait3A_1084 : memref<1x128xi32, #tpu.memory_space<vmem>> -> memref<128xi32, #tpu.memory_space<vmem>>
    %dma_wait3A_1086 = arith.constant 0 : i32
    %dma_wait3A_1087 = arith.constant 0 : i32
    %dma_wait3A_1088 = tpu.memref_slice %arg2[%dma_wait3A_1086, %dma_wait3A_1087] : memref<20000x128xf32, #tpu.memory_space<hbm>> -> memref<20000x128xf32, #tpu.memory_space<hbm>>
    tpu.wait_indirect_dma semaphore(%arg17 : memref<!tpu.dma_semaphore, #tpu.memory_space<semaphore_mem>>) src(%dma_wait3A_1088 : memref<20000x128xf32, #tpu.memory_space<hbm>>) dst(%arg11 : memref<128x128xf32, #tpu.memory_space<vmem>>)
    %dma_wait3A_1089 = arith.constant 0 : i32
    %dma_wait3A_1090 = arith.constant 0 : i32
    %dma_wait3A_1091 = tpu.memref_slice %arg8[%dma_wait3A_1089, %dma_wait3A_1090] : memref<40x128xi32, #tpu.memory_space<vmem>> -> memref<1x128xi32, #tpu.memory_space<vmem>>
    %dma_wait3A_1092 = tpu.memref_squeeze %dma_wait3A_1091 : memref<1x128xi32, #tpu.memory_space<vmem>> -> memref<128xi32, #tpu.memory_space<vmem>>
    %dma_wait3A_1093 = arith.constant 0 : i32
    %dma_wait3A_1094 = arith.constant 0 : i32
    %dma_wait3A_1095 = tpu.memref_slice %arg2[%dma_wait3A_1093, %dma_wait3A_1094] : memref<20000x128xf32, #tpu.memory_space<hbm>> -> memref<20000x128xf32, #tpu.memory_space<hbm>>
    tpu.wait_indirect_dma semaphore(%arg16 : memref<!tpu.dma_semaphore, #tpu.memory_space<semaphore_mem>>) src(%dma_wait3A_1095 : memref<20000x128xf32, #tpu.memory_space<hbm>>) dst(%arg10 : memref<128x128xf32, #tpu.memory_space<vmem>>)
    %dma_wait3A_1096 = arith.constant 0 : i32
    %dma_wait3A_1097 = arith.constant 0 : i32
    %dma_wait3A_1098 = tpu.memref_slice %arg8[%dma_wait3A_1096, %dma_wait3A_1097] : memref<40x128xi32, #tpu.memory_space<vmem>> -> memref<1x128xi32, #tpu.memory_space<vmem>>
    %dma_wait3A_1099 = tpu.memref_squeeze %dma_wait3A_1098 : memref<1x128xi32, #tpu.memory_space<vmem>> -> memref<128xi32, #tpu.memory_space<vmem>>
    %dma_wait3A_1100 = arith.constant 0 : i32
    %dma_wait3A_1101 = arith.constant 0 : i32
    %dma_wait3A_1102 = tpu.memref_slice %arg2[%dma_wait3A_1100, %dma_wait3A_1101] : memref<20000x128xf32, #tpu.memory_space<hbm>> -> memref<20000x128xf32, #tpu.memory_space<hbm>>
    tpu.wait_indirect_dma semaphore(%arg17 : memref<!tpu.dma_semaphore, #tpu.memory_space<semaphore_mem>>) src(%dma_wait3A_1102 : memref<20000x128xf32, #tpu.memory_space<hbm>>) dst(%arg11 : memref<128x128xf32, #tpu.memory_space<vmem>>)
    %dma_wait3A_1103 = arith.constant 0 : i32
    %dma_wait3A_1104 = arith.constant 0 : i32
    %dma_wait3A_1105 = tpu.memref_slice %arg8[%dma_wait3A_1103, %dma_wait3A_1104] : memref<40x128xi32, #tpu.memory_space<vmem>> -> memref<1x128xi32, #tpu.memory_space<vmem>>
    %dma_wait3A_1106 = tpu.memref_squeeze %dma_wait3A_1105 : memref<1x128xi32, #tpu.memory_space<vmem>> -> memref<128xi32, #tpu.memory_space<vmem>>
    %dma_wait3A_1107 = arith.constant 0 : i32
    %dma_wait3A_1108 = arith.constant 0 : i32
    %dma_wait3A_1109 = tpu.memref_slice %arg2[%dma_wait3A_1107, %dma_wait3A_1108] : memref<20000x128xf32, #tpu.memory_space<hbm>> -> memref<20000x128xf32, #tpu.memory_space<hbm>>
    tpu.wait_indirect_dma semaphore(%arg16 : memref<!tpu.dma_semaphore, #tpu.memory_space<semaphore_mem>>) src(%dma_wait3A_1109 : memref<20000x128xf32, #tpu.memory_space<hbm>>) dst(%arg10 : memref<128x128xf32, #tpu.memory_space<vmem>>)
    %dma_wait3A_1110 = arith.constant 0 : i32
    %dma_wait3A_1111 = arith.constant 0 : i32
    %dma_wait3A_1112 = tpu.memref_slice %arg8[%dma_wait3A_1110, %dma_wait3A_1111] : memref<40x128xi32, #tpu.memory_space<vmem>> -> memref<1x128xi32, #tpu.memory_space<vmem>>
    %dma_wait3A_1113 = tpu.memref_squeeze %dma_wait3A_1112 : memref<1x128xi32, #tpu.memory_space<vmem>> -> memref<128xi32, #tpu.memory_space<vmem>>
    %dma_wait3A_1114 = arith.constant 0 : i32
    %dma_wait3A_1115 = arith.constant 0 : i32
    %dma_wait3A_1116 = tpu.memref_slice %arg2[%dma_wait3A_1114, %dma_wait3A_1115] : memref<20000x128xf32, #tpu.memory_space<hbm>> -> memref<20000x128xf32, #tpu.memory_space<hbm>>
    tpu.wait_indirect_dma semaphore(%arg17 : memref<!tpu.dma_semaphore, #tpu.memory_space<semaphore_mem>>) src(%dma_wait3A_1116 : memref<20000x128xf32, #tpu.memory_space<hbm>>) dst(%arg11 : memref<128x128xf32, #tpu.memory_space<vmem>>)
    %dma_wait3A_1117 = arith.constant 0 : i32
    %dma_wait3A_1118 = arith.constant 0 : i32
    %dma_wait3A_1119 = tpu.memref_slice %arg8[%dma_wait3A_1117, %dma_wait3A_1118] : memref<40x128xi32, #tpu.memory_space<vmem>> -> memref<1x128xi32, #tpu.memory_space<vmem>>
    %dma_wait3A_1120 = tpu.memref_squeeze %dma_wait3A_1119 : memref<1x128xi32, #tpu.memory_space<vmem>> -> memref<128xi32, #tpu.memory_space<vmem>>
    %dma_wait3A_1121 = arith.constant 0 : i32
    %dma_wait3A_1122 = arith.constant 0 : i32
    %dma_wait3A_1123 = tpu.memref_slice %arg2[%dma_wait3A_1121, %dma_wait3A_1122] : memref<20000x128xf32, #tpu.memory_space<hbm>> -> memref<20000x128xf32, #tpu.memory_space<hbm>>
    tpu.wait_indirect_dma semaphore(%arg16 : memref<!tpu.dma_semaphore, #tpu.memory_space<semaphore_mem>>) src(%dma_wait3A_1123 : memref<20000x128xf32, #tpu.memory_space<hbm>>) dst(%arg10 : memref<128x128xf32, #tpu.memory_space<vmem>>)
    %dma_wait3A_1124 = arith.constant 0 : i32
    %dma_wait3A_1125 = arith.constant 0 : i32
    %dma_wait3A_1126 = tpu.memref_slice %arg8[%dma_wait3A_1124, %dma_wait3A_1125] : memref<40x128xi32, #tpu.memory_space<vmem>> -> memref<1x128xi32, #tpu.memory_space<vmem>>
    %dma_wait3A_1127 = tpu.memref_squeeze %dma_wait3A_1126 : memref<1x128xi32, #tpu.memory_space<vmem>> -> memref<128xi32, #tpu.memory_space<vmem>>
    %dma_wait3A_1128 = arith.constant 0 : i32
    %dma_wait3A_1129 = arith.constant 0 : i32
    %dma_wait3A_1130 = tpu.memref_slice %arg2[%dma_wait3A_1128, %dma_wait3A_1129] : memref<20000x128xf32, #tpu.memory_space<hbm>> -> memref<20000x128xf32, #tpu.memory_space<hbm>>
    tpu.wait_indirect_dma semaphore(%arg17 : memref<!tpu.dma_semaphore, #tpu.memory_space<semaphore_mem>>) src(%dma_wait3A_1130 : memref<20000x128xf32, #tpu.memory_space<hbm>>) dst(%arg11 : memref<128x128xf32, #tpu.memory_space<vmem>>)
    %dma_wait3A_1131 = arith.constant 0 : i32
    %dma_wait3A_1132 = arith.constant 0 : i32
    %dma_wait3A_1133 = tpu.memref_slice %arg8[%dma_wait3A_1131, %dma_wait3A_1132] : memref<40x128xi32, #tpu.memory_space<vmem>> -> memref<1x128xi32, #tpu.memory_space<vmem>>
    %dma_wait3A_1134 = tpu.memref_squeeze %dma_wait3A_1133 : memref<1x128xi32, #tpu.memory_space<vmem>> -> memref<128xi32, #tpu.memory_space<vmem>>
    %dma_wait3A_1135 = arith.constant 0 : i32
    %dma_wait3A_1136 = arith.constant 0 : i32
    %dma_wait3A_1137 = tpu.memref_slice %arg2[%dma_wait3A_1135, %dma_wait3A_1136] : memref<20000x128xf32, #tpu.memory_space<hbm>> -> memref<20000x128xf32, #tpu.memory_space<hbm>>
    tpu.wait_indirect_dma semaphore(%arg16 : memref<!tpu.dma_semaphore, #tpu.memory_space<semaphore_mem>>) src(%dma_wait3A_1137 : memref<20000x128xf32, #tpu.memory_space<hbm>>) dst(%arg10 : memref<128x128xf32, #tpu.memory_space<vmem>>)
    %dma_wait3A_1138 = arith.constant 0 : i32
    %dma_wait3A_1139 = arith.constant 0 : i32
    %dma_wait3A_1140 = tpu.memref_slice %arg8[%dma_wait3A_1138, %dma_wait3A_1139] : memref<40x128xi32, #tpu.memory_space<vmem>> -> memref<1x128xi32, #tpu.memory_space<vmem>>
    %dma_wait3A_1141 = tpu.memref_squeeze %dma_wait3A_1140 : memref<1x128xi32, #tpu.memory_space<vmem>> -> memref<128xi32, #tpu.memory_space<vmem>>
    %dma_wait3A_1142 = arith.constant 0 : i32
    %dma_wait3A_1143 = arith.constant 0 : i32
    %dma_wait3A_1144 = tpu.memref_slice %arg2[%dma_wait3A_1142, %dma_wait3A_1143] : memref<20000x128xf32, #tpu.memory_space<hbm>> -> memref<20000x128xf32, #tpu.memory_space<hbm>>
    tpu.wait_indirect_dma semaphore(%arg17 : memref<!tpu.dma_semaphore, #tpu.memory_space<semaphore_mem>>) src(%dma_wait3A_1144 : memref<20000x128xf32, #tpu.memory_space<hbm>>) dst(%arg11 : memref<128x128xf32, #tpu.memory_space<vmem>>)
    "tpu.region"() ({
      %run_scoped3A = tpu.sem_alloc : memref<!tpu.dma_semaphore, #tpu.memory_space<semaphore_mem>>
      %dma_start3A = arith.constant 120 : i32
      %dma_start3A_1435 = arith.constant 0 : i32
      %dma_start3A_1436 = tpu.memref_slice %arg3[%add3A, %dma_start3A, %dma_start3A_1435] : memref<32x160x128xi32, #tpu.memory_space<hbm>> -> memref<1x40x128xi32, #tpu.memory_space<hbm>>
      %dma_start3A_1437 = tpu.memref_squeeze %dma_start3A_1436 : memref<1x40x128xi32, #tpu.memory_space<hbm>> -> memref<40x128xi32, #tpu.memory_space<hbm>>
      %dma_start3A_1438 = arith.constant 120 : i32
      %dma_start3A_1439 = arith.constant 0 : i32
      %dma_start3A_1440 = tpu.memref_slice %arg3[%add3A, %dma_start3A_1438, %dma_start3A_1439] : memref<32x160x128xi32, #tpu.memory_space<hbm>> -> memref<1x40x128xi32, #tpu.memory_space<hbm>>
      %dma_start3A_1441 = tpu.memref_squeeze %dma_start3A_1440 : memref<1x40x128xi32, #tpu.memory_space<hbm>> -> memref<40x128xi32, #tpu.memory_space<hbm>>
      tpu.enqueue_dma source(%dma_start3A_1441 : memref<40x128xi32, #tpu.memory_space<hbm>>) target(%arg8 : memref<40x128xi32, #tpu.memory_space<vmem>>) target_semaphore(%run_scoped3A : memref<!tpu.dma_semaphore, #tpu.memory_space<semaphore_mem>>)
      %dma_wait3A_1442 = arith.constant 120 : i32
      %dma_wait3A_1443 = arith.constant 0 : i32
      %dma_wait3A_1444 = tpu.memref_slice %arg3[%add3A, %dma_wait3A_1442, %dma_wait3A_1443] : memref<32x160x128xi32, #tpu.memory_space<hbm>> -> memref<1x40x128xi32, #tpu.memory_space<hbm>>
      %dma_wait3A_1445 = tpu.memref_squeeze %dma_wait3A_1444 : memref<1x40x128xi32, #tpu.memory_space<hbm>> -> memref<40x128xi32, #tpu.memory_space<hbm>>
      %dma_wait3A_1446 = arith.constant 120 : i32
      %dma_wait3A_1447 = arith.constant 0 : i32
      %dma_wait3A_1448 = tpu.memref_slice %arg3[%add3A, %dma_wait3A_1446, %dma_wait3A_1447] : memref<32x160x128xi32, #tpu.memory_space<hbm>> -> memref<1x40x128xi32, #tpu.memory_space<hbm>>
      %dma_wait3A_1449 = tpu.memref_squeeze %dma_wait3A_1448 : memref<1x40x128xi32, #tpu.memory_space<hbm>> -> memref<40x128xi32, #tpu.memory_space<hbm>>
      tpu.wait_dma2 semaphore(%run_scoped3A : memref<!tpu.dma_semaphore, #tpu.memory_space<semaphore_mem>>) src(%dma_wait3A_1449 : memref<40x128xi32, #tpu.memory_space<hbm>>) dst(%arg8 : memref<40x128xi32, #tpu.memory_space<vmem>>)
      tpu.yield
    }) : () -> ()
    "tpu.region"() ({
      %run_scoped3A = tpu.sem_alloc : memref<!tpu.dma_semaphore, #tpu.memory_space<semaphore_mem>>
      %dma_start3A = arith.constant 120 : i32
      %dma_start3A_1435 = arith.constant 0 : i32
      %dma_start3A_1436 = tpu.memref_slice %arg4[%add3A, %dma_start3A, %dma_start3A_1435] : memref<32x160x128xi32, #tpu.memory_space<hbm>> -> memref<1x40x128xi32, #tpu.memory_space<hbm>>
      %dma_start3A_1437 = tpu.memref_squeeze %dma_start3A_1436 : memref<1x40x128xi32, #tpu.memory_space<hbm>> -> memref<40x128xi32, #tpu.memory_space<hbm>>
      %dma_start3A_1438 = arith.constant 120 : i32
      %dma_start3A_1439 = arith.constant 0 : i32
      %dma_start3A_1440 = tpu.memref_slice %arg4[%add3A, %dma_start3A_1438, %dma_start3A_1439] : memref<32x160x128xi32, #tpu.memory_space<hbm>> -> memref<1x40x128xi32, #tpu.memory_space<hbm>>
      %dma_start3A_1441 = tpu.memref_squeeze %dma_start3A_1440 : memref<1x40x128xi32, #tpu.memory_space<hbm>> -> memref<40x128xi32, #tpu.memory_space<hbm>>
      tpu.enqueue_dma source(%dma_start3A_1441 : memref<40x128xi32, #tpu.memory_space<hbm>>) target(%arg9 : memref<40x128xi32, #tpu.memory_space<vmem>>) target_semaphore(%run_scoped3A : memref<!tpu.dma_semaphore, #tpu.memory_space<semaphore_mem>>)
      %dma_wait3A_1442 = arith.constant 120 : i32
      %dma_wait3A_1443 = arith.constant 0 : i32
      %dma_wait3A_1444 = tpu.memref_slice %arg4[%add3A, %dma_wait3A_1442, %dma_wait3A_1443] : memref<32x160x128xi32, #tpu.memory_space<hbm>> -> memref<1x40x128xi32, #tpu.memory_space<hbm>>
      %dma_wait3A_1445 = tpu.memref_squeeze %dma_wait3A_1444 : memref<1x40x128xi32, #tpu.memory_space<hbm>> -> memref<40x128xi32, #tpu.memory_space<hbm>>
      %dma_wait3A_1446 = arith.constant 120 : i32
      %dma_wait3A_1447 = arith.constant 0 : i32
      %dma_wait3A_1448 = tpu.memref_slice %arg4[%add3A, %dma_wait3A_1446, %dma_wait3A_1447] : memref<32x160x128xi32, #tpu.memory_space<hbm>> -> memref<1x40x128xi32, #tpu.memory_space<hbm>>
      %dma_wait3A_1449 = tpu.memref_squeeze %dma_wait3A_1448 : memref<1x40x128xi32, #tpu.memory_space<hbm>> -> memref<40x128xi32, #tpu.memory_space<hbm>>
      tpu.wait_dma2 semaphore(%run_scoped3A : memref<!tpu.dma_semaphore, #tpu.memory_space<semaphore_mem>>) src(%dma_wait3A_1449 : memref<40x128xi32, #tpu.memory_space<hbm>>) dst(%arg9 : memref<40x128xi32, #tpu.memory_space<vmem>>)
      tpu.yield
    }) : () -> ()
    %scan3A_1145 = arith.constant 0 : i32
    %scan3A_1146 = arith.constant 0 : i32
    %scan3A_1147 = arith.constant 20 : i32
    %scan3A_1148 = arith.addi %scan3A_1146, %scan3A_1147 : i32
    %scan3A_1149 = arith.constant 1 : i32
    scf.for %scan3A_1435 = %scan3A_1146 to %scan3A_1148 step %scan3A_1149  : i32 {
      %mul3A_1436 = arith.constant 2 : i32
      %mul3A_1437 = arith.muli %mul3A_1436, %scan3A_1435 : i32
      %dma_start3A = arith.constant 0 : i32
      %dma_start3A_1438 = tpu.memref_slice %arg8[%mul3A_1437, %dma_start3A] : memref<40x128xi32, #tpu.memory_space<vmem>> -> memref<1x128xi32, #tpu.memory_space<vmem>>
      %dma_start3A_1439 = tpu.memref_squeeze %dma_start3A_1438 : memref<1x128xi32, #tpu.memory_space<vmem>> -> memref<128xi32, #tpu.memory_space<vmem>>
      %dma_start3A_1440 = arith.constant 0 : i32
      %dma_start3A_1441 = arith.constant 0 : i32
      %dma_start3A_1442 = tpu.memref_slice %arg2[%dma_start3A_1440, %dma_start3A_1441] : memref<20000x128xf32, #tpu.memory_space<hbm>> -> memref<20000x128xf32, #tpu.memory_space<hbm>>
      tpu.enqueue_indirect_dma source(%dma_start3A_1442 : memref<20000x128xf32, #tpu.memory_space<hbm>>) target(%arg10 : memref<128x128xf32, #tpu.memory_space<vmem>>) offsets(%dma_start3A_1439 : memref<128xi32, #tpu.memory_space<vmem>>) semaphore(%arg16 : memref<!tpu.dma_semaphore, #tpu.memory_space<semaphore_mem>>)
      %mul3A_1443 = arith.constant 2 : i32
      %mul3A_1444 = arith.muli %mul3A_1443, %scan3A_1435 : i32
      %add3A_1445 = arith.constant 1 : i32
      %add3A_1446 = arith.addi %mul3A_1444, %add3A_1445 : i32
      %dma_start3A_1447 = arith.constant 0 : i32
      %dma_start3A_1448 = tpu.memref_slice %arg8[%add3A_1446, %dma_start3A_1447] : memref<40x128xi32, #tpu.memory_space<vmem>> -> memref<1x128xi32, #tpu.memory_space<vmem>>
      %dma_start3A_1449 = tpu.memref_squeeze %dma_start3A_1448 : memref<1x128xi32, #tpu.memory_space<vmem>> -> memref<128xi32, #tpu.memory_space<vmem>>
      %dma_start3A_1450 = arith.constant 0 : i32
      %dma_start3A_1451 = arith.constant 0 : i32
      %dma_start3A_1452 = tpu.memref_slice %arg2[%dma_start3A_1450, %dma_start3A_1451] : memref<20000x128xf32, #tpu.memory_space<hbm>> -> memref<20000x128xf32, #tpu.memory_space<hbm>>
      tpu.enqueue_indirect_dma source(%dma_start3A_1452 : memref<20000x128xf32, #tpu.memory_space<hbm>>) target(%arg11 : memref<128x128xf32, #tpu.memory_space<vmem>>) offsets(%dma_start3A_1449 : memref<128xi32, #tpu.memory_space<vmem>>) semaphore(%arg17 : memref<!tpu.dma_semaphore, #tpu.memory_space<semaphore_mem>>)
    }
    %scan3A_1150 = arith.constant 20 : i32
    %dma_wait3A_1151 = arith.constant 0 : i32
    %dma_wait3A_1152 = arith.constant 0 : i32
    %dma_wait3A_1153 = tpu.memref_slice %arg8[%dma_wait3A_1151, %dma_wait3A_1152] : memref<40x128xi32, #tpu.memory_space<vmem>> -> memref<1x128xi32, #tpu.memory_space<vmem>>
    %dma_wait3A_1154 = tpu.memref_squeeze %dma_wait3A_1153 : memref<1x128xi32, #tpu.memory_space<vmem>> -> memref<128xi32, #tpu.memory_space<vmem>>
    %dma_wait3A_1155 = arith.constant 0 : i32
    %dma_wait3A_1156 = arith.constant 0 : i32
    %dma_wait3A_1157 = tpu.memref_slice %arg2[%dma_wait3A_1155, %dma_wait3A_1156] : memref<20000x128xf32, #tpu.memory_space<hbm>> -> memref<20000x128xf32, #tpu.memory_space<hbm>>
    tpu.wait_indirect_dma semaphore(%arg16 : memref<!tpu.dma_semaphore, #tpu.memory_space<semaphore_mem>>) src(%dma_wait3A_1157 : memref<20000x128xf32, #tpu.memory_space<hbm>>) dst(%arg10 : memref<128x128xf32, #tpu.memory_space<vmem>>)
    %dma_wait3A_1158 = arith.constant 0 : i32
    %dma_wait3A_1159 = arith.constant 0 : i32
    %dma_wait3A_1160 = tpu.memref_slice %arg8[%dma_wait3A_1158, %dma_wait3A_1159] : memref<40x128xi32, #tpu.memory_space<vmem>> -> memref<1x128xi32, #tpu.memory_space<vmem>>
    %dma_wait3A_1161 = tpu.memref_squeeze %dma_wait3A_1160 : memref<1x128xi32, #tpu.memory_space<vmem>> -> memref<128xi32, #tpu.memory_space<vmem>>
    %dma_wait3A_1162 = arith.constant 0 : i32
    %dma_wait3A_1163 = arith.constant 0 : i32
    %dma_wait3A_1164 = tpu.memref_slice %arg2[%dma_wait3A_1162, %dma_wait3A_1163] : memref<20000x128xf32, #tpu.memory_space<hbm>> -> memref<20000x128xf32, #tpu.memory_space<hbm>>
    tpu.wait_indirect_dma semaphore(%arg17 : memref<!tpu.dma_semaphore, #tpu.memory_space<semaphore_mem>>) src(%dma_wait3A_1164 : memref<20000x128xf32, #tpu.memory_space<hbm>>) dst(%arg11 : memref<128x128xf32, #tpu.memory_space<vmem>>)
    %dma_wait3A_1165 = arith.constant 0 : i32
    %dma_wait3A_1166 = arith.constant 0 : i32
    %dma_wait3A_1167 = tpu.memref_slice %arg8[%dma_wait3A_1165, %dma_wait3A_1166] : memref<40x128xi32, #tpu.memory_space<vmem>> -> memref<1x128xi32, #tpu.memory_space<vmem>>
    %dma_wait3A_1168 = tpu.memref_squeeze %dma_wait3A_1167 : memref<1x128xi32, #tpu.memory_space<vmem>> -> memref<128xi32, #tpu.memory_space<vmem>>
    %dma_wait3A_1169 = arith.constant 0 : i32
    %dma_wait3A_1170 = arith.constant 0 : i32
    %dma_wait3A_1171 = tpu.memref_slice %arg2[%dma_wait3A_1169, %dma_wait3A_1170] : memref<20000x128xf32, #tpu.memory_space<hbm>> -> memref<20000x128xf32, #tpu.memory_space<hbm>>
    tpu.wait_indirect_dma semaphore(%arg16 : memref<!tpu.dma_semaphore, #tpu.memory_space<semaphore_mem>>) src(%dma_wait3A_1171 : memref<20000x128xf32, #tpu.memory_space<hbm>>) dst(%arg10 : memref<128x128xf32, #tpu.memory_space<vmem>>)
    %dma_wait3A_1172 = arith.constant 0 : i32
    %dma_wait3A_1173 = arith.constant 0 : i32
    %dma_wait3A_1174 = tpu.memref_slice %arg8[%dma_wait3A_1172, %dma_wait3A_1173] : memref<40x128xi32, #tpu.memory_space<vmem>> -> memref<1x128xi32, #tpu.memory_space<vmem>>
    %dma_wait3A_1175 = tpu.memref_squeeze %dma_wait3A_1174 : memref<1x128xi32, #tpu.memory_space<vmem>> -> memref<128xi32, #tpu.memory_space<vmem>>
    %dma_wait3A_1176 = arith.constant 0 : i32
    %dma_wait3A_1177 = arith.constant 0 : i32
    %dma_wait3A_1178 = tpu.memref_slice %arg2[%dma_wait3A_1176, %dma_wait3A_1177] : memref<20000x128xf32, #tpu.memory_space<hbm>> -> memref<20000x128xf32, #tpu.memory_space<hbm>>
    tpu.wait_indirect_dma semaphore(%arg17 : memref<!tpu.dma_semaphore, #tpu.memory_space<semaphore_mem>>) src(%dma_wait3A_1178 : memref<20000x128xf32, #tpu.memory_space<hbm>>) dst(%arg11 : memref<128x128xf32, #tpu.memory_space<vmem>>)
    %dma_wait3A_1179 = arith.constant 0 : i32
    %dma_wait3A_1180 = arith.constant 0 : i32
    %dma_wait3A_1181 = tpu.memref_slice %arg8[%dma_wait3A_1179, %dma_wait3A_1180] : memref<40x128xi32, #tpu.memory_space<vmem>> -> memref<1x128xi32, #tpu.memory_space<vmem>>
    %dma_wait3A_1182 = tpu.memref_squeeze %dma_wait3A_1181 : memref<1x128xi32, #tpu.memory_space<vmem>> -> memref<128xi32, #tpu.memory_space<vmem>>
    %dma_wait3A_1183 = arith.constant 0 : i32
    %dma_wait3A_1184 = arith.constant 0 : i32
    %dma_wait3A_1185 = tpu.memref_slice %arg2[%dma_wait3A_1183, %dma_wait3A_1184] : memref<20000x128xf32, #tpu.memory_space<hbm>> -> memref<20000x128xf32, #tpu.memory_space<hbm>>
    tpu.wait_indirect_dma semaphore(%arg16 : memref<!tpu.dma_semaphore, #tpu.memory_space<semaphore_mem>>) src(%dma_wait3A_1185 : memref<20000x128xf32, #tpu.memory_space<hbm>>) dst(%arg10 : memref<128x128xf32, #tpu.memory_space<vmem>>)
    %dma_wait3A_1186 = arith.constant 0 : i32
    %dma_wait3A_1187 = arith.constant 0 : i32
    %dma_wait3A_1188 = tpu.memref_slice %arg8[%dma_wait3A_1186, %dma_wait3A_1187] : memref<40x128xi32, #tpu.memory_space<vmem>> -> memref<1x128xi32, #tpu.memory_space<vmem>>
    %dma_wait3A_1189 = tpu.memref_squeeze %dma_wait3A_1188 : memref<1x128xi32, #tpu.memory_space<vmem>> -> memref<128xi32, #tpu.memory_space<vmem>>
    %dma_wait3A_1190 = arith.constant 0 : i32
    %dma_wait3A_1191 = arith.constant 0 : i32
    %dma_wait3A_1192 = tpu.memref_slice %arg2[%dma_wait3A_1190, %dma_wait3A_1191] : memref<20000x128xf32, #tpu.memory_space<hbm>> -> memref<20000x128xf32, #tpu.memory_space<hbm>>
    tpu.wait_indirect_dma semaphore(%arg17 : memref<!tpu.dma_semaphore, #tpu.memory_space<semaphore_mem>>) src(%dma_wait3A_1192 : memref<20000x128xf32, #tpu.memory_space<hbm>>) dst(%arg11 : memref<128x128xf32, #tpu.memory_space<vmem>>)
    %dma_wait3A_1193 = arith.constant 0 : i32
    %dma_wait3A_1194 = arith.constant 0 : i32
    %dma_wait3A_1195 = tpu.memref_slice %arg8[%dma_wait3A_1193, %dma_wait3A_1194] : memref<40x128xi32, #tpu.memory_space<vmem>> -> memref<1x128xi32, #tpu.memory_space<vmem>>
    %dma_wait3A_1196 = tpu.memref_squeeze %dma_wait3A_1195 : memref<1x128xi32, #tpu.memory_space<vmem>> -> memref<128xi32, #tpu.memory_space<vmem>>
    %dma_wait3A_1197 = arith.constant 0 : i32
    %dma_wait3A_1198 = arith.constant 0 : i32
    %dma_wait3A_1199 = tpu.memref_slice %arg2[%dma_wait3A_1197, %dma_wait3A_1198] : memref<20000x128xf32, #tpu.memory_space<hbm>> -> memref<20000x128xf32, #tpu.memory_space<hbm>>
    tpu.wait_indirect_dma semaphore(%arg16 : memref<!tpu.dma_semaphore, #tpu.memory_space<semaphore_mem>>) src(%dma_wait3A_1199 : memref<20000x128xf32, #tpu.memory_space<hbm>>) dst(%arg10 : memref<128x128xf32, #tpu.memory_space<vmem>>)
    %dma_wait3A_1200 = arith.constant 0 : i32
    %dma_wait3A_1201 = arith.constant 0 : i32
    %dma_wait3A_1202 = tpu.memref_slice %arg8[%dma_wait3A_1200, %dma_wait3A_1201] : memref<40x128xi32, #tpu.memory_space<vmem>> -> memref<1x128xi32, #tpu.memory_space<vmem>>
    %dma_wait3A_1203 = tpu.memref_squeeze %dma_wait3A_1202 : memref<1x128xi32, #tpu.memory_space<vmem>> -> memref<128xi32, #tpu.memory_space<vmem>>
    %dma_wait3A_1204 = arith.constant 0 : i32
    %dma_wait3A_1205 = arith.constant 0 : i32
    %dma_wait3A_1206 = tpu.memref_slice %arg2[%dma_wait3A_1204, %dma_wait3A_1205] : memref<20000x128xf32, #tpu.memory_space<hbm>> -> memref<20000x128xf32, #tpu.memory_space<hbm>>
    tpu.wait_indirect_dma semaphore(%arg17 : memref<!tpu.dma_semaphore, #tpu.memory_space<semaphore_mem>>) src(%dma_wait3A_1206 : memref<20000x128xf32, #tpu.memory_space<hbm>>) dst(%arg11 : memref<128x128xf32, #tpu.memory_space<vmem>>)
    %dma_wait3A_1207 = arith.constant 0 : i32
    %dma_wait3A_1208 = arith.constant 0 : i32
    %dma_wait3A_1209 = tpu.memref_slice %arg8[%dma_wait3A_1207, %dma_wait3A_1208] : memref<40x128xi32, #tpu.memory_space<vmem>> -> memref<1x128xi32, #tpu.memory_space<vmem>>
    %dma_wait3A_1210 = tpu.memref_squeeze %dma_wait3A_1209 : memref<1x128xi32, #tpu.memory_space<vmem>> -> memref<128xi32, #tpu.memory_space<vmem>>
    %dma_wait3A_1211 = arith.constant 0 : i32
    %dma_wait3A_1212 = arith.constant 0 : i32
    %dma_wait3A_1213 = tpu.memref_slice %arg2[%dma_wait3A_1211, %dma_wait3A_1212] : memref<20000x128xf32, #tpu.memory_space<hbm>> -> memref<20000x128xf32, #tpu.memory_space<hbm>>
    tpu.wait_indirect_dma semaphore(%arg16 : memref<!tpu.dma_semaphore, #tpu.memory_space<semaphore_mem>>) src(%dma_wait3A_1213 : memref<20000x128xf32, #tpu.memory_space<hbm>>) dst(%arg10 : memref<128x128xf32, #tpu.memory_space<vmem>>)
    %dma_wait3A_1214 = arith.constant 0 : i32
    %dma_wait3A_1215 = arith.constant 0 : i32
    %dma_wait3A_1216 = tpu.memref_slice %arg8[%dma_wait3A_1214, %dma_wait3A_1215] : memref<40x128xi32, #tpu.memory_space<vmem>> -> memref<1x128xi32, #tpu.memory_space<vmem>>
    %dma_wait3A_1217 = tpu.memref_squeeze %dma_wait3A_1216 : memref<1x128xi32, #tpu.memory_space<vmem>> -> memref<128xi32, #tpu.memory_space<vmem>>
    %dma_wait3A_1218 = arith.constant 0 : i32
    %dma_wait3A_1219 = arith.constant 0 : i32
    %dma_wait3A_1220 = tpu.memref_slice %arg2[%dma_wait3A_1218, %dma_wait3A_1219] : memref<20000x128xf32, #tpu.memory_space<hbm>> -> memref<20000x128xf32, #tpu.memory_space<hbm>>
    tpu.wait_indirect_dma semaphore(%arg17 : memref<!tpu.dma_semaphore, #tpu.memory_space<semaphore_mem>>) src(%dma_wait3A_1220 : memref<20000x128xf32, #tpu.memory_space<hbm>>) dst(%arg11 : memref<128x128xf32, #tpu.memory_space<vmem>>)
    %dma_wait3A_1221 = arith.constant 0 : i32
    %dma_wait3A_1222 = arith.constant 0 : i32
    %dma_wait3A_1223 = tpu.memref_slice %arg8[%dma_wait3A_1221, %dma_wait3A_1222] : memref<40x128xi32, #tpu.memory_space<vmem>> -> memref<1x128xi32, #tpu.memory_space<vmem>>
    %dma_wait3A_1224 = tpu.memref_squeeze %dma_wait3A_1223 : memref<1x128xi32, #tpu.memory_space<vmem>> -> memref<128xi32, #tpu.memory_space<vmem>>
    %dma_wait3A_1225 = arith.constant 0 : i32
    %dma_wait3A_1226 = arith.constant 0 : i32
    %dma_wait3A_1227 = tpu.memref_slice %arg2[%dma_wait3A_1225, %dma_wait3A_1226] : memref<20000x128xf32, #tpu.memory_space<hbm>> -> memref<20000x128xf32, #tpu.memory_space<hbm>>
    tpu.wait_indirect_dma semaphore(%arg16 : memref<!tpu.dma_semaphore, #tpu.memory_space<semaphore_mem>>) src(%dma_wait3A_1227 : memref<20000x128xf32, #tpu.memory_space<hbm>>) dst(%arg10 : memref<128x128xf32, #tpu.memory_space<vmem>>)
    %dma_wait3A_1228 = arith.constant 0 : i32
    %dma_wait3A_1229 = arith.constant 0 : i32
    %dma_wait3A_1230 = tpu.memref_slice %arg8[%dma_wait3A_1228, %dma_wait3A_1229] : memref<40x128xi32, #tpu.memory_space<vmem>> -> memref<1x128xi32, #tpu.memory_space<vmem>>
    %dma_wait3A_1231 = tpu.memref_squeeze %dma_wait3A_1230 : memref<1x128xi32, #tpu.memory_space<vmem>> -> memref<128xi32, #tpu.memory_space<vmem>>
    %dma_wait3A_1232 = arith.constant 0 : i32
    %dma_wait3A_1233 = arith.constant 0 : i32
    %dma_wait3A_1234 = tpu.memref_slice %arg2[%dma_wait3A_1232, %dma_wait3A_1233] : memref<20000x128xf32, #tpu.memory_space<hbm>> -> memref<20000x128xf32, #tpu.memory_space<hbm>>
    tpu.wait_indirect_dma semaphore(%arg17 : memref<!tpu.dma_semaphore, #tpu.memory_space<semaphore_mem>>) src(%dma_wait3A_1234 : memref<20000x128xf32, #tpu.memory_space<hbm>>) dst(%arg11 : memref<128x128xf32, #tpu.memory_space<vmem>>)
    %dma_wait3A_1235 = arith.constant 0 : i32
    %dma_wait3A_1236 = arith.constant 0 : i32
    %dma_wait3A_1237 = tpu.memref_slice %arg8[%dma_wait3A_1235, %dma_wait3A_1236] : memref<40x128xi32, #tpu.memory_space<vmem>> -> memref<1x128xi32, #tpu.memory_space<vmem>>
    %dma_wait3A_1238 = tpu.memref_squeeze %dma_wait3A_1237 : memref<1x128xi32, #tpu.memory_space<vmem>> -> memref<128xi32, #tpu.memory_space<vmem>>
    %dma_wait3A_1239 = arith.constant 0 : i32
    %dma_wait3A_1240 = arith.constant 0 : i32
    %dma_wait3A_1241 = tpu.memref_slice %arg2[%dma_wait3A_1239, %dma_wait3A_1240] : memref<20000x128xf32, #tpu.memory_space<hbm>> -> memref<20000x128xf32, #tpu.memory_space<hbm>>
    tpu.wait_indirect_dma semaphore(%arg16 : memref<!tpu.dma_semaphore, #tpu.memory_space<semaphore_mem>>) src(%dma_wait3A_1241 : memref<20000x128xf32, #tpu.memory_space<hbm>>) dst(%arg10 : memref<128x128xf32, #tpu.memory_space<vmem>>)
    %dma_wait3A_1242 = arith.constant 0 : i32
    %dma_wait3A_1243 = arith.constant 0 : i32
    %dma_wait3A_1244 = tpu.memref_slice %arg8[%dma_wait3A_1242, %dma_wait3A_1243] : memref<40x128xi32, #tpu.memory_space<vmem>> -> memref<1x128xi32, #tpu.memory_space<vmem>>
    %dma_wait3A_1245 = tpu.memref_squeeze %dma_wait3A_1244 : memref<1x128xi32, #tpu.memory_space<vmem>> -> memref<128xi32, #tpu.memory_space<vmem>>
    %dma_wait3A_1246 = arith.constant 0 : i32
    %dma_wait3A_1247 = arith.constant 0 : i32
    %dma_wait3A_1248 = tpu.memref_slice %arg2[%dma_wait3A_1246, %dma_wait3A_1247] : memref<20000x128xf32, #tpu.memory_space<hbm>> -> memref<20000x128xf32, #tpu.memory_space<hbm>>
    tpu.wait_indirect_dma semaphore(%arg17 : memref<!tpu.dma_semaphore, #tpu.memory_space<semaphore_mem>>) src(%dma_wait3A_1248 : memref<20000x128xf32, #tpu.memory_space<hbm>>) dst(%arg11 : memref<128x128xf32, #tpu.memory_space<vmem>>)
    %dma_wait3A_1249 = arith.constant 0 : i32
    %dma_wait3A_1250 = arith.constant 0 : i32
    %dma_wait3A_1251 = tpu.memref_slice %arg8[%dma_wait3A_1249, %dma_wait3A_1250] : memref<40x128xi32, #tpu.memory_space<vmem>> -> memref<1x128xi32, #tpu.memory_space<vmem>>
    %dma_wait3A_1252 = tpu.memref_squeeze %dma_wait3A_1251 : memref<1x128xi32, #tpu.memory_space<vmem>> -> memref<128xi32, #tpu.memory_space<vmem>>
    %dma_wait3A_1253 = arith.constant 0 : i32
    %dma_wait3A_1254 = arith.constant 0 : i32
    %dma_wait3A_1255 = tpu.memref_slice %arg2[%dma_wait3A_1253, %dma_wait3A_1254] : memref<20000x128xf32, #tpu.memory_space<hbm>> -> memref<20000x128xf32, #tpu.memory_space<hbm>>
    tpu.wait_indirect_dma semaphore(%arg16 : memref<!tpu.dma_semaphore, #tpu.memory_space<semaphore_mem>>) src(%dma_wait3A_1255 : memref<20000x128xf32, #tpu.memory_space<hbm>>) dst(%arg10 : memref<128x128xf32, #tpu.memory_space<vmem>>)
    %dma_wait3A_1256 = arith.constant 0 : i32
    %dma_wait3A_1257 = arith.constant 0 : i32
    %dma_wait3A_1258 = tpu.memref_slice %arg8[%dma_wait3A_1256, %dma_wait3A_1257] : memref<40x128xi32, #tpu.memory_space<vmem>> -> memref<1x128xi32, #tpu.memory_space<vmem>>
    %dma_wait3A_1259 = tpu.memref_squeeze %dma_wait3A_1258 : memref<1x128xi32, #tpu.memory_space<vmem>> -> memref<128xi32, #tpu.memory_space<vmem>>
    %dma_wait3A_1260 = arith.constant 0 : i32
    %dma_wait3A_1261 = arith.constant 0 : i32
    %dma_wait3A_1262 = tpu.memref_slice %arg2[%dma_wait3A_1260, %dma_wait3A_1261] : memref<20000x128xf32, #tpu.memory_space<hbm>> -> memref<20000x128xf32, #tpu.memory_space<hbm>>
    tpu.wait_indirect_dma semaphore(%arg17 : memref<!tpu.dma_semaphore, #tpu.memory_space<semaphore_mem>>) src(%dma_wait3A_1262 : memref<20000x128xf32, #tpu.memory_space<hbm>>) dst(%arg11 : memref<128x128xf32, #tpu.memory_space<vmem>>)
    %dma_wait3A_1263 = arith.constant 0 : i32
    %dma_wait3A_1264 = arith.constant 0 : i32
    %dma_wait3A_1265 = tpu.memref_slice %arg8[%dma_wait3A_1263, %dma_wait3A_1264] : memref<40x128xi32, #tpu.memory_space<vmem>> -> memref<1x128xi32, #tpu.memory_space<vmem>>
    %dma_wait3A_1266 = tpu.memref_squeeze %dma_wait3A_1265 : memref<1x128xi32, #tpu.memory_space<vmem>> -> memref<128xi32, #tpu.memory_space<vmem>>
    %dma_wait3A_1267 = arith.constant 0 : i32
    %dma_wait3A_1268 = arith.constant 0 : i32
    %dma_wait3A_1269 = tpu.memref_slice %arg2[%dma_wait3A_1267, %dma_wait3A_1268] : memref<20000x128xf32, #tpu.memory_space<hbm>> -> memref<20000x128xf32, #tpu.memory_space<hbm>>
    tpu.wait_indirect_dma semaphore(%arg16 : memref<!tpu.dma_semaphore, #tpu.memory_space<semaphore_mem>>) src(%dma_wait3A_1269 : memref<20000x128xf32, #tpu.memory_space<hbm>>) dst(%arg10 : memref<128x128xf32, #tpu.memory_space<vmem>>)
    %dma_wait3A_1270 = arith.constant 0 : i32
    %dma_wait3A_1271 = arith.constant 0 : i32
    %dma_wait3A_1272 = tpu.memref_slice %arg8[%dma_wait3A_1270, %dma_wait3A_1271] : memref<40x128xi32, #tpu.memory_space<vmem>> -> memref<1x128xi32, #tpu.memory_space<vmem>>
    %dma_wait3A_1273 = tpu.memref_squeeze %dma_wait3A_1272 : memref<1x128xi32, #tpu.memory_space<vmem>> -> memref<128xi32, #tpu.memory_space<vmem>>
    %dma_wait3A_1274 = arith.constant 0 : i32
    %dma_wait3A_1275 = arith.constant 0 : i32
    %dma_wait3A_1276 = tpu.memref_slice %arg2[%dma_wait3A_1274, %dma_wait3A_1275] : memref<20000x128xf32, #tpu.memory_space<hbm>> -> memref<20000x128xf32, #tpu.memory_space<hbm>>
    tpu.wait_indirect_dma semaphore(%arg17 : memref<!tpu.dma_semaphore, #tpu.memory_space<semaphore_mem>>) src(%dma_wait3A_1276 : memref<20000x128xf32, #tpu.memory_space<hbm>>) dst(%arg11 : memref<128x128xf32, #tpu.memory_space<vmem>>)
    %dma_wait3A_1277 = arith.constant 0 : i32
    %dma_wait3A_1278 = arith.constant 0 : i32
    %dma_wait3A_1279 = tpu.memref_slice %arg8[%dma_wait3A_1277, %dma_wait3A_1278] : memref<40x128xi32, #tpu.memory_space<vmem>> -> memref<1x128xi32, #tpu.memory_space<vmem>>
    %dma_wait3A_1280 = tpu.memref_squeeze %dma_wait3A_1279 : memref<1x128xi32, #tpu.memory_space<vmem>> -> memref<128xi32, #tpu.memory_space<vmem>>
    %dma_wait3A_1281 = arith.constant 0 : i32
    %dma_wait3A_1282 = arith.constant 0 : i32
    %dma_wait3A_1283 = tpu.memref_slice %arg2[%dma_wait3A_1281, %dma_wait3A_1282] : memref<20000x128xf32, #tpu.memory_space<hbm>> -> memref<20000x128xf32, #tpu.memory_space<hbm>>
    tpu.wait_indirect_dma semaphore(%arg16 : memref<!tpu.dma_semaphore, #tpu.memory_space<semaphore_mem>>) src(%dma_wait3A_1283 : memref<20000x128xf32, #tpu.memory_space<hbm>>) dst(%arg10 : memref<128x128xf32, #tpu.memory_space<vmem>>)
    %dma_wait3A_1284 = arith.constant 0 : i32
    %dma_wait3A_1285 = arith.constant 0 : i32
    %dma_wait3A_1286 = tpu.memref_slice %arg8[%dma_wait3A_1284, %dma_wait3A_1285] : memref<40x128xi32, #tpu.memory_space<vmem>> -> memref<1x128xi32, #tpu.memory_space<vmem>>
    %dma_wait3A_1287 = tpu.memref_squeeze %dma_wait3A_1286 : memref<1x128xi32, #tpu.memory_space<vmem>> -> memref<128xi32, #tpu.memory_space<vmem>>
    %dma_wait3A_1288 = arith.constant 0 : i32
    %dma_wait3A_1289 = arith.constant 0 : i32
    %dma_wait3A_1290 = tpu.memref_slice %arg2[%dma_wait3A_1288, %dma_wait3A_1289] : memref<20000x128xf32, #tpu.memory_space<hbm>> -> memref<20000x128xf32, #tpu.memory_space<hbm>>
    tpu.wait_indirect_dma semaphore(%arg17 : memref<!tpu.dma_semaphore, #tpu.memory_space<semaphore_mem>>) src(%dma_wait3A_1290 : memref<20000x128xf32, #tpu.memory_space<hbm>>) dst(%arg11 : memref<128x128xf32, #tpu.memory_space<vmem>>)
    %dma_wait3A_1291 = arith.constant 0 : i32
    %dma_wait3A_1292 = arith.constant 0 : i32
    %dma_wait3A_1293 = tpu.memref_slice %arg8[%dma_wait3A_1291, %dma_wait3A_1292] : memref<40x128xi32, #tpu.memory_space<vmem>> -> memref<1x128xi32, #tpu.memory_space<vmem>>
    %dma_wait3A_1294 = tpu.memref_squeeze %dma_wait3A_1293 : memref<1x128xi32, #tpu.memory_space<vmem>> -> memref<128xi32, #tpu.memory_space<vmem>>
    %dma_wait3A_1295 = arith.constant 0 : i32
    %dma_wait3A_1296 = arith.constant 0 : i32
    %dma_wait3A_1297 = tpu.memref_slice %arg2[%dma_wait3A_1295, %dma_wait3A_1296] : memref<20000x128xf32, #tpu.memory_space<hbm>> -> memref<20000x128xf32, #tpu.memory_space<hbm>>
    tpu.wait_indirect_dma semaphore(%arg16 : memref<!tpu.dma_semaphore, #tpu.memory_space<semaphore_mem>>) src(%dma_wait3A_1297 : memref<20000x128xf32, #tpu.memory_space<hbm>>) dst(%arg10 : memref<128x128xf32, #tpu.memory_space<vmem>>)
    %dma_wait3A_1298 = arith.constant 0 : i32
    %dma_wait3A_1299 = arith.constant 0 : i32
    %dma_wait3A_1300 = tpu.memref_slice %arg8[%dma_wait3A_1298, %dma_wait3A_1299] : memref<40x128xi32, #tpu.memory_space<vmem>> -> memref<1x128xi32, #tpu.memory_space<vmem>>
    %dma_wait3A_1301 = tpu.memref_squeeze %dma_wait3A_1300 : memref<1x128xi32, #tpu.memory_space<vmem>> -> memref<128xi32, #tpu.memory_space<vmem>>
    %dma_wait3A_1302 = arith.constant 0 : i32
    %dma_wait3A_1303 = arith.constant 0 : i32
    %dma_wait3A_1304 = tpu.memref_slice %arg2[%dma_wait3A_1302, %dma_wait3A_1303] : memref<20000x128xf32, #tpu.memory_space<hbm>> -> memref<20000x128xf32, #tpu.memory_space<hbm>>
    tpu.wait_indirect_dma semaphore(%arg17 : memref<!tpu.dma_semaphore, #tpu.memory_space<semaphore_mem>>) src(%dma_wait3A_1304 : memref<20000x128xf32, #tpu.memory_space<hbm>>) dst(%arg11 : memref<128x128xf32, #tpu.memory_space<vmem>>)
    %dma_wait3A_1305 = arith.constant 0 : i32
    %dma_wait3A_1306 = arith.constant 0 : i32
    %dma_wait3A_1307 = tpu.memref_slice %arg8[%dma_wait3A_1305, %dma_wait3A_1306] : memref<40x128xi32, #tpu.memory_space<vmem>> -> memref<1x128xi32, #tpu.memory_space<vmem>>
    %dma_wait3A_1308 = tpu.memref_squeeze %dma_wait3A_1307 : memref<1x128xi32, #tpu.memory_space<vmem>> -> memref<128xi32, #tpu.memory_space<vmem>>
    %dma_wait3A_1309 = arith.constant 0 : i32
    %dma_wait3A_1310 = arith.constant 0 : i32
    %dma_wait3A_1311 = tpu.memref_slice %arg2[%dma_wait3A_1309, %dma_wait3A_1310] : memref<20000x128xf32, #tpu.memory_space<hbm>> -> memref<20000x128xf32, #tpu.memory_space<hbm>>
    tpu.wait_indirect_dma semaphore(%arg16 : memref<!tpu.dma_semaphore, #tpu.memory_space<semaphore_mem>>) src(%dma_wait3A_1311 : memref<20000x128xf32, #tpu.memory_space<hbm>>) dst(%arg10 : memref<128x128xf32, #tpu.memory_space<vmem>>)
    %dma_wait3A_1312 = arith.constant 0 : i32
    %dma_wait3A_1313 = arith.constant 0 : i32
    %dma_wait3A_1314 = tpu.memref_slice %arg8[%dma_wait3A_1312, %dma_wait3A_1313] : memref<40x128xi32, #tpu.memory_space<vmem>> -> memref<1x128xi32, #tpu.memory_space<vmem>>
    %dma_wait3A_1315 = tpu.memref_squeeze %dma_wait3A_1314 : memref<1x128xi32, #tpu.memory_space<vmem>> -> memref<128xi32, #tpu.memory_space<vmem>>
    %dma_wait3A_1316 = arith.constant 0 : i32
    %dma_wait3A_1317 = arith.constant 0 : i32
    %dma_wait3A_1318 = tpu.memref_slice %arg2[%dma_wait3A_1316, %dma_wait3A_1317] : memref<20000x128xf32, #tpu.memory_space<hbm>> -> memref<20000x128xf32, #tpu.memory_space<hbm>>
    tpu.wait_indirect_dma semaphore(%arg17 : memref<!tpu.dma_semaphore, #tpu.memory_space<semaphore_mem>>) src(%dma_wait3A_1318 : memref<20000x128xf32, #tpu.memory_space<hbm>>) dst(%arg11 : memref<128x128xf32, #tpu.memory_space<vmem>>)
    %dma_wait3A_1319 = arith.constant 0 : i32
    %dma_wait3A_1320 = arith.constant 0 : i32
    %dma_wait3A_1321 = tpu.memref_slice %arg8[%dma_wait3A_1319, %dma_wait3A_1320] : memref<40x128xi32, #tpu.memory_space<vmem>> -> memref<1x128xi32, #tpu.memory_space<vmem>>
    %dma_wait3A_1322 = tpu.memref_squeeze %dma_wait3A_1321 : memref<1x128xi32, #tpu.memory_space<vmem>> -> memref<128xi32, #tpu.memory_space<vmem>>
    %dma_wait3A_1323 = arith.constant 0 : i32
    %dma_wait3A_1324 = arith.constant 0 : i32
    %dma_wait3A_1325 = tpu.memref_slice %arg2[%dma_wait3A_1323, %dma_wait3A_1324] : memref<20000x128xf32, #tpu.memory_space<hbm>> -> memref<20000x128xf32, #tpu.memory_space<hbm>>
    tpu.wait_indirect_dma semaphore(%arg16 : memref<!tpu.dma_semaphore, #tpu.memory_space<semaphore_mem>>) src(%dma_wait3A_1325 : memref<20000x128xf32, #tpu.memory_space<hbm>>) dst(%arg10 : memref<128x128xf32, #tpu.memory_space<vmem>>)
    %dma_wait3A_1326 = arith.constant 0 : i32
    %dma_wait3A_1327 = arith.constant 0 : i32
    %dma_wait3A_1328 = tpu.memref_slice %arg8[%dma_wait3A_1326, %dma_wait3A_1327] : memref<40x128xi32, #tpu.memory_space<vmem>> -> memref<1x128xi32, #tpu.memory_space<vmem>>
    %dma_wait3A_1329 = tpu.memref_squeeze %dma_wait3A_1328 : memref<1x128xi32, #tpu.memory_space<vmem>> -> memref<128xi32, #tpu.memory_space<vmem>>
    %dma_wait3A_1330 = arith.constant 0 : i32
    %dma_wait3A_1331 = arith.constant 0 : i32
    %dma_wait3A_1332 = tpu.memref_slice %arg2[%dma_wait3A_1330, %dma_wait3A_1331] : memref<20000x128xf32, #tpu.memory_space<hbm>> -> memref<20000x128xf32, #tpu.memory_space<hbm>>
    tpu.wait_indirect_dma semaphore(%arg17 : memref<!tpu.dma_semaphore, #tpu.memory_space<semaphore_mem>>) src(%dma_wait3A_1332 : memref<20000x128xf32, #tpu.memory_space<hbm>>) dst(%arg11 : memref<128x128xf32, #tpu.memory_space<vmem>>)
    %dma_wait3A_1333 = arith.constant 0 : i32
    %dma_wait3A_1334 = arith.constant 0 : i32
    %dma_wait3A_1335 = tpu.memref_slice %arg8[%dma_wait3A_1333, %dma_wait3A_1334] : memref<40x128xi32, #tpu.memory_space<vmem>> -> memref<1x128xi32, #tpu.memory_space<vmem>>
    %dma_wait3A_1336 = tpu.memref_squeeze %dma_wait3A_1335 : memref<1x128xi32, #tpu.memory_space<vmem>> -> memref<128xi32, #tpu.memory_space<vmem>>
    %dma_wait3A_1337 = arith.constant 0 : i32
    %dma_wait3A_1338 = arith.constant 0 : i32
    %dma_wait3A_1339 = tpu.memref_slice %arg2[%dma_wait3A_1337, %dma_wait3A_1338] : memref<20000x128xf32, #tpu.memory_space<hbm>> -> memref<20000x128xf32, #tpu.memory_space<hbm>>
    tpu.wait_indirect_dma semaphore(%arg16 : memref<!tpu.dma_semaphore, #tpu.memory_space<semaphore_mem>>) src(%dma_wait3A_1339 : memref<20000x128xf32, #tpu.memory_space<hbm>>) dst(%arg10 : memref<128x128xf32, #tpu.memory_space<vmem>>)
    %dma_wait3A_1340 = arith.constant 0 : i32
    %dma_wait3A_1341 = arith.constant 0 : i32
    %dma_wait3A_1342 = tpu.memref_slice %arg8[%dma_wait3A_1340, %dma_wait3A_1341] : memref<40x128xi32, #tpu.memory_space<vmem>> -> memref<1x128xi32, #tpu.memory_space<vmem>>
    %dma_wait3A_1343 = tpu.memref_squeeze %dma_wait3A_1342 : memref<1x128xi32, #tpu.memory_space<vmem>> -> memref<128xi32, #tpu.memory_space<vmem>>
    %dma_wait3A_1344 = arith.constant 0 : i32
    %dma_wait3A_1345 = arith.constant 0 : i32
    %dma_wait3A_1346 = tpu.memref_slice %arg2[%dma_wait3A_1344, %dma_wait3A_1345] : memref<20000x128xf32, #tpu.memory_space<hbm>> -> memref<20000x128xf32, #tpu.memory_space<hbm>>
    tpu.wait_indirect_dma semaphore(%arg17 : memref<!tpu.dma_semaphore, #tpu.memory_space<semaphore_mem>>) src(%dma_wait3A_1346 : memref<20000x128xf32, #tpu.memory_space<hbm>>) dst(%arg11 : memref<128x128xf32, #tpu.memory_space<vmem>>)
    %dma_wait3A_1347 = arith.constant 0 : i32
    %dma_wait3A_1348 = arith.constant 0 : i32
    %dma_wait3A_1349 = tpu.memref_slice %arg8[%dma_wait3A_1347, %dma_wait3A_1348] : memref<40x128xi32, #tpu.memory_space<vmem>> -> memref<1x128xi32, #tpu.memory_space<vmem>>
    %dma_wait3A_1350 = tpu.memref_squeeze %dma_wait3A_1349 : memref<1x128xi32, #tpu.memory_space<vmem>> -> memref<128xi32, #tpu.memory_space<vmem>>
    %dma_wait3A_1351 = arith.constant 0 : i32
    %dma_wait3A_1352 = arith.constant 0 : i32
    %dma_wait3A_1353 = tpu.memref_slice %arg2[%dma_wait3A_1351, %dma_wait3A_1352] : memref<20000x128xf32, #tpu.memory_space<hbm>> -> memref<20000x128xf32, #tpu.memory_space<hbm>>
    tpu.wait_indirect_dma semaphore(%arg16 : memref<!tpu.dma_semaphore, #tpu.memory_space<semaphore_mem>>) src(%dma_wait3A_1353 : memref<20000x128xf32, #tpu.memory_space<hbm>>) dst(%arg10 : memref<128x128xf32, #tpu.memory_space<vmem>>)
    %dma_wait3A_1354 = arith.constant 0 : i32
    %dma_wait3A_1355 = arith.constant 0 : i32
    %dma_wait3A_1356 = tpu.memref_slice %arg8[%dma_wait3A_1354, %dma_wait3A_1355] : memref<40x128xi32, #tpu.memory_space<vmem>> -> memref<1x128xi32, #tpu.memory_space<vmem>>
    %dma_wait3A_1357 = tpu.memref_squeeze %dma_wait3A_1356 : memref<1x128xi32, #tpu.memory_space<vmem>> -> memref<128xi32, #tpu.memory_space<vmem>>
    %dma_wait3A_1358 = arith.constant 0 : i32
    %dma_wait3A_1359 = arith.constant 0 : i32
    %dma_wait3A_1360 = tpu.memref_slice %arg2[%dma_wait3A_1358, %dma_wait3A_1359] : memref<20000x128xf32, #tpu.memory_space<hbm>> -> memref<20000x128xf32, #tpu.memory_space<hbm>>
    tpu.wait_indirect_dma semaphore(%arg17 : memref<!tpu.dma_semaphore, #tpu.memory_space<semaphore_mem>>) src(%dma_wait3A_1360 : memref<20000x128xf32, #tpu.memory_space<hbm>>) dst(%arg11 : memref<128x128xf32, #tpu.memory_space<vmem>>)
    %dma_wait3A_1361 = arith.constant 0 : i32
    %dma_wait3A_1362 = arith.constant 0 : i32
    %dma_wait3A_1363 = tpu.memref_slice %arg8[%dma_wait3A_1361, %dma_wait3A_1362] : memref<40x128xi32, #tpu.memory_space<vmem>> -> memref<1x128xi32, #tpu.memory_space<vmem>>
    %dma_wait3A_1364 = tpu.memref_squeeze %dma_wait3A_1363 : memref<1x128xi32, #tpu.memory_space<vmem>> -> memref<128xi32, #tpu.memory_space<vmem>>
    %dma_wait3A_1365 = arith.constant 0 : i32
    %dma_wait3A_1366 = arith.constant 0 : i32
    %dma_wait3A_1367 = tpu.memref_slice %arg2[%dma_wait3A_1365, %dma_wait3A_1366] : memref<20000x128xf32, #tpu.memory_space<hbm>> -> memref<20000x128xf32, #tpu.memory_space<hbm>>
    tpu.wait_indirect_dma semaphore(%arg16 : memref<!tpu.dma_semaphore, #tpu.memory_space<semaphore_mem>>) src(%dma_wait3A_1367 : memref<20000x128xf32, #tpu.memory_space<hbm>>) dst(%arg10 : memref<128x128xf32, #tpu.memory_space<vmem>>)
    %dma_wait3A_1368 = arith.constant 0 : i32
    %dma_wait3A_1369 = arith.constant 0 : i32
    %dma_wait3A_1370 = tpu.memref_slice %arg8[%dma_wait3A_1368, %dma_wait3A_1369] : memref<40x128xi32, #tpu.memory_space<vmem>> -> memref<1x128xi32, #tpu.memory_space<vmem>>
    %dma_wait3A_1371 = tpu.memref_squeeze %dma_wait3A_1370 : memref<1x128xi32, #tpu.memory_space<vmem>> -> memref<128xi32, #tpu.memory_space<vmem>>
    %dma_wait3A_1372 = arith.constant 0 : i32
    %dma_wait3A_1373 = arith.constant 0 : i32
    %dma_wait3A_1374 = tpu.memref_slice %arg2[%dma_wait3A_1372, %dma_wait3A_1373] : memref<20000x128xf32, #tpu.memory_space<hbm>> -> memref<20000x128xf32, #tpu.memory_space<hbm>>
    tpu.wait_indirect_dma semaphore(%arg17 : memref<!tpu.dma_semaphore, #tpu.memory_space<semaphore_mem>>) src(%dma_wait3A_1374 : memref<20000x128xf32, #tpu.memory_space<hbm>>) dst(%arg11 : memref<128x128xf32, #tpu.memory_space<vmem>>)
    %dma_wait3A_1375 = arith.constant 0 : i32
    %dma_wait3A_1376 = arith.constant 0 : i32
    %dma_wait3A_1377 = tpu.memref_slice %arg8[%dma_wait3A_1375, %dma_wait3A_1376] : memref<40x128xi32, #tpu.memory_space<vmem>> -> memref<1x128xi32, #tpu.memory_space<vmem>>
    %dma_wait3A_1378 = tpu.memref_squeeze %dma_wait3A_1377 : memref<1x128xi32, #tpu.memory_space<vmem>> -> memref<128xi32, #tpu.memory_space<vmem>>
    %dma_wait3A_1379 = arith.constant 0 : i32
    %dma_wait3A_1380 = arith.constant 0 : i32
    %dma_wait3A_1381 = tpu.memref_slice %arg2[%dma_wait3A_1379, %dma_wait3A_1380] : memref<20000x128xf32, #tpu.memory_space<hbm>> -> memref<20000x128xf32, #tpu.memory_space<hbm>>
    tpu.wait_indirect_dma semaphore(%arg16 : memref<!tpu.dma_semaphore, #tpu.memory_space<semaphore_mem>>) src(%dma_wait3A_1381 : memref<20000x128xf32, #tpu.memory_space<hbm>>) dst(%arg10 : memref<128x128xf32, #tpu.memory_space<vmem>>)
    %dma_wait3A_1382 = arith.constant 0 : i32
    %dma_wait3A_1383 = arith.constant 0 : i32
    %dma_wait3A_1384 = tpu.memref_slice %arg8[%dma_wait3A_1382, %dma_wait3A_1383] : memref<40x128xi32, #tpu.memory_space<vmem>> -> memref<1x128xi32, #tpu.memory_space<vmem>>
    %dma_wait3A_1385 = tpu.memref_squeeze %dma_wait3A_1384 : memref<1x128xi32, #tpu.memory_space<vmem>> -> memref<128xi32, #tpu.memory_space<vmem>>
    %dma_wait3A_1386 = arith.constant 0 : i32
    %dma_wait3A_1387 = arith.constant 0 : i32
    %dma_wait3A_1388 = tpu.memref_slice %arg2[%dma_wait3A_1386, %dma_wait3A_1387] : memref<20000x128xf32, #tpu.memory_space<hbm>> -> memref<20000x128xf32, #tpu.memory_space<hbm>>
    tpu.wait_indirect_dma semaphore(%arg17 : memref<!tpu.dma_semaphore, #tpu.memory_space<semaphore_mem>>) src(%dma_wait3A_1388 : memref<20000x128xf32, #tpu.memory_space<hbm>>) dst(%arg11 : memref<128x128xf32, #tpu.memory_space<vmem>>)
    %dma_wait3A_1389 = arith.constant 0 : i32
    %dma_wait3A_1390 = arith.constant 0 : i32
    %dma_wait3A_1391 = tpu.memref_slice %arg8[%dma_wait3A_1389, %dma_wait3A_1390] : memref<40x128xi32, #tpu.memory_space<vmem>> -> memref<1x128xi32, #tpu.memory_space<vmem>>
    %dma_wait3A_1392 = tpu.memref_squeeze %dma_wait3A_1391 : memref<1x128xi32, #tpu.memory_space<vmem>> -> memref<128xi32, #tpu.memory_space<vmem>>
    %dma_wait3A_1393 = arith.constant 0 : i32
    %dma_wait3A_1394 = arith.constant 0 : i32
    %dma_wait3A_1395 = tpu.memref_slice %arg2[%dma_wait3A_1393, %dma_wait3A_1394] : memref<20000x128xf32, #tpu.memory_space<hbm>> -> memref<20000x128xf32, #tpu.memory_space<hbm>>
    tpu.wait_indirect_dma semaphore(%arg16 : memref<!tpu.dma_semaphore, #tpu.memory_space<semaphore_mem>>) src(%dma_wait3A_1395 : memref<20000x128xf32, #tpu.memory_space<hbm>>) dst(%arg10 : memref<128x128xf32, #tpu.memory_space<vmem>>)
    %dma_wait3A_1396 = arith.constant 0 : i32
    %dma_wait3A_1397 = arith.constant 0 : i32
    %dma_wait3A_1398 = tpu.memref_slice %arg8[%dma_wait3A_1396, %dma_wait3A_1397] : memref<40x128xi32, #tpu.memory_space<vmem>> -> memref<1x128xi32, #tpu.memory_space<vmem>>
    %dma_wait3A_1399 = tpu.memref_squeeze %dma_wait3A_1398 : memref<1x128xi32, #tpu.memory_space<vmem>> -> memref<128xi32, #tpu.memory_space<vmem>>
    %dma_wait3A_1400 = arith.constant 0 : i32
    %dma_wait3A_1401 = arith.constant 0 : i32
    %dma_wait3A_1402 = tpu.memref_slice %arg2[%dma_wait3A_1400, %dma_wait3A_1401] : memref<20000x128xf32, #tpu.memory_space<hbm>> -> memref<20000x128xf32, #tpu.memory_space<hbm>>
    tpu.wait_indirect_dma semaphore(%arg17 : memref<!tpu.dma_semaphore, #tpu.memory_space<semaphore_mem>>) src(%dma_wait3A_1402 : memref<20000x128xf32, #tpu.memory_space<hbm>>) dst(%arg11 : memref<128x128xf32, #tpu.memory_space<vmem>>)
    %dma_wait3A_1403 = arith.constant 0 : i32
    %dma_wait3A_1404 = arith.constant 0 : i32
    %dma_wait3A_1405 = tpu.memref_slice %arg8[%dma_wait3A_1403, %dma_wait3A_1404] : memref<40x128xi32, #tpu.memory_space<vmem>> -> memref<1x128xi32, #tpu.memory_space<vmem>>
    %dma_wait3A_1406 = tpu.memref_squeeze %dma_wait3A_1405 : memref<1x128xi32, #tpu.memory_space<vmem>> -> memref<128xi32, #tpu.memory_space<vmem>>
    %dma_wait3A_1407 = arith.constant 0 : i32
    %dma_wait3A_1408 = arith.constant 0 : i32
    %dma_wait3A_1409 = tpu.memref_slice %arg2[%dma_wait3A_1407, %dma_wait3A_1408] : memref<20000x128xf32, #tpu.memory_space<hbm>> -> memref<20000x128xf32, #tpu.memory_space<hbm>>
    tpu.wait_indirect_dma semaphore(%arg16 : memref<!tpu.dma_semaphore, #tpu.memory_space<semaphore_mem>>) src(%dma_wait3A_1409 : memref<20000x128xf32, #tpu.memory_space<hbm>>) dst(%arg10 : memref<128x128xf32, #tpu.memory_space<vmem>>)
    %dma_wait3A_1410 = arith.constant 0 : i32
    %dma_wait3A_1411 = arith.constant 0 : i32
    %dma_wait3A_1412 = tpu.memref_slice %arg8[%dma_wait3A_1410, %dma_wait3A_1411] : memref<40x128xi32, #tpu.memory_space<vmem>> -> memref<1x128xi32, #tpu.memory_space<vmem>>
    %dma_wait3A_1413 = tpu.memref_squeeze %dma_wait3A_1412 : memref<1x128xi32, #tpu.memory_space<vmem>> -> memref<128xi32, #tpu.memory_space<vmem>>
    %dma_wait3A_1414 = arith.constant 0 : i32
    %dma_wait3A_1415 = arith.constant 0 : i32
    %dma_wait3A_1416 = tpu.memref_slice %arg2[%dma_wait3A_1414, %dma_wait3A_1415] : memref<20000x128xf32, #tpu.memory_space<hbm>> -> memref<20000x128xf32, #tpu.memory_space<hbm>>
    tpu.wait_indirect_dma semaphore(%arg17 : memref<!tpu.dma_semaphore, #tpu.memory_space<semaphore_mem>>) src(%dma_wait3A_1416 : memref<20000x128xf32, #tpu.memory_space<hbm>>) dst(%arg11 : memref<128x128xf32, #tpu.memory_space<vmem>>)
    %dma_wait3A_1417 = arith.constant 0 : i32
    %dma_wait3A_1418 = arith.constant 0 : i32
    %dma_wait3A_1419 = tpu.memref_slice %arg8[%dma_wait3A_1417, %dma_wait3A_1418] : memref<40x128xi32, #tpu.memory_space<vmem>> -> memref<1x128xi32, #tpu.memory_space<vmem>>
    %dma_wait3A_1420 = tpu.memref_squeeze %dma_wait3A_1419 : memref<1x128xi32, #tpu.memory_space<vmem>> -> memref<128xi32, #tpu.memory_space<vmem>>
    %dma_wait3A_1421 = arith.constant 0 : i32
    %dma_wait3A_1422 = arith.constant 0 : i32
    %dma_wait3A_1423 = tpu.memref_slice %arg2[%dma_wait3A_1421, %dma_wait3A_1422] : memref<20000x128xf32, #tpu.memory_space<hbm>> -> memref<20000x128xf32, #tpu.memory_space<hbm>>
    tpu.wait_indirect_dma semaphore(%arg16 : memref<!tpu.dma_semaphore, #tpu.memory_space<semaphore_mem>>) src(%dma_wait3A_1423 : memref<20000x128xf32, #tpu.memory_space<hbm>>) dst(%arg10 : memref<128x128xf32, #tpu.memory_space<vmem>>)
    %dma_wait3A_1424 = arith.constant 0 : i32
    %dma_wait3A_1425 = arith.constant 0 : i32
    %dma_wait3A_1426 = tpu.memref_slice %arg8[%dma_wait3A_1424, %dma_wait3A_1425] : memref<40x128xi32, #tpu.memory_space<vmem>> -> memref<1x128xi32, #tpu.memory_space<vmem>>
    %dma_wait3A_1427 = tpu.memref_squeeze %dma_wait3A_1426 : memref<1x128xi32, #tpu.memory_space<vmem>> -> memref<128xi32, #tpu.memory_space<vmem>>
    %dma_wait3A_1428 = arith.constant 0 : i32
    %dma_wait3A_1429 = arith.constant 0 : i32
    %dma_wait3A_1430 = tpu.memref_slice %arg2[%dma_wait3A_1428, %dma_wait3A_1429] : memref<20000x128xf32, #tpu.memory_space<hbm>> -> memref<20000x128xf32, #tpu.memory_space<hbm>>
    tpu.wait_indirect_dma semaphore(%arg17 : memref<!tpu.dma_semaphore, #tpu.memory_space<semaphore_mem>>) src(%dma_wait3A_1430 : memref<20000x128xf32, #tpu.memory_space<hbm>>) dst(%arg11 : memref<128x128xf32, #tpu.memory_space<vmem>>)
    %barrier3A_1431 = arith.constant 0 : index
    tpu.barrier barrier_id(%barrier3A_1431)
    %mul3A_1432 = arith.constant 10112 : i32
    %mul3A_1433 = arith.muli %arg0, %mul3A_1432 : i32
    %add3A_1434 = arith.addi %mul3A_1433, %mul3A_2 : i32
    "tpu.region"() ({
      %run_scoped3A = tpu.sem_alloc : memref<!tpu.dma_semaphore, #tpu.memory_space<semaphore_mem>>
      %dma_start3A = arith.constant 0 : i32
      %dma_start3A_1435 = tpu.memref_slice %arg6[%add3A_1434, %dma_start3A] : memref<20224x128xf32, #tpu.memory_space<hbm>> -> memref<632x128xf32, #tpu.memory_space<hbm>>
      %dma_start3A_1436 = arith.constant 0 : i32
      %dma_start3A_1437 = tpu.memref_slice %arg14[%mul3A_2, %dma_start3A_1436] : memref<10112x128xf32, #tpu.memory_space<vmem_shared>> -> memref<632x128xf32, #tpu.memory_space<vmem_shared>>
      tpu.enqueue_dma source(%dma_start3A_1437 : memref<632x128xf32, #tpu.memory_space<vmem_shared>>) target(%dma_start3A_1435 : memref<632x128xf32, #tpu.memory_space<hbm>>) target_semaphore(%run_scoped3A : memref<!tpu.dma_semaphore, #tpu.memory_space<semaphore_mem>>)
      %dma_wait3A_1438 = arith.constant 0 : i32
      %dma_wait3A_1439 = tpu.memref_slice %arg6[%add3A_1434, %dma_wait3A_1438] : memref<20224x128xf32, #tpu.memory_space<hbm>> -> memref<632x128xf32, #tpu.memory_space<hbm>>
      %dma_wait3A_1440 = arith.constant 0 : i32
      %dma_wait3A_1441 = tpu.memref_slice %arg14[%mul3A_2, %dma_wait3A_1440] : memref<10112x128xf32, #tpu.memory_space<vmem_shared>> -> memref<632x128xf32, #tpu.memory_space<vmem_shared>>
      tpu.wait_dma2 semaphore(%run_scoped3A : memref<!tpu.dma_semaphore, #tpu.memory_space<semaphore_mem>>) src(%dma_wait3A_1441 : memref<632x128xf32, #tpu.memory_space<vmem_shared>>) dst(%dma_wait3A_1439 : memref<632x128xf32, #tpu.memory_space<hbm>>)
      tpu.yield
    }) : () -> ()
    "tpu.region"() ({
      %run_scoped3A = tpu.sem_alloc : memref<!tpu.dma_semaphore, #tpu.memory_space<semaphore_mem>>
      %dma_start3A = arith.constant 0 : i32
      %dma_start3A_1435 = tpu.memref_slice %arg13[%dma_start3A] : memref<640xf32, #tpu.memory_space<vmem>> -> memref<632xf32, #tpu.memory_space<vmem>>
      %dma_start3A_1436 = tpu.memref_slice %arg15[%mul3A_2] : memref<10112xf32, #tpu.memory_space<vmem_shared>> -> memref<632xf32, #tpu.memory_space<vmem_shared>>
      %dma_start3A_1437 = arith.constant 0 : i32
      %dma_start3A_1438 = tpu.memref_slice %arg13[%dma_start3A_1437] : memref<640xf32, #tpu.memory_space<vmem>> -> memref<632xf32, #tpu.memory_space<vmem>>
      %dma_start3A_1439 = tpu.memref_slice %arg15[%mul3A_2] : memref<10112xf32, #tpu.memory_space<vmem_shared>> -> memref<632xf32, #tpu.memory_space<vmem_shared>>
      tpu.enqueue_dma source(%dma_start3A_1439 : memref<632xf32, #tpu.memory_space<vmem_shared>>) target(%dma_start3A_1438 : memref<632xf32, #tpu.memory_space<vmem>>) target_semaphore(%run_scoped3A : memref<!tpu.dma_semaphore, #tpu.memory_space<semaphore_mem>>)
      %dma_wait3A_1440 = arith.constant 0 : i32
      %dma_wait3A_1441 = tpu.memref_slice %arg13[%dma_wait3A_1440] : memref<640xf32, #tpu.memory_space<vmem>> -> memref<632xf32, #tpu.memory_space<vmem>>
      %dma_wait3A_1442 = tpu.memref_slice %arg15[%mul3A_2] : memref<10112xf32, #tpu.memory_space<vmem_shared>> -> memref<632xf32, #tpu.memory_space<vmem_shared>>
      %dma_wait3A_1443 = arith.constant 0 : i32
      %dma_wait3A_1444 = tpu.memref_slice %arg13[%dma_wait3A_1443] : memref<640xf32, #tpu.memory_space<vmem>> -> memref<632xf32, #tpu.memory_space<vmem>>
      %dma_wait3A_1445 = tpu.memref_slice %arg15[%mul3A_2] : memref<10112xf32, #tpu.memory_space<vmem_shared>> -> memref<632xf32, #tpu.memory_space<vmem_shared>>
      tpu.wait_dma2 semaphore(%run_scoped3A : memref<!tpu.dma_semaphore, #tpu.memory_space<semaphore_mem>>) src(%dma_wait3A_1445 : memref<632xf32, #tpu.memory_space<vmem_shared>>) dst(%dma_wait3A_1444 : memref<632xf32, #tpu.memory_space<vmem>>)
      tpu.yield
    }) : () -> ()
    "tpu.region"() ({
      %run_scoped3A = tpu.sem_alloc : memref<!tpu.dma_semaphore, #tpu.memory_space<semaphore_mem>>
      %dma_start3A = arith.constant 0 : i32
      %dma_start3A_1435 = tpu.memref_slice %arg13[%dma_start3A] : memref<640xf32, #tpu.memory_space<vmem>> -> memref<632xf32, #tpu.memory_space<vmem>>
      %dma_start3A_1436 = tpu.memref_slice %arg7[%add3A_1434] : memref<20224xf32, #tpu.memory_space<hbm>> -> memref<632xf32, #tpu.memory_space<hbm>>
      %dma_start3A_1437 = tpu.memref_slice %arg7[%add3A_1434] : memref<20224xf32, #tpu.memory_space<hbm>> -> memref<632xf32, #tpu.memory_space<hbm>>
      %dma_start3A_1438 = arith.constant 0 : i32
      %dma_start3A_1439 = tpu.memref_slice %arg13[%dma_start3A_1438] : memref<640xf32, #tpu.memory_space<vmem>> -> memref<632xf32, #tpu.memory_space<vmem>>
      tpu.enqueue_dma source(%dma_start3A_1439 : memref<632xf32, #tpu.memory_space<vmem>>) target(%dma_start3A_1437 : memref<632xf32, #tpu.memory_space<hbm>>) target_semaphore(%run_scoped3A : memref<!tpu.dma_semaphore, #tpu.memory_space<semaphore_mem>>)
      %dma_wait3A_1440 = arith.constant 0 : i32
      %dma_wait3A_1441 = tpu.memref_slice %arg13[%dma_wait3A_1440] : memref<640xf32, #tpu.memory_space<vmem>> -> memref<632xf32, #tpu.memory_space<vmem>>
      %dma_wait3A_1442 = tpu.memref_slice %arg7[%add3A_1434] : memref<20224xf32, #tpu.memory_space<hbm>> -> memref<632xf32, #tpu.memory_space<hbm>>
      %dma_wait3A_1443 = tpu.memref_slice %arg7[%add3A_1434] : memref<20224xf32, #tpu.memory_space<hbm>> -> memref<632xf32, #tpu.memory_space<hbm>>
      %dma_wait3A_1444 = arith.constant 0 : i32
      %dma_wait3A_1445 = tpu.memref_slice %arg13[%dma_wait3A_1444] : memref<640xf32, #tpu.memory_space<vmem>> -> memref<632xf32, #tpu.memory_space<vmem>>
      tpu.wait_dma2 semaphore(%run_scoped3A : memref<!tpu.dma_semaphore, #tpu.memory_space<semaphore_mem>>) src(%dma_wait3A_1445 : memref<632xf32, #tpu.memory_space<vmem>>) dst(%dma_wait3A_1443 : memref<632xf32, #tpu.memory_space<hbm>>)
      tpu.yield
    }) : () -> ()
    return
  }
}

module attributes {stable_mosaic.version = 14 : i64} {
  func.func @_tc_body(%arg0: i32, %arg1: memref<2000x128xf32, #tpu.memory_space<vmem>>, %arg2: memref<2000x1xf32, #tpu.memory_space<vmem>>, %arg3: memref<2000x128xf32, #tpu.memory_space<vmem>>, %arg4: memref<2000x1xf32, #tpu.memory_space<vmem>>, %arg5: memref<128x128xf32, #tpu.memory_space<vmem>>, %arg6: memref<1x128xf32, #tpu.memory_space<vmem>>, %arg7: memref<2000x128xf32, #tpu.memory_space<vmem>>) attributes {dimension_semantics = [#tpu.dimension_semantics<arbitrary>], iteration_bounds = array<i64: 5>, scalar_prefetch = 0 : i64, scratch_operands = 0 : i64, tpu.core_type = #tpu.core_type<tc>, window_params = [{transform_indices = @transform_0, window_bounds = array<i64: 2000, 128>}, {transform_indices = @transform_1, window_bounds = array<i64: 2000, 1>}, {transform_indices = @transform_2, window_bounds = array<i64: 2000, 128>}, {transform_indices = @transform_3, window_bounds = array<i64: 2000, 1>}, {pipeline_mode = #tpu.pipeline_mode<synchronous>, transform_indices = @transform_4, window_bounds = array<i64: 128, 128>}, {pipeline_mode = #tpu.pipeline_mode<synchronous>, transform_indices = @transform_5, window_bounds = array<i64: 1, 128>}, {transform_indices = @transform_6, window_bounds = array<i64: 2000, 128>}]} {
    %get3A = arith.constant 0 : index
    %get3A_0 = arith.constant 0 : index
    %get3A_1 = vector.load %arg1[%get3A, %get3A_0] : memref<2000x128xf32, #tpu.memory_space<vmem>>, vector<2000x128xf32>
    %get3A_2 = arith.constant 0 : index
    %get3A_3 = arith.constant 0 : index
    %get3A_4 = vector.load %arg5[%get3A_2, %get3A_3] : memref<128x128xf32, #tpu.memory_space<vmem>>, vector<128x128xf32>
    %dot_general3A = arith.constant dense<0.000000e+00> : vector<2000x128xf32>
    %dot_general3A_5 = tpu.matmul %get3A_1, %get3A_4, %dot_general3A {dimension_numbers = #tpu.dot_dimension_numbers<[1], [0], [0], [1], [0, 0, 1, 1], [], []>, transpose_lhs_hint = false} : vector<2000x128xf32>, vector<128x128xf32>, vector<2000x128xf32> -> vector<2000x128xf32>
    %get3A_6 = arith.constant 0 : index
    %get3A_7 = arith.constant 0 : index
    %get3A_8 = vector.load %arg2[%get3A_6, %get3A_7] : memref<2000x1xf32, #tpu.memory_space<vmem>>, vector<2000x1xf32>
    %max3A = arith.constant 1.000000e+00 : f32
    %max3A_9 = vector.broadcast %max3A : f32 to vector<2000x1xf32>
    %max3A_10 = arith.maximumf %get3A_8, %max3A_9 : vector<2000x1xf32>
    %div3A = vector.broadcast %max3A_10 : vector<2000x1xf32> to vector<2000x128xf32>
    %div3A_11 = arith.divf %dot_general3A_5, %div3A : vector<2000x128xf32>
    %get3A_12 = arith.constant 0 : index
    %get3A_13 = arith.constant 0 : index
    %get3A_14 = vector.load %arg6[%get3A_12, %get3A_13] : memref<1x128xf32, #tpu.memory_space<vmem>>, vector<1x128xf32>
    %add3A = vector.broadcast %get3A_14 : vector<1x128xf32> to vector<2000x128xf32>
    %add3A_15 = arith.addf %div3A_11, %add3A : vector<2000x128xf32>
    %max3A_16 = arith.constant 0.000000e+00 : f32
    %max3A_17 = vector.broadcast %max3A_16 : f32 to vector<2000x128xf32>
    %max3A_18 = arith.maximumf %add3A_15, %max3A_17 : vector<2000x128xf32>
    %get3A_19 = arith.constant 0 : index
    %get3A_20 = arith.constant 0 : index
    %get3A_21 = vector.load %arg4[%get3A_19, %get3A_20] : memref<2000x1xf32, #tpu.memory_space<vmem>>, vector<2000x1xf32>
    %ne3A = arith.constant 0.000000e+00 : f32
    %ne3A_22 = vector.broadcast %ne3A : f32 to vector<2000x1xf32>
    %ne3A_23 = arith.cmpf one, %get3A_21, %ne3A_22 : vector<2000x1xf32>
    %get3A_24 = arith.constant 0 : index
    %get3A_25 = arith.constant 0 : index
    %get3A_26 = vector.load %arg3[%get3A_24, %get3A_25] : memref<2000x128xf32, #tpu.memory_space<vmem>>, vector<2000x128xf32>
    %broadcast_in_dim3A = vector.shape_cast %ne3A_23 : vector<2000x1xi1> to vector<2000x1xi1>
    %broadcast_in_dim3A_27 = vector.broadcast %broadcast_in_dim3A : vector<2000x1xi1> to vector<2000x128xi1>
    %select_n3A = arith.select %broadcast_in_dim3A_27, %get3A_26, %max3A_18 : vector<2000x128xi1>, vector<2000x128xf32>
    %swap3A = arith.constant 0 : index
    %swap3A_28 = arith.constant 0 : index
    %swap3A_29 = vector.load %arg7[%swap3A, %swap3A_28] : memref<2000x128xf32, #tpu.memory_space<vmem>>, vector<2000x128xf32>
    tpu.vector_store %arg7[%swap3A, %swap3A_28], %select_n3A {strides = array<i32>} : memref<2000x128xf32, #tpu.memory_space<vmem>>, vector<2000x128xf32>,
    return
  }
  func.func @transform_0(%arg0: i32) -> (i32, i32) {
    %c0_i32 = arith.constant 0 : i32
    %c0_i32_0 = arith.constant 0 : i32
    return %arg0, %c0_i32 : i32, i32
  }
  func.func @transform_1(%arg0: i32) -> (i32, i32) {
    %c0_i32 = arith.constant 0 : i32
    %c0_i32_0 = arith.constant 0 : i32
    return %arg0, %c0_i32 : i32, i32
  }
  func.func @transform_2(%arg0: i32) -> (i32, i32) {
    %c0_i32 = arith.constant 0 : i32
    %c0_i32_0 = arith.constant 0 : i32
    return %arg0, %c0_i32 : i32, i32
  }
  func.func @transform_3(%arg0: i32) -> (i32, i32) {
    %c0_i32 = arith.constant 0 : i32
    %c0_i32_0 = arith.constant 0 : i32
    return %arg0, %c0_i32 : i32, i32
  }
  func.func @transform_4(%arg0: i32) -> (i32, i32) {
    %c0_i32 = arith.constant 0 : i32
    %c0_i32_0 = arith.constant 0 : i32
    %c0_i32_1 = arith.constant 0 : i32
    return %c0_i32, %c0_i32_0 : i32, i32
  }
  func.func @transform_5(%arg0: i32) -> (i32, i32) {
    %c0_i32 = arith.constant 0 : i32
    %c0_i32_0 = arith.constant 0 : i32
    %c0_i32_1 = arith.constant 0 : i32
    return %c0_i32, %c0_i32_0 : i32, i32
  }
  func.func @transform_6(%arg0: i32) -> (i32, i32) {
    %c0_i32 = arith.constant 0 : i32
    %c0_i32_0 = arith.constant 0 : i32
    return %arg0, %c0_i32 : i32, i32
  }
}

</mosaic_0001>

<sc_bundles>
// kernel: kernel.5.cloned.1.call-start
scs
__scs_entry_jumppad:
0x0: {  	(pc) =	sbr.rel $0x88, $3  }
0x1: {  	(tag) =	ssettag $0x0;
	lr =	simm.s32 $0x1  }
0x2: {  	[smem:$0x3F99] =	sst lr;
	_ =	strace $0xD0000000  }
0x3: {  	_ = 	snop  }
0x4: {  	_ = 	snop  }
0x5: {  	_ = 	snop  }
0x6: {  	_ = 	snop  }
0x7: {  	_ = 	snop  }
__scs_overlays_trampoline_lowered:
0x8: {  	[smem:$0x3FA8] =	sst s0  }
0x9: {  	[smem:$0x3FA9] =	sst s1  }
0xa: {  	[smem:$0x3FAA] =	sst s2  }
0xb: {  	[smem:$0x3FAB] =	sst s3  }
0xc: {  	[smem:$0x3FAC] =	sst s4  }
0xd: {  	[smem:$0x3FAD] =	sst s5  }
0xe: {  	[smem:$0x3FAE] =	sst s6  }
0xf: {  	[smem:$0x3FAF] =	sst s7  }
0x10: {  	[smem:$0x3FB0] =	sst s8  }
0x11: {  	[smem:$0x3FB1] =	sst s9;
	s0 =	simm.s32 @!p0 $0x0  }
0x12: {  	s1 =	sld [smem:$0x3F97];
	s0 =	simm.s32 @p0 $0x1  }
0x13: {  	[smem:$0x3FB2] =	sst s0;
	s0 =	simm.s32 @!p1 $0x0  }
0x14: {  	s2 =	sld [smem:$0x3F96];
	s0 =	simm.s32 @p1 $0x1  }
0x15: {  	[smem:$0x3FB3] =	sst s0;
	s0 =	simm.s32 @!p2 $0x0  }
0x16: {  	s3 =	sld [smem:$0x3FDB];
	s0 =	simm.s32 @p2 $0x1  }
0x17: {  	s4 =	simm.s32 $0x1BF5;
	[smem:$0x3FB5] =	sst s0  }
0x18: {  	s0 =	sld [smem:$0x3F98];
	_ =	swait.ge [sflag:s4], $0x0  }
0x19: {  	s7 =	sld [smem:$0x3F99]  }
0x1a: {  	s8 =	sadd.s32 $0xFFFFE003, lr  }
0x1b: {  	s9 =	sadd.s32 $0xFFFFFEF7, lr;
	s5 =	simm.s32 $0xFFFFFFFF;
	p2 =	slt.u32 s8, $0xFFFFF086  }
0x1c: {  	p1 =	slt.u32 s9, $0xF7A;
	s5 =	simm.s32 @!p2 $0x0  }
0x1d: {  	s5 =	simm.s32 @p1 $0x1;
	p0 =	seq.s32 s7, s2  }
0x1e: {  	s7 =	smul.u32 @!p0 $0xF7A, s2;
	p2 =	seq.s32 @!p0 s5, $0x0  }
0x1f: {  	s9 =	smul.u32 $0xF7A, s1;
	s8 =	simm.s32 @!p0 $0x1BF5;
	p2 =	por !p2, p0  }
0x20: {  	[sflag:s8] =	ssyncset.s32 @!p0 $0xFFFFF086;
	s6 =	sadd.s32 @!p0 s3, s7;
	s7 =	simm.s32 @!p0 $0x108  }
0x21: {  	s3 =	sadd.s32 s3, s9;
	s6 =	sadd.s32 @!p0 $0x88, s6;
	s7 =	simm.s32 @p2 $0x1082  }
0x22: {  	[simem:s7], [sflag:s8] =	dma.local @!p0 [hbm:s6], $0xF7A  }
0x23: {  	s9 =	sor.u32 $0xD0000000, s2;
	s6 =	simm.s32 $0x108;
	_ =	swait.ge @!p0 [sflag:s8], $0x0  }
0x24: {  	s3 =	sadd.s32 $0x88, s3;
	s6 =	simm.s32 @!p1 $0x1082;
	[sflag:s4] =	ssyncset.s32 $0xFFFFF086  }
0x25: {  	[simem:s6], [sflag:s4] =	dma.local [hbm:s3], $0xF7A  }
0x26: {  	[smem:$0x3F99] =	sst s1;
	(tag) =	ssettag s2;
	_ =	strace s9  }
0x27: {  	s1 =	sld [smem:$0x3FA9]  }
0x28: {  	s2 =	sld [smem:$0x3FAA]  }
0x29: {  	s4 =	sld [smem:$0x3FAC]  }
0x2a: {  	p0 =	seq.s32 s5, $0x0;
	s5 =	sld [smem:$0x3FAD]  }
0x2b: {  	s6 =	sld [smem:$0x3FAE]  }
0x2c: {  	s7 =	sld [smem:$0x3FAF]  }
0x2d: {  	s3 =	simm.s32 $0x108;
	s8 =	sld [smem:$0x3FB0]  }
0x2e: {  	s3 =	simm.s32 @!p0 $0x1082;
	s9 =	sld [smem:$0x3FB1]  }
0x2f: {  	lr =	sadd.s32 s0, s3;
	s0 =	sld [smem:$0x3FA8]  }
0x30: {  	s3 =	sld [smem:$0x3FAB]  }
0x31: {  	[smem:$0x3FB4] =	sst s10  }
0x32: {  	s10 =	sld [smem:$0x3FB2];
	_ =	sdelay $0x3  }
0x33: {  	p0 =	seq.s32 s10, $0x1;
	s10 =	sld [smem:$0x3FB4];
	_ =	sdelay $0x3  }
0x34: {  	[smem:$0x3FB4] =	sst s10  }
0x35: {  	s10 =	sld [smem:$0x3FB3];
	_ =	sdelay $0x3  }
0x36: {  	p1 =	seq.s32 s10, $0x1;
	s10 =	sld [smem:$0x3FB4];
	_ =	sdelay $0x3  }
0x37: {  	[smem:$0x3FB4] =	sst s10  }
0x38: {  	s10 =	sld [smem:$0x3FB5]  }
0x39: {  	_ = 	snop;
	(pc) =	sbr.ind lr, $3  }
0x3a: {  	_ = 	snop  }
0x3b: {  	_ = 	snop  }
0x3c: {  	p2 =	seq.s32 s10, $0x1;
	s10 =	sld [smem:$0x3FB4]  }
0x3d: {  	_ =	shalt  }
0x3e: {  	_ =	shalt  }
0x3f: {  	_ =	shalt  }
0x40: {  	_ =	shalt  }
0x41: {  	_ =	shalt  }
0x42: {  	_ =	shalt  }
0x43: {  	_ =	shalt  }
0x44: {  	_ =	shalt  }
0x45: {  	_ =	shalt  }
0x46: {  	_ =	shalt  }
0x47: {  	_ =	shalt  }
0x48: {  	_ =	shalt  }
0x49: {  	_ =	shalt  }
0x4a: {  	_ =	shalt  }
0x4b: {  	_ =	shalt  }
0x4c: {  	_ =	shalt  }
0x4d: {  	_ =	shalt  }
0x4e: {  	_ =	shalt  }
0x4f: {  	_ =	shalt  }
0x50: {  	_ =	shalt  }
0x51: {  	_ =	shalt  }
0x52: {  	_ =	shalt  }
0x53: {  	_ =	shalt  }
0x54: {  	_ =	shalt  }
0x55: {  	_ =	shalt  }
0x56: {  	_ =	shalt  }
0x57: {  	_ =	shalt  }
0x58: {  	_ =	shalt  }
0x59: {  	_ =	shalt  }
0x5a: {  	_ =	shalt  }
0x5b: {  	_ =	shalt  }
0x5c: {  	_ =	shalt  }
0x5d: {  	_ =	shalt  }
0x5e: {  	_ =	shalt  }
0x5f: {  	_ =	shalt  }
0x60: {  	_ =	shalt  }
0x61: {  	_ =	shalt  }
0x62: {  	_ =	shalt  }
0x63: {  	_ =	shalt  }
0x64: {  	_ =	shalt  }
0x65: {  	_ =	shalt  }
0x66: {  	_ =	shalt  }
0x67: {  	_ =	shalt  }
0x68: {  	_ =	shalt  }
0x69: {  	_ =	shalt  }
0x6a: {  	_ =	shalt  }
0x6b: {  	_ =	shalt  }
0x6c: {  	_ =	shalt  }
0x6d: {  	_ =	shalt  }
0x6e: {  	_ =	shalt  }
0x6f: {  	_ =	shalt  }
0x70: {  	_ =	shalt  }
0x71: {  	_ =	shalt  }
0x72: {  	_ =	shalt  }
0x73: {  	_ =	shalt  }
0x74: {  	_ =	shalt  }
0x75: {  	_ =	shalt  }
0x76: {  	_ =	shalt  }
0x77: {  	_ =	shalt  }
0x78: {  	_ =	shalt  }
0x79: {  	_ =	shalt  }
0x7a: {  	_ =	shalt  }
0x7b: {  	_ =	shalt  }
0x7c: {  	_ =	shalt  }
0x7d: {  	_ =	shalt  }
0x7e: {  	_ =	shalt  }
0x7f: {  	_ =	shalt  }
0x80: {  	_ =	shalt  }
0x81: {  	_ =	shalt  }
0x82: {  	_ =	shalt  }
0x83: {  	_ =	shalt  }
0x84: {  	_ =	shalt  }
0x85: {  	_ =	shalt  }
0x86: {  	_ =	shalt  }
0x87: {  	_ =	shalt  }
.Lfunc_end0:
.L_simem_size_0:
called_computation_lowered:
.L_overlay_start_0:
0x88: {  	s2 =	sld [smem:$0x3FD9]  }
0x89: {  	s3 =	sld [smem:$0x3FFE];
	_ =	sdelay $0x1  }
0x8a: {  	s1 =	srdreg.scid  }
0x8b: {  	s0 =	sand.u32 $0x1, s1  }
0x8c: {  	s14 =	sshll.u32 s0, $0xA;
	s2 =	sadd.s32 s3, s2  }
0x8d: {  	s2 =	sadd.s32 s2, s14  }
0x8e: {  	[smem:$0x3FC0] =	sst s2  }
0x8f: {  	_ = 	snop  }
0x90: {  	s2 =	sld [smem:$0x3FD0];
	_ =	sdelay $0x2  }
0x91: {  	s15 =	simm.s32 $0xA;
	s4 =	simm.s32 $0x10  }
0x92: {  	[smem:s4], [sflag:s15] =	dma.local [hbm:s2], $0x1  }
0x93: {  	_ =	swait.eq [sflag:s15], $0x1  }
0x94: {  	[sflag:s15] =	ssyncset.done $0x0  }
0x95: {  	s16 =	sld [smem:$0x10];
	[sflag:s15] =	ssyncadd.s32 $0xFFFFFFFF  }
0x96: {  	s17 =	sld [smem:$0x11];
	(tm) =	ssettm $0x1  }
0x97: {  	s18 =	sld [smem:$0x3FFB];
	_ =	sdelay $0x3  }
0x98: {  	_ =	strace s18  }
0x99: {  	s4 =	sld [smem:$0x3FFC];
	_ =	sdelay $0x3  }
0x9a: {  	_ =	strace s4  }
0x9b: {  	s4 =	sld [smem:$0x3FFD];
	_ =	sdelay $0x3  }
0x9c: {  	_ =	strace s4  }
0x9d: {  	_ =	strace $0x8FFFFFFF  }
0x9e: {  	s19 =	sld [smem:$0x3FDB];
	_ =	sdelay $0x1  }
0x9f: {  	s5 =	simm.s32 $_scs_section_size  }
0xa0: {  	s6 =	simm.s32 $_size__tile_overlayer_lowered;
	s7 =	simm.s32 $_tile_overlayer_lowered  }
0xa1: {  	s22 =	simm.s32 $0x1BFF;
	s21 =	sshll.u32 s7, $0x1;
	s4 =	sadd.s32 s5, s19  }
0xa2: {  	s8 =	simm.s32 $0x0;
	s20 =	sshll.u32 s6, $0x1;
	s6 =	sadd.s32 s21, s4  }
0xa3: {  	[timem:s8], [sflag:s22] =	dma.local [hbm:s6], s20  }
0xa4: {  	_ =	swait.ge [sflag:s22], s20  }
0xa5: {  	s5 =	ssub.s32 $0x0, s20;
	[sflag:s22] =	ssyncset.done $0x0  }
0xa6: {  	[sflag:s22] =	ssyncadd.s32 s5;
	_ =	sdelay $0x1  }
0xa7: {  	s23 =	simm.s32 $0x1B8B  }
0xa8: {  	_ =	swait.ge [sflag:s23], $0x1  }
0xa9: {  	[sflag:s23] =	ssyncset.done $0x0  }
0xaa: {  	s25 =	simm.s32 $0x1B8E;
	s24 =	sld [smem:$0x3FFE];
	[sflag:s23] =	ssyncadd.s32 $0xFFFFFFFF  }
0xab: {  	s26 =	simm.s32 $execute0_lowered;
	[smem:$0x3FD2] =	sst s25  }
0xac: {  	s6 =	sshll.u32 s26, $0x1;
	_ =	strace $0x80000046;
	[dreg:$0x1] =	wrdreg $0xFFFFFFFF  }
0xad: {  	s28 =	simm.s32 $_size_execute0_lowered;
	s4 =	sadd.s32 s4, s6;
	[dreg:$0x0] =	wrdreg $0x0  }
0xae: {  	s6 =	sshll.u32 s28, $0x1;
	[dreg:$0x2] =	wrdreg s4  }
0xaf: {  	[dreg:$0x3] =	wrdreg s6  }
0xb0: {  	[dreg:$0x4] =	wrdreg $0xC0  }
0xb1: {  	_ =	task [dreg:s8], $0x5FFFF  }
0xb2: {  	[dreg:$0x1] =	wrdreg $0xFFFFFFFF  }
0xb3: {  	[dreg:$0x0] =	wrdreg $0x60  }
0xb4: {  	[dreg:$0x2] =	wrdreg s24  }
0xb5: {  	[dreg:$0x3] =	wrdreg s17  }
0xb6: {  	[dreg:$0x4] =	wrdreg s16  }
0xb7: {  	[dreg:$0x5] =	wrdreg $0xAB000  }
0xb8: {  	[dreg:$0x6] =	wrdreg $0x1E7000  }
0xb9: {  	[dreg:$0x7] =	wrdreg $0x9  }
0xba: {  	_ =	task.clear_ibuf [dreg:s8], $0x8FFFF;
	_ =	strace $0x90000046  }
0xbb: {  	s29 =	simm.s32 $0x9;
	_ =	strace $0x80000048  }
0xbc: {  	_ =	swait.ge [sflag:s29], $0x1  }
0xbd: {  	[sflag:s29] =	ssyncadd.s32 $0xFFFFFFFF  }
0xbe: {  	_ =	strace $0x90000048  }
0xbf: {  	_ =	sfence  }
0xc0: {  	s30 =	sld [smem:$0x0];
	_ =	sdelay $0x2  }
0xc1: {  	s31 =	sshll.u32 s1, $0xD;
	s1 =	sshrl.u32 s1, $0x2  }
0xc2: {  	s3 =	sand.u32 $0x4000, s31;
	s1 =	sadd.s32 s1, s30  }
0xc3: {  	s0 =	sor.u32 s3, s0;
	s1 =	sshll.u32 s1, $0x11  }
0xc4: {  	s0 =	sor.u32 s1, s0  }
0xc5: {  	s0 =	sadd.s32 $0x8F2B, s0  }
0xc6: {  	[sflag:s0] =	ssyncadd.remote.s32 $0x1  }
0xc7: {  	_ =	sfence.sel $0xFFFF  }
0xc8: {  	[dreg:$0x0] =	wrdreg $0xFFFFFFFF;
	(pc) =	sbr.abs _section_cstart, $3  }
0xc9: {  	[dreg:$0x1] =	wrdreg $0xFFFFFFFF  }
0xca: {  	_ =	task.clear_ibuf [dreg:s8], $0x2FFFF;
	_ =	strace $0x9FFFFFFF  }
0xcb: {  	(tm) =	ssettm $0x7FFFFFFF  }
tec
execute0_lowered:
.L_overlay_start_1:
0x0: {  	(tag) =	ssettag $0x1  }
0x1: {  	s0 =	rddreg [dreg:$0x0]  }
0x2: {  	s1 =	rddreg [dreg:$0x1]  }
0x3: {  	s2 =	rddreg [dreg:$0x2]  }
0x4: {  	s4 =	rddreg [dreg:$0x3]  }
0x5: {  	s6 =	rddreg [dreg:$0x4]  }
0x6: {  	s3 =	srdreg.scid;
	s14 =	stileid.u32;
	s22 =	simm.s32 $0x0  }
0x7: {  	s29 =	simm.s32 $0x1;
	s30 =	simm.s32 $0x2;
	s5 =	sand.u32 $0x1, s3  }
0x8: {  	s8 =	smul.u32 $0x278, s14;
	[smem:$0x7FF] =	sst s22;
	s10 =	sadd.s32 $0x50400, s0  }
0x9: {  	s25 =	sshll.u32 s14, $0x6;
	s3 =	smul.u32 $0x2780, s5;
	s7 =	sshll.u32 s5, $0x4  }
0xa: {  	_ =	strace $0x80000047;
	[dreg:$0x6] =	wrdreg s10;
	s5 =	ssub.s32 $0x2, s5  }
0xb: {  	s26 =	sor.u32 $0x1C03, s25;
	s7 =	sor.u32 s14, s7;
	s13 =	sshrl.u32 s5, $0x1  }
0xc: {  	[dreg:$0x11] =	wrdreg s26;
	s11 =	sadd.s32 s8, s3;
	s7 =	smul.u32 $0x5000, s7  }
0xd: {  	s3 =	sadd.s32 $0x2200, s0;
	s5 =	ssub.s32 s5, s13;
	s28 =	sshll.u32 s11, $0x4  }
0xe: {  	s10 =	sadd.s32 s28, s0;
	s7 =	sshrl.u32 s7, $0x3;
	s28 =	sadd.s32 s8, s6  }
0xf: {  	s13 =	simm.s32 $0x6800;
	s31 =	sadd.s32 s1, s7;
	[dreg:$0x12] =	wrdreg s28  }
0x10: {  	s11 =	sshrl.u32 s11, $0x3;
	s9 =	sadd.s32 s2, s7;
	[dreg:$0x7] =	wrdreg s31  }
0x11: {  	s0 =	sadd.s32 s11, s0;
	s24 =	sadd.s32 $0x52C00, s10;
	[dreg:$0x8] =	wrdreg s9  }
0x12: {  	s12 =	sadd.s32 $0x280, s7;
	s0 =	sadd.s32 $0xA1C00, s0;
	[dreg:$0xf] =	wrdreg s24  }
0x13: {  	s6 =	smax.u32 s5, $0x1;
	s15 =	sadd.s32 s1, s12;
	[dreg:$0x10] =	wrdreg s0  }
0x14: {  	s17 =	sadd.s32 $0x500, s7;
	s16 =	sadd.s32 s2, s12;
	[dreg:$0x9] =	wrdreg s15  }
0x15: {  	s9 =	smul.u32 $0x4F000, s14;
	s18 =	sadd.s32 s1, s17;
	[dreg:$0xa] =	wrdreg s16  }
0x16: {  	s7 =	sadd.s32 $0x780, s7;
	s19 =	sadd.s32 s2, s17;
	[dreg:$0xb] =	wrdreg s18  }
0x17: {  	s1 =	sadd.s32 s1, s7;
	[dreg:$0xc] =	wrdreg s19;
	s20 =	sshrl.u32 s9, $0x2  }
0x18: {  	s21 =	sadd.s32 s2, s7;
	[dreg:$0xd] =	wrdreg s1;
	s23 =	sadd.s32 s20, s4  }
0x19: {  	s8 =	simm.s32 $0x3;
	[dreg:$0xe] =	wrdreg s21;
	s31 =	sshrl.u32 s23, $0x3  }
0x1a: {  	v0 =	vimm.f32 $1.000000000e+00;
	v1 =	vimm.f32 $0.0e+00;
	s11 =	simm.s32 $0x80;
	s12 =	simm.s32 $0x2800;
	[dreg:$0x13] =	wrdreg s31  }
.LBB2_1:
0x1b: {  	s31 =	rddreg [dreg:$0x6]  }
0x1c: {  	s0 =	rddreg [dreg:$0x11]  }
0x1d: {  	s1 =	rddreg [dreg:$0x13]  }
0x1e: {  	[spmem:s1], [sflag:s0] =	dma.local [hbm:s31], $0x2780  }
0x1f: {  	_ =	swait.ge [sflag:s8], $0x2780  }
0x20: {  	[sflag:s8] =	ssyncset.done $0x0  }
0x21: {  	[sflag:s8] =	ssyncadd.s32 $0xFFFFD880  }
0x22: {  	[tilespmem:$0xA800] =	vst v0  }
0x23: {  	[tilespmem:$0xA810] =	vst v0  }
0x24: {  	[tilespmem:$0xA820] =	vst v0  }
0x25: {  	[tilespmem:$0xA830] =	vst v0  }
0x26: {  	[tilespmem:$0xA840] =	vst v0  }
0x27: {  	[tilespmem:$0xA850] =	vst v0  }
0x28: {  	[tilespmem:$0xA860] =	vst v0  }
0x29: {  	[tilespmem:$0xA870] =	vst v0  }
0x2a: {  	[tilespmem:$0xA880] =	vst v1  }
0x2b: {  	[tilespmem:$0xA890] =	vst v1  }
0x2c: {  	[tilespmem:$0xA8A0] =	vst v1  }
0x2d: {  	[tilespmem:$0xA8B0] =	vst v1  }
0x2e: {  	[tilespmem:$0xA8C0] =	vst v1  }
0x2f: {  	[tilespmem:$0xA8D0] =	vst v1  }
0x30: {  	[tilespmem:$0xA8E0] =	vst v1  }
0x31: {  	[tilespmem:$0xA8F0] =	vst v1  }
0x32: {  	[tilespmem:$0xA900] =	vst v1  }
0x33: {  	[tilespmem:$0xA910] =	vst v1  }
0x34: {  	[tilespmem:$0xA920] =	vst v1  }
0x35: {  	[tilespmem:$0xA930] =	vst v1  }
0x36: {  	[tilespmem:$0xA940] =	vst v1  }
0x37: {  	[tilespmem:$0xA950] =	vst v1  }
0x38: {  	[tilespmem:$0xA960] =	vst v1  }
0x39: {  	[tilespmem:$0xA970] =	vst v1  }
0x3a: {  	[tilespmem:$0xA980] =	vst v1  }
0x3b: {  	[tilespmem:$0xA990] =	vst v1  }
0x3c: {  	[tilespmem:$0xA9A0] =	vst v1  }
0x3d: {  	[tilespmem:$0xA9B0] =	vst v1  }
0x3e: {  	[tilespmem:$0xA9C0] =	vst v1  }
0x3f: {  	[tilespmem:$0xA9D0] =	vst v1  }
0x40: {  	[tilespmem:$0xA9E0] =	vst v1  }
0x41: {  	[tilespmem:$0xA9F0] =	vst v1  }
0x42: {  	[tilespmem:$0xAA00] =	vst v1  }
0x43: {  	[tilespmem:$0xAA10] =	vst v1  }
0x44: {  	[tilespmem:$0xAA20] =	vst v1  }
0x45: {  	[tilespmem:$0xAA30] =	vst v1  }
0x46: {  	[tilespmem:$0xAA40] =	vst v1  }
0x47: {  	[tilespmem:$0xAA50] =	vst v1  }
0x48: {  	[tilespmem:$0xAA60] =	vst v1  }
0x49: {  	[tilespmem:$0xAA70] =	vst v1  }
0x4a: {  	[tilespmem:$0xAA80] =	vst v1  }
0x4b: {  	[tilespmem:$0xAA90] =	vst v1  }
0x4c: {  	[tilespmem:$0xAAA0] =	vst v1  }
0x4d: {  	[tilespmem:$0xAAB0] =	vst v1  }
0x4e: {  	[tilespmem:$0xAAC0] =	vst v1  }
0x4f: {  	[tilespmem:$0xAAD0] =	vst v1  }
0x50: {  	[tilespmem:$0xAAE0] =	vst v1  }
0x51: {  	s9 =	simm.s32 $0xA880;
	s7 =	rddreg [dreg:$0x12];
	[tilespmem:$0xAAF0] =	vst v1  }
0x52: {  	[spmem:s7] =	stream.linear.scatter [tilespmem:s9], [sflag:$0x3], $0x278, $0x38;
	[tilespmem:$0x1E978] =	vst v63  }
0x53: {  	_ =	swait.ge [sflag:s8], $0x278  }
0x54: {  	[sflag:s8] =	ssyncset.done $0x0  }
0x55: {  	[sflag:s8] =	ssyncadd.s32 $0xFFFFFD88  }
0x56: {  	[bflag:$0x0] =	sbarrier.arrive $0xFFFF  }
0x57: {  	s10 =	rddreg [dreg:$0x7]  }
0x58: {  	[tilespmem:s22], [sflag:$0x3] =	stream.linear.gather [hbm4b:s10+s22], $0x1400, $0x38;
	[tilespmem:$0x1E978] =	vst v63  }
0x59: {  	_ =	swait.ge [sflag:s8], $0x1400  }
0x5a: {  	[sflag:s8] =	ssyncset.done $0x0  }
0x5b: {  	s15 =	simm.s32 $0x1400;
	s14 =	rddreg [dreg:$0x8];
	[sflag:s8] =	ssyncadd.s32 $0xFFFFEC00  }
0x5c: {  	[tilespmem:s15], [sflag:$0x3] =	stream.linear.gather [hbm4b:s14+s22], $0x1400, $0x38;
	[tilespmem:$0x1E978] =	vst v63  }
0x5d: {  	_ =	swait.ge [sflag:s8], $0x1400  }
0x5e: {  	[sflag:s8] =	ssyncset.done $0x0  }
0x5f: {  	[sflag:s8] =	ssyncadd.s32 $0xFFFFEC00  }
0x60: {  	[tilespmem:s12], [sflag:$0x1] =	stream.indirect.gather [hbm4b:s3+s11], $0x80, s22, s11, $0xb8;
	[tilespmem:$0x1E978] =	vst v63  }
0x61: {  	_ = 	snop  }
0x62: {  	[tilespmem:s13], [sflag:$0x2] =	stream.indirect.gather [hbm4b:s3+s11], $0x80, s11, s11, $0xb8;
	[tilespmem:$0x1E978] =	vst v63  }
0x63: {  	s16 =	simm.s32 $0x100  }
0x64: {  	[tilespmem:s12], [sflag:$0x1] =	stream.indirect.gather [hbm4b:s3+s11], $0x80, s16, s11, $0xb8;
	[tilespmem:$0x1E978] =	vst v63  }
0x65: {  	s17 =	simm.s32 $0x180  }
0x66: {  	[tilespmem:s13], [sflag:$0x2] =	stream.indirect.gather [hbm4b:s3+s11], $0x80, s17, s11, $0xb8;
	[tilespmem:$0x1E978] =	vst v63  }
0x67: {  	s18 =	simm.s32 $0x200  }
0x68: {  	[tilespmem:s12], [sflag:$0x1] =	stream.indirect.gather [hbm4b:s3+s11], $0x80, s18, s11, $0xb8;
	[tilespmem:$0x1E978] =	vst v63  }
0x69: {  	s19 =	simm.s32 $0x280  }
0x6a: {  	[tilespmem:s13], [sflag:$0x2] =	stream.indirect.gather [hbm4b:s3+s11], $0x80, s19, s11, $0xb8;
	[tilespmem:$0x1E978] =	vst v63  }
0x6b: {  	s20 =	simm.s32 $0x300  }
0x6c: {  	[tilespmem:s12], [sflag:$0x1] =	stream.indirect.gather [hbm4b:s3+s11], $0x80, s20, s11, $0xb8;
	[tilespmem:$0x1E978] =	vst v63  }
0x6d: {  	s21 =	simm.s32 $0x380  }
0x6e: {  	[tilespmem:s13], [sflag:$0x2] =	stream.indirect.gather [hbm4b:s3+s11], $0x80, s21, s11, $0xb8;
	[tilespmem:$0x1E978] =	vst v63  }
0x6f: {  	s23 =	simm.s32 $0x400  }
0x70: {  	[tilespmem:s12], [sflag:$0x1] =	stream.indirect.gather [hbm4b:s3+s11], $0x80, s23, s11, $0xb8;
	[tilespmem:$0x1E978] =	vst v63  }
0x71: {  	s24 =	simm.s32 $0x480  }
0x72: {  	[tilespmem:s13], [sflag:$0x2] =	stream.indirect.gather [hbm4b:s3+s11], $0x80, s24, s11, $0xb8;
	[tilespmem:$0x1E978] =	vst v63  }
0x73: {  	s25 =	simm.s32 $0x500  }
0x74: {  	[tilespmem:s12], [sflag:$0x1] =	stream.indirect.gather [hbm4b:s3+s11], $0x80, s25, s11, $0xb8;
	[tilespmem:$0x1E978] =	vst v63  }
0x75: {  	s26 =	simm.s32 $0x580  }
0x76: {  	[tilespmem:s13], [sflag:$0x2] =	stream.indirect.gather [hbm4b:s3+s11], $0x80, s26, s11, $0xb8;
	[tilespmem:$0x1E978] =	vst v63  }
0x77: {  	s28 =	simm.s32 $0x600  }
0x78: {  	[tilespmem:s12], [sflag:$0x1] =	stream.indirect.gather [hbm4b:s3+s11], $0x80, s28, s11, $0xb8;
	[tilespmem:$0x1E978] =	vst v63  }
0x79: {  	s31 =	simm.s32 $0x680  }
0x7a: {  	[tilespmem:s13], [sflag:$0x2] =	stream.indirect.gather [hbm4b:s3+s11], $0x80, s31, s11, $0xb8;
	[tilespmem:$0x1E978] =	vst v63  }
0x7b: {  	s5 =	simm.s32 $0x700  }
0x7c: {  	[tilespmem:s12], [sflag:$0x1] =	stream.indirect.gather [hbm4b:s3+s11], $0x80, s5, s11, $0xb8;
	[tilespmem:$0x1E978] =	vst v63  }
0x7d: {  	s7 =	simm.s32 $0x780  }
0x7e: {  	[tilespmem:s13], [sflag:$0x2] =	stream.indirect.gather [hbm4b:s3+s11], $0x80, s7, s11, $0xb8;
	[tilespmem:$0x1E978] =	vst v63  }
0x7f: {  	s9 =	simm.s32 $0x800  }
0x80: {  	[tilespmem:s12], [sflag:$0x1] =	stream.indirect.gather [hbm4b:s3+s11], $0x80, s9, s11, $0xb8;
	[tilespmem:$0x1E978] =	vst v63  }
0x81: {  	s10 =	simm.s32 $0x880  }
0x82: {  	[tilespmem:s13], [sflag:$0x2] =	stream.indirect.gather [hbm4b:s3+s11], $0x80, s10, s11, $0xb8;
	[tilespmem:$0x1E978] =	vst v63  }
0x83: {  	s14 =	simm.s32 $0x900  }
0x84: {  	[tilespmem:s12], [sflag:$0x1] =	stream.indirect.gather [hbm4b:s3+s11], $0x80, s14, s11, $0xb8;
	[tilespmem:$0x1E978] =	vst v63  }
0x85: {  	s15 =	simm.s32 $0x980  }
0x86: {  	[tilespmem:s13], [sflag:$0x2] =	stream.indirect.gather [hbm4b:s3+s11], $0x80, s15, s11, $0xb8;
	[tilespmem:$0x1E978] =	vst v63  }
0x87: {  	s16 =	simm.s32 $0xA00  }
0x88: {  	[tilespmem:s12], [sflag:$0x1] =	stream.indirect.gather [hbm4b:s3+s11], $0x80, s16, s11, $0xb8;
	[tilespmem:$0x1E978] =	vst v63  }
0x89: {  	s17 =	simm.s32 $0xA80  }
0x8a: {  	[tilespmem:s13], [sflag:$0x2] =	stream.indirect.gather [hbm4b:s3+s11], $0x80, s17, s11, $0xb8;
	[tilespmem:$0x1E978] =	vst v63  }
0x8b: {  	s18 =	simm.s32 $0xB00  }
0x8c: {  	[tilespmem:s12], [sflag:$0x1] =	stream.indirect.gather [hbm4b:s3+s11], $0x80, s18, s11, $0xb8;
	[tilespmem:$0x1E978] =	vst v63  }
0x8d: {  	s19 =	simm.s32 $0xB80  }
0x8e: {  	[tilespmem:s13], [sflag:$0x2] =	stream.indirect.gather [hbm4b:s3+s11], $0x80, s19, s11, $0xb8;
	[tilespmem:$0x1E978] =	vst v63  }
0x8f: {  	s20 =	simm.s32 $0xC00  }
0x90: {  	[tilespmem:s12], [sflag:$0x1] =	stream.indirect.gather [hbm4b:s3+s11], $0x80, s20, s11, $0xb8;
	[tilespmem:$0x1E978] =	vst v63  }
0x91: {  	s21 =	simm.s32 $0xC80  }
0x92: {  	[tilespmem:s13], [sflag:$0x2] =	stream.indirect.gather [hbm4b:s3+s11], $0x80, s21, s11, $0xb8;
	[tilespmem:$0x1E978] =	vst v63  }
0x93: {  	s23 =	simm.s32 $0xD00  }
0x94: {  	[tilespmem:s12], [sflag:$0x1] =	stream.indirect.gather [hbm4b:s3+s11], $0x80, s23, s11, $0xb8;
	[tilespmem:$0x1E978] =	vst v63  }
0x95: {  	s26 =	simm.s32 $0xD80  }
0x96: {  	[tilespmem:s13], [sflag:$0x2] =	stream.indirect.gather [hbm4b:s3+s11], $0x80, s26, s11, $0xb8;
	[tilespmem:$0x1E978] =	vst v63  }
0x97: {  	s0 =	simm.s32 $0xE00  }
0x98: {  	[tilespmem:s12], [sflag:$0x1] =	stream.indirect.gather [hbm4b:s3+s11], $0x80, s0, s11, $0xb8;
	[tilespmem:$0x1E978] =	vst v63  }
0x99: {  	s5 =	simm.s32 $0xE80  }
0x9a: {  	[tilespmem:s13], [sflag:$0x2] =	stream.indirect.gather [hbm4b:s3+s11], $0x80, s5, s11, $0xb8;
	[tilespmem:$0x1E978] =	vst v63  }
0x9b: {  	s7 =	simm.s32 $0xF00  }
0x9c: {  	[tilespmem:s12], [sflag:$0x1] =	stream.indirect.gather [hbm4b:s3+s11], $0x80, s7, s11, $0xb8;
	[tilespmem:$0x1E978] =	vst v63  }
0x9d: {  	s9 =	simm.s32 $0xF80  }
0x9e: {  	[tilespmem:s13], [sflag:$0x2] =	stream.indirect.gather [hbm4b:s3+s11], $0x80, s9, s11, $0xb8;
	[tilespmem:$0x1E978] =	vst v63  }
0x9f: {  	s10 =	simm.s32 $0x1000  }
0xa0: {  	[tilespmem:s12], [sflag:$0x1] =	stream.indirect.gather [hbm4b:s3+s11], $0x80, s10, s11, $0xb8;
	[tilespmem:$0x1E978] =	vst v63  }
0xa1: {  	s14 =	simm.s32 $0x1080  }
0xa2: {  	[tilespmem:s13], [sflag:$0x2] =	stream.indirect.gather [hbm4b:s3+s11], $0x80, s14, s11, $0xb8;
	[tilespmem:$0x1E978] =	vst v63  }
0xa3: {  	s15 =	simm.s32 $0x1100  }
0xa4: {  	[tilespmem:s12], [sflag:$0x1] =	stream.indirect.gather [hbm4b:s3+s11], $0x80, s15, s11, $0xb8;
	[tilespmem:$0x1E978] =	vst v63  }
0xa5: {  	s16 =	simm.s32 $0x1180  }
0xa6: {  	[tilespmem:s13], [sflag:$0x2] =	stream.indirect.gather [hbm4b:s3+s11], $0x80, s16, s11, $0xb8;
	[tilespmem:$0x1E978] =	vst v63  }
0xa7: {  	s17 =	simm.s32 $0x1200  }
0xa8: {  	[tilespmem:s12], [sflag:$0x1] =	stream.indirect.gather [hbm4b:s3+s11], $0x80, s17, s11, $0xb8;
	[tilespmem:$0x1E978] =	vst v63  }
0xa9: {  	s18 =	simm.s32 $0x1280  }
0xaa: {  	[tilespmem:s13], [sflag:$0x2] =	stream.indirect.gather [hbm4b:s3+s11], $0x80, s18, s11, $0xb8;
	[tilespmem:$0x1E978] =	vst v63  }
0xab: {  	s19 =	simm.s32 $0x1300  }
0xac: {  	[tilespmem:s12], [sflag:$0x1] =	stream.indirect.gather [hbm4b:s3+s11], $0x80, s19, s11, $0xb8;
	[tilespmem:$0x1E978] =	vst v63  }
0xad: {  	s20 =	simm.s32 $0x1380  }
0xae: {  	[tilespmem:s13], [sflag:$0x2] =	stream.indirect.gather [hbm4b:s3+s11], $0x80, s20, s11, $0xb8;
	[tilespmem:$0x1E978] =	vst v63  }
0xaf: {  	_ =	swait.ge [sflag:s29], $0x4000  }
0xb0: {  	[sflag:s29] =	ssyncset.done $0x0  }
0xb1: {  	[sflag:s29] =	ssyncadd.s32 $0xFFFFC000  }
0xb2: {  	_ =	swait.ge [sflag:s30], $0x4000  }
0xb3: {  	[sflag:s30] =	ssyncset.done $0x0  }
0xb4: {  	[sflag:s30] =	ssyncadd.s32 $0xFFFFC000  }
0xb5: {  	_ =	swait.ge [sflag:s29], $0x4000  }
0xb6: {  	[sflag:s29] =	ssyncset.done $0x0  }
0xb7: {  	[sflag:s29] =	ssyncadd.s32 $0xFFFFC000  }
0xb8: {  	_ =	swait.ge [sflag:s30], $0x4000  }
0xb9: {  	[sflag:s30] =	ssyncset.done $0x0  }
0xba: {  	[sflag:s30] =	ssyncadd.s32 $0xFFFFC000  }
0xbb: {  	_ =	swait.ge [sflag:s29], $0x4000  }
0xbc: {  	[sflag:s29] =	ssyncset.done $0x0  }
0xbd: {  	[sflag:s29] =	ssyncadd.s32 $0xFFFFC000  }
0xbe: {  	_ =	swait.ge [sflag:s30], $0x4000  }
0xbf: {  	[sflag:s30] =	ssyncset.done $0x0  }
0xc0: {  	[sflag:s30] =	ssyncadd.s32 $0xFFFFC000  }
0xc1: {  	_ =	swait.ge [sflag:s29], $0x4000  }
0xc2: {  	[sflag:s29] =	ssyncset.done $0x0  }
0xc3: {  	[sflag:s29] =	ssyncadd.s32 $0xFFFFC000  }
0xc4: {  	_ =	swait.ge [sflag:s30], $0x4000  }
0xc5: {  	[sflag:s30] =	ssyncset.done $0x0  }
0xc6: {  	[sflag:s30] =	ssyncadd.s32 $0xFFFFC000  }
0xc7: {  	_ =	swait.ge [sflag:s29], $0x4000  }
0xc8: {  	[sflag:s29] =	ssyncset.done $0x0  }
0xc9: {  	[sflag:s29] =	ssyncadd.s32 $0xFFFFC000  }
0xca: {  	_ =	swait.ge [sflag:s30], $0x4000  }
0xcb: {  	[sflag:s30] =	ssyncset.done $0x0  }
0xcc: {  	[sflag:s30] =	ssyncadd.s32 $0xFFFFC000  }
0xcd: {  	_ =	swait.ge [sflag:s29], $0x4000  }
0xce: {  	[sflag:s29] =	ssyncset.done $0x0  }
0xcf: {  	[sflag:s29] =	ssyncadd.s32 $0xFFFFC000  }
0xd0: {  	_ =	swait.ge [sflag:s30], $0x4000  }
0xd1: {  	[sflag:s30] =	ssyncset.done $0x0  }
0xd2: {  	[sflag:s30] =	ssyncadd.s32 $0xFFFFC000  }
0xd3: {  	_ =	swait.ge [sflag:s29], $0x4000  }
0xd4: {  	[sflag:s29] =	ssyncset.done $0x0  }
0xd5: {  	[sflag:s29] =	ssyncadd.s32 $0xFFFFC000  }
0xd6: {  	_ =	swait.ge [sflag:s30], $0x4000  }
0xd7: {  	[sflag:s30] =	ssyncset.done $0x0  }
0xd8: {  	[sflag:s30] =	ssyncadd.s32 $0xFFFFC000  }
0xd9: {  	_ =	swait.ge [sflag:s29], $0x4000  }
0xda: {  	[sflag:s29] =	ssyncset.done $0x0  }
0xdb: {  	[sflag:s29] =	ssyncadd.s32 $0xFFFFC000  }
0xdc: {  	_ =	swait.ge [sflag:s30], $0x4000  }
0xdd: {  	[sflag:s30] =	ssyncset.done $0x0  }
0xde: {  	[sflag:s30] =	ssyncadd.s32 $0xFFFFC000  }
0xdf: {  	_ =	swait.ge [sflag:s29], $0x4000  }
0xe0: {  	[sflag:s29] =	ssyncset.done $0x0  }
0xe1: {  	[sflag:s29] =	ssyncadd.s32 $0xFFFFC000  }
0xe2: {  	_ =	swait.ge [sflag:s30], $0x4000  }
0xe3: {  	[sflag:s30] =	ssyncset.done $0x0  }
0xe4: {  	[sflag:s30] =	ssyncadd.s32 $0xFFFFC000  }
0xe5: {  	_ =	swait.ge [sflag:s29], $0x4000  }
0xe6: {  	[sflag:s29] =	ssyncset.done $0x0  }
0xe7: {  	[sflag:s29] =	ssyncadd.s32 $0xFFFFC000  }
0xe8: {  	_ =	swait.ge [sflag:s30], $0x4000  }
0xe9: {  	[sflag:s30] =	ssyncset.done $0x0  }
0xea: {  	[sflag:s30] =	ssyncadd.s32 $0xFFFFC000  }
0xeb: {  	_ =	swait.ge [sflag:s29], $0x4000  }
0xec: {  	[sflag:s29] =	ssyncset.done $0x0  }
0xed: {  	[sflag:s29] =	ssyncadd.s32 $0xFFFFC000  }
0xee: {  	_ =	swait.ge [sflag:s30], $0x4000  }
0xef: {  	[sflag:s30] =	ssyncset.done $0x0  }
0xf0: {  	[sflag:s30] =	ssyncadd.s32 $0xFFFFC000  }
0xf1: {  	_ =	swait.ge [sflag:s29], $0x4000  }
0xf2: {  	[sflag:s29] =	ssyncset.done $0x0  }
0xf3: {  	[sflag:s29] =	ssyncadd.s32 $0xFFFFC000  }
0xf4: {  	_ =	swait.ge [sflag:s30], $0x4000  }
0xf5: {  	[sflag:s30] =	ssyncset.done $0x0  }
0xf6: {  	[sflag:s30] =	ssyncadd.s32 $0xFFFFC000  }
0xf7: {  	_ =	swait.ge [sflag:s29], $0x4000  }
0xf8: {  	[sflag:s29] =	ssyncset.done $0x0  }
0xf9: {  	[sflag:s29] =	ssyncadd.s32 $0xFFFFC000  }
0xfa: {  	_ =	swait.ge [sflag:s30], $0x4000  }
0xfb: {  	[sflag:s30] =	ssyncset.done $0x0  }
0xfc: {  	[sflag:s30] =	ssyncadd.s32 $0xFFFFC000  }
0xfd: {  	_ =	swait.ge [sflag:s29], $0x4000  }
0xfe: {  	[sflag:s29] =	ssyncset.done $0x0  }
0xff: {  	[sflag:s29] =	ssyncadd.s32 $0xFFFFC000  }
0x100: {  	_ =	swait.ge [sflag:s30], $0x4000  }
0x101: {  	[sflag:s30] =	ssyncset.done $0x0  }
0x102: {  	[sflag:s30] =	ssyncadd.s32 $0xFFFFC000  }
0x103: {  	_ =	swait.ge [sflag:s29], $0x4000  }
0x104: {  	[sflag:s29] =	ssyncset.done $0x0  }
0x105: {  	[sflag:s29] =	ssyncadd.s32 $0xFFFFC000  }
0x106: {  	_ =	swait.ge [sflag:s30], $0x4000  }
0x107: {  	[sflag:s30] =	ssyncset.done $0x0  }
0x108: {  	[sflag:s30] =	ssyncadd.s32 $0xFFFFC000  }
0x109: {  	_ =	swait.ge [sflag:s29], $0x4000  }
0x10a: {  	[sflag:s29] =	ssyncset.done $0x0  }
0x10b: {  	[sflag:s29] =	ssyncadd.s32 $0xFFFFC000  }
0x10c: {  	_ =	swait.ge [sflag:s30], $0x4000  }
0x10d: {  	[sflag:s30] =	ssyncset.done $0x0  }
0x10e: {  	[sflag:s30] =	ssyncadd.s32 $0xFFFFC000  }
0x10f: {  	_ =	swait.ge [sflag:s29], $0x4000  }
0x110: {  	[sflag:s29] =	ssyncset.done $0x0  }
0x111: {  	[sflag:s29] =	ssyncadd.s32 $0xFFFFC000  }
0x112: {  	_ =	swait.ge [sflag:s30], $0x4000  }
0x113: {  	[sflag:s30] =	ssyncset.done $0x0  }
0x114: {  	[sflag:s30] =	ssyncadd.s32 $0xFFFFC000  }
0x115: {  	_ =	swait.ge [sflag:s29], $0x4000  }
0x116: {  	[sflag:s29] =	ssyncset.done $0x0  }
0x117: {  	[sflag:s29] =	ssyncadd.s32 $0xFFFFC000  }
0x118: {  	_ =	swait.ge [sflag:s30], $0x4000  }
0x119: {  	[sflag:s30] =	ssyncset.done $0x0  }
0x11a: {  	[sflag:s30] =	ssyncadd.s32 $0xFFFFC000  }
0x11b: {  	_ =	swait.ge [sflag:s29], $0x4000  }
0x11c: {  	[sflag:s29] =	ssyncset.done $0x0  }
0x11d: {  	[sflag:s29] =	ssyncadd.s32 $0xFFFFC000  }
0x11e: {  	_ =	swait.ge [sflag:s30], $0x4000  }
0x11f: {  	[sflag:s30] =	ssyncset.done $0x0  }
0x120: {  	[sflag:s30] =	ssyncadd.s32 $0xFFFFC000  }
0x121: {  	_ =	swait.ge [sflag:s29], $0x4000  }
0x122: {  	[sflag:s29] =	ssyncset.done $0x0  }
0x123: {  	[sflag:s29] =	ssyncadd.s32 $0xFFFFC000  }
0x124: {  	_ =	swait.ge [sflag:s30], $0x4000  }
0x125: {  	[sflag:s30] =	ssyncset.done $0x0  }
0x126: {  	s21 =	rddreg [dreg:$0x9];
	[sflag:s30] =	ssyncadd.s32 $0xFFFFC000  }
0x127: {  	[tilespmem:s22], [sflag:$0x3] =	stream.linear.gather [hbm4b:s21+s22], $0x1400, $0x38;
	[tilespmem:$0x1E978] =	vst v63  }
0x128: {  	_ =	swait.ge [sflag:s8], $0x1400  }
0x129: {  	[sflag:s8] =	ssyncset.done $0x0  }
0x12a: {  	s4 =	simm.s32 $0x1400;
	s26 =	rddreg [dreg:$0xa];
	[sflag:s8] =	ssyncadd.s32 $0xFFFFEC00  }
0x12b: {  	[tilespmem:s4], [sflag:$0x3] =	stream.linear.gather [hbm4b:s26+s22], $0x1400, $0x38;
	[tilespmem:$0x1E978] =	vst v63  }
0x12c: {  	_ =	swait.ge [sflag:s8], $0x1400  }
0x12d: {  	[sflag:s8] =	ssyncset.done $0x0  }
0x12e: {  	[sflag:s8] =	ssyncadd.s32 $0xFFFFEC00  }
0x12f: {  	[tilespmem:s12], [sflag:$0x1] =	stream.indirect.gather [hbm4b:s3+s11], $0x80, s22, s11, $0xb8;
	[tilespmem:$0x1E978] =	vst v63  }
0x130: {  	_ = 	snop  }
0x131: {  	[tilespmem:s13], [sflag:$0x2] =	stream.indirect.gather [hbm4b:s3+s11], $0x80, s11, s11, $0xb8;
	[tilespmem:$0x1E978] =	vst v63  }
0x132: {  	s1 =	simm.s32 $0x100  }
0x133: {  	[tilespmem:s12], [sflag:$0x1] =	stream.indirect.gather [hbm4b:s3+s11], $0x80, s1, s11, $0xb8;
	[tilespmem:$0x1E978] =	vst v63  }
0x134: {  	s2 =	simm.s32 $0x180  }
0x135: {  	[tilespmem:s13], [sflag:$0x2] =	stream.indirect.gather [hbm4b:s3+s11], $0x80, s2, s11, $0xb8;
	[tilespmem:$0x1E978] =	vst v63  }
0x136: {  	s26 =	simm.s32 $0x200  }
0x137: {  	[tilespmem:s12], [sflag:$0x1] =	stream.indirect.gather [hbm4b:s3+s11], $0x80, s26, s11, $0xb8;
	[tilespmem:$0x1E978] =	vst v63  }
0x138: {  	s4 =	simm.s32 $0x280  }
0x139: {  	[tilespmem:s13], [sflag:$0x2] =	stream.indirect.gather [hbm4b:s3+s11], $0x80, s4, s11, $0xb8;
	[tilespmem:$0x1E978] =	vst v63  }
0x13a: {  	s5 =	simm.s32 $0x300  }
0x13b: {  	[tilespmem:s12], [sflag:$0x1] =	stream.indirect.gather [hbm4b:s3+s11], $0x80, s5, s11, $0xb8;
	[tilespmem:$0x1E978] =	vst v63  }
0x13c: {  	s7 =	simm.s32 $0x380  }
0x13d: {  	[tilespmem:s13], [sflag:$0x2] =	stream.indirect.gather [hbm4b:s3+s11], $0x80, s7, s11, $0xb8;
	[tilespmem:$0x1E978] =	vst v63  }
0x13e: {  	s9 =	simm.s32 $0x400  }
0x13f: {  	[tilespmem:s12], [sflag:$0x1] =	stream.indirect.gather [hbm4b:s3+s11], $0x80, s9, s11, $0xb8;
	[tilespmem:$0x1E978] =	vst v63  }
0x140: {  	s10 =	simm.s32 $0x480  }
0x141: {  	[tilespmem:s13], [sflag:$0x2] =	stream.indirect.gather [hbm4b:s3+s11], $0x80, s10, s11, $0xb8;
	[tilespmem:$0x1E978] =	vst v63  }
0x142: {  	s14 =	simm.s32 $0x500  }
0x143: {  	[tilespmem:s12], [sflag:$0x1] =	stream.indirect.gather [hbm4b:s3+s11], $0x80, s14, s11, $0xb8;
	[tilespmem:$0x1E978] =	vst v63  }
0x144: {  	s15 =	simm.s32 $0x580  }
0x145: {  	[tilespmem:s13], [sflag:$0x2] =	stream.indirect.gather [hbm4b:s3+s11], $0x80, s15, s11, $0xb8;
	[tilespmem:$0x1E978] =	vst v63  }
0x146: {  	s16 =	simm.s32 $0x600  }
0x147: {  	[tilespmem:s12], [sflag:$0x1] =	stream.indirect.gather [hbm4b:s3+s11], $0x80, s16, s11, $0xb8;
	[tilespmem:$0x1E978] =	vst v63  }
0x148: {  	s17 =	simm.s32 $0x680  }
0x149: {  	[tilespmem:s13], [sflag:$0x2] =	stream.indirect.gather [hbm4b:s3+s11], $0x80, s17, s11, $0xb8;
	[tilespmem:$0x1E978] =	vst v63  }
0x14a: {  	s18 =	simm.s32 $0x700  }
0x14b: {  	[tilespmem:s12], [sflag:$0x1] =	stream.indirect.gather [hbm4b:s3+s11], $0x80, s18, s11, $0xb8;
	[tilespmem:$0x1E978] =	vst v63  }
0x14c: {  	s19 =	simm.s32 $0x780  }
0x14d: {  	[tilespmem:s13], [sflag:$0x2] =	stream.indirect.gather [hbm4b:s3+s11], $0x80, s19, s11, $0xb8;
	[tilespmem:$0x1E978] =	vst v63  }
0x14e: {  	s20 =	simm.s32 $0x800  }
0x14f: {  	[tilespmem:s12], [sflag:$0x1] =	stream.indirect.gather [hbm4b:s3+s11], $0x80, s20, s11, $0xb8;
	[tilespmem:$0x1E978] =	vst v63  }
0x150: {  	s21 =	simm.s32 $0x880  }
0x151: {  	[tilespmem:s13], [sflag:$0x2] =	stream.indirect.gather [hbm4b:s3+s11], $0x80, s21, s11, $0xb8;
	[tilespmem:$0x1E978] =	vst v63  }
0x152: {  	s0 =	simm.s32 $0x900  }
0x153: {  	[tilespmem:s12], [sflag:$0x1] =	stream.indirect.gather [hbm4b:s3+s11], $0x80, s0, s11, $0xb8;
	[tilespmem:$0x1E978] =	vst v63  }
0x154: {  	s1 =	simm.s32 $0x980  }
0x155: {  	[tilespmem:s13], [sflag:$0x2] =	stream.indirect.gather [hbm4b:s3+s11], $0x80, s1, s11, $0xb8;
	[tilespmem:$0x1E978] =	vst v63  }
0x156: {  	s2 =	simm.s32 $0xA00  }
0x157: {  	[tilespmem:s12], [sflag:$0x1] =	stream.indirect.gather [hbm4b:s3+s11], $0x80, s2, s11, $0xb8;
	[tilespmem:$0x1E978] =	vst v63  }
0x158: {  	s28 =	simm.s32 $0xA80  }
0x159: {  	[tilespmem:s13], [sflag:$0x2] =	stream.indirect.gather [hbm4b:s3+s11], $0x80, s28, s11, $0xb8;
	[tilespmem:$0x1E978] =	vst v63  }
0x15a: {  	s24 =	simm.s32 $0xB00  }
0x15b: {  	[tilespmem:s12], [sflag:$0x1] =	stream.indirect.gather [hbm4b:s3+s11], $0x80, s24, s11, $0xb8;
	[tilespmem:$0x1E978] =	vst v63  }
0x15c: {  	s25 =	simm.s32 $0xB80  }
0x15d: {  	[tilespmem:s13], [sflag:$0x2] =	stream.indirect.gather [hbm4b:s3+s11], $0x80, s25, s11, $0xb8;
	[tilespmem:$0x1E978] =	vst v63  }
0x15e: {  	s31 =	simm.s32 $0xC00  }
0x15f: {  	[tilespmem:s12], [sflag:$0x1] =	stream.indirect.gather [hbm4b:s3+s11], $0x80, s31, s11, $0xb8;
	[tilespmem:$0x1E978] =	vst v63  }
0x160: {  	s31 =	simm.s32 $0xC80  }
0x161: {  	[tilespmem:s13], [sflag:$0x2] =	stream.indirect.gather [hbm4b:s3+s11], $0x80, s31, s11, $0xb8;
	[tilespmem:$0x1E978] =	vst v63  }
0x162: {  	s31 =	simm.s32 $0xD00  }
0x163: {  	[tilespmem:s12], [sflag:$0x1] =	stream.indirect.gather [hbm4b:s3+s11], $0x80, s31, s11, $0xb8;
	[tilespmem:$0x1E978] =	vst v63  }
0x164: {  	s31 =	simm.s32 $0xD80  }
0x165: {  	[tilespmem:s13], [sflag:$0x2] =	stream.indirect.gather [hbm4b:s3+s11], $0x80, s31, s11, $0xb8;
	[tilespmem:$0x1E978] =	vst v63  }
0x166: {  	s31 =	simm.s32 $0xE00  }
0x167: {  	[tilespmem:s12], [sflag:$0x1] =	stream.indirect.gather [hbm4b:s3+s11], $0x80, s31, s11, $0xb8;
	[tilespmem:$0x1E978] =	vst v63  }
0x168: {  	s31 =	simm.s32 $0xE80  }
0x169: {  	[tilespmem:s13], [sflag:$0x2] =	stream.indirect.gather [hbm4b:s3+s11], $0x80, s31, s11, $0xb8;
	[tilespmem:$0x1E978] =	vst v63  }
0x16a: {  	s31 =	simm.s32 $0xF00  }
0x16b: {  	[tilespmem:s12], [sflag:$0x1] =	stream.indirect.gather [hbm4b:s3+s11], $0x80, s31, s11, $0xb8;
	[tilespmem:$0x1E978] =	vst v63  }
0x16c: {  	s31 =	simm.s32 $0xF80  }
0x16d: {  	[tilespmem:s13], [sflag:$0x2] =	stream.indirect.gather [hbm4b:s3+s11], $0x80, s31, s11, $0xb8;
	[tilespmem:$0x1E978] =	vst v63  }
0x16e: {  	s31 =	simm.s32 $0x1000  }
0x16f: {  	[tilespmem:s12], [sflag:$0x1] =	stream.indirect.gather [hbm4b:s3+s11], $0x80, s31, s11, $0xb8;
	[tilespmem:$0x1E978] =	vst v63  }
0x170: {  	s31 =	simm.s32 $0x1080  }
0x171: {  	[tilespmem:s13], [sflag:$0x2] =	stream.indirect.gather [hbm4b:s3+s11], $0x80, s31, s11, $0xb8;
	[tilespmem:$0x1E978] =	vst v63  }
0x172: {  	s31 =	simm.s32 $0x1100  }
0x173: {  	[tilespmem:s12], [sflag:$0x1] =	stream.indirect.gather [hbm4b:s3+s11], $0x80, s31, s11, $0xb8;
	[tilespmem:$0x1E978] =	vst v63  }
0x174: {  	s31 =	simm.s32 $0x1180  }
0x175: {  	[tilespmem:s13], [sflag:$0x2] =	stream.indirect.gather [hbm4b:s3+s11], $0x80, s31, s11, $0xb8;
	[tilespmem:$0x1E978] =	vst v63  }
0x176: {  	s31 =	simm.s32 $0x1200  }
0x177: {  	[tilespmem:s12], [sflag:$0x1] =	stream.indirect.gather [hbm4b:s3+s11], $0x80, s31, s11, $0xb8;
	[tilespmem:$0x1E978] =	vst v63  }
0x178: {  	s31 =	simm.s32 $0x1280  }
0x179: {  	[tilespmem:s13], [sflag:$0x2] =	stream.indirect.gather [hbm4b:s3+s11], $0x80, s31, s11, $0xb8;
	[tilespmem:$0x1E978] =	vst v63  }
0x17a: {  	s31 =	simm.s32 $0x1300  }
0x17b: {  	[tilespmem:s12], [sflag:$0x1] =	stream.indirect.gather [hbm4b:s3+s11], $0x80, s31, s11, $0xb8;
	[tilespmem:$0x1E978] =	vst v63  }
0x17c: {  	s23 =	simm.s32 $0x1380  }
0x17d: {  	[tilespmem:s13], [sflag:$0x2] =	stream.indirect.gather [hbm4b:s3+s11], $0x80, s23, s11, $0xb8;
	[tilespmem:$0x1E978] =	vst v63  }
0x17e: {  	_ =	swait.ge [sflag:s29], $0x4000  }
0x17f: {  	[sflag:s29] =	ssyncset.done $0x0  }
0x180: {  	[sflag:s29] =	ssyncadd.s32 $0xFFFFC000  }
0x181: {  	_ =	swait.ge [sflag:s30], $0x4000  }
0x182: {  	[sflag:s30] =	ssyncset.done $0x0  }
0x183: {  	[sflag:s30] =	ssyncadd.s32 $0xFFFFC000  }
0x184: {  	_ =	swait.ge [sflag:s29], $0x4000  }
0x185: {  	[sflag:s29] =	ssyncset.done $0x0  }
0x186: {  	[sflag:s29] =	ssyncadd.s32 $0xFFFFC000  }
0x187: {  	_ =	swait.ge [sflag:s30], $0x4000  }
0x188: {  	[sflag:s30] =	ssyncset.done $0x0  }
0x189: {  	[sflag:s30] =	ssyncadd.s32 $0xFFFFC000  }
0x18a: {  	_ =	swait.ge [sflag:s29], $0x4000  }
0x18b: {  	[sflag:s29] =	ssyncset.done $0x0  }
0x18c: {  	[sflag:s29] =	ssyncadd.s32 $0xFFFFC000  }
0x18d: {  	_ =	swait.ge [sflag:s30], $0x4000  }
0x18e: {  	[sflag:s30] =	ssyncset.done $0x0  }
0x18f: {  	[sflag:s30] =	ssyncadd.s32 $0xFFFFC000  }
0x190: {  	_ =	swait.ge [sflag:s29], $0x4000  }
0x191: {  	[sflag:s29] =	ssyncset.done $0x0  }
0x192: {  	[sflag:s29] =	ssyncadd.s32 $0xFFFFC000  }
0x193: {  	_ =	swait.ge [sflag:s30], $0x4000  }
0x194: {  	[sflag:s30] =	ssyncset.done $0x0  }
0x195: {  	[sflag:s30] =	ssyncadd.s32 $0xFFFFC000  }
0x196: {  	_ =	swait.ge [sflag:s29], $0x4000  }
0x197: {  	[sflag:s29] =	ssyncset.done $0x0  }
0x198: {  	[sflag:s29] =	ssyncadd.s32 $0xFFFFC000  }
0x199: {  	_ =	swait.ge [sflag:s30], $0x4000  }
0x19a: {  	[sflag:s30] =	ssyncset.done $0x0  }
0x19b: {  	[sflag:s30] =	ssyncadd.s32 $0xFFFFC000  }
0x19c: {  	_ =	swait.ge [sflag:s29], $0x4000  }
0x19d: {  	[sflag:s29] =	ssyncset.done $0x0  }
0x19e: {  	[sflag:s29] =	ssyncadd.s32 $0xFFFFC000  }
0x19f: {  	_ =	swait.ge [sflag:s30], $0x4000  }
0x1a0: {  	[sflag:s30] =	ssyncset.done $0x0  }
0x1a1: {  	[sflag:s30] =	ssyncadd.s32 $0xFFFFC000  }
0x1a2: {  	_ =	swait.ge [sflag:s29], $0x4000  }
0x1a3: {  	[sflag:s29] =	ssyncset.done $0x0  }
0x1a4: {  	[sflag:s29] =	ssyncadd.s32 $0xFFFFC000  }
0x1a5: {  	_ =	swait.ge [sflag:s30], $0x4000  }
0x1a6: {  	[sflag:s30] =	ssyncset.done $0x0  }
0x1a7: {  	[sflag:s30] =	ssyncadd.s32 $0xFFFFC000  }
0x1a8: {  	_ =	swait.ge [sflag:s29], $0x4000  }
0x1a9: {  	[sflag:s29] =	ssyncset.done $0x0  }
0x1aa: {  	[sflag:s29] =	ssyncadd.s32 $0xFFFFC000  }
0x1ab: {  	_ =	swait.ge [sflag:s30], $0x4000  }
0x1ac: {  	[sflag:s30] =	ssyncset.done $0x0  }
0x1ad: {  	[sflag:s30] =	ssyncadd.s32 $0xFFFFC000  }
0x1ae: {  	_ =	swait.ge [sflag:s29], $0x4000  }
0x1af: {  	[sflag:s29] =	ssyncset.done $0x0  }
0x1b0: {  	[sflag:s29] =	ssyncadd.s32 $0xFFFFC000  }
0x1b1: {  	_ =	swait.ge [sflag:s30], $0x4000  }
0x1b2: {  	[sflag:s30] =	ssyncset.done $0x0  }
0x1b3: {  	[sflag:s30] =	ssyncadd.s32 $0xFFFFC000  }
0x1b4: {  	_ =	swait.ge [sflag:s29], $0x4000  }
0x1b5: {  	[sflag:s29] =	ssyncset.done $0x0  }
0x1b6: {  	[sflag:s29] =	ssyncadd.s32 $0xFFFFC000  }
0x1b7: {  	_ =	swait.ge [sflag:s30], $0x4000  }
0x1b8: {  	[sflag:s30] =	ssyncset.done $0x0  }
0x1b9: {  	[sflag:s30] =	ssyncadd.s32 $0xFFFFC000  }
0x1ba: {  	_ =	swait.ge [sflag:s29], $0x4000  }
0x1bb: {  	[sflag:s29] =	ssyncset.done $0x0  }
0x1bc: {  	[sflag:s29] =	ssyncadd.s32 $0xFFFFC000  }
0x1bd: {  	_ =	swait.ge [sflag:s30], $0x4000  }
0x1be: {  	[sflag:s30] =	ssyncset.done $0x0  }
0x1bf: {  	[sflag:s30] =	ssyncadd.s32 $0xFFFFC000  }
0x1c0: {  	_ =	swait.ge [sflag:s29], $0x4000  }
0x1c1: {  	[sflag:s29] =	ssyncset.done $0x0  }
0x1c2: {  	[sflag:s29] =	ssyncadd.s32 $0xFFFFC000  }
0x1c3: {  	_ =	swait.ge [sflag:s30], $0x4000  }
0x1c4: {  	[sflag:s30] =	ssyncset.done $0x0  }
0x1c5: {  	[sflag:s30] =	ssyncadd.s32 $0xFFFFC000  }
0x1c6: {  	_ =	swait.ge [sflag:s29], $0x4000  }
0x1c7: {  	[sflag:s29] =	ssyncset.done $0x0  }
0x1c8: {  	[sflag:s29] =	ssyncadd.s32 $0xFFFFC000  }
0x1c9: {  	_ =	swait.ge [sflag:s30], $0x4000  }
0x1ca: {  	[sflag:s30] =	ssyncset.done $0x0  }
0x1cb: {  	[sflag:s30] =	ssyncadd.s32 $0xFFFFC000  }
0x1cc: {  	_ =	swait.ge [sflag:s29], $0x4000  }
0x1cd: {  	[sflag:s29] =	ssyncset.done $0x0  }
0x1ce: {  	[sflag:s29] =	ssyncadd.s32 $0xFFFFC000  }
0x1cf: {  	_ =	swait.ge [sflag:s30], $0x4000  }
0x1d0: {  	[sflag:s30] =	ssyncset.done $0x0  }
0x1d1: {  	[sflag:s30] =	ssyncadd.s32 $0xFFFFC000  }
0x1d2: {  	_ =	swait.ge [sflag:s29], $0x4000  }
0x1d3: {  	[sflag:s29] =	ssyncset.done $0x0  }
0x1d4: {  	[sflag:s29] =	ssyncadd.s32 $0xFFFFC000  }
0x1d5: {  	_ =	swait.ge [sflag:s30], $0x4000  }
0x1d6: {  	[sflag:s30] =	ssyncset.done $0x0  }
0x1d7: {  	[sflag:s30] =	ssyncadd.s32 $0xFFFFC000  }
0x1d8: {  	_ =	swait.ge [sflag:s29], $0x4000  }
0x1d9: {  	[sflag:s29] =	ssyncset.done $0x0  }
0x1da: {  	[sflag:s29] =	ssyncadd.s32 $0xFFFFC000  }
0x1db: {  	_ =	swait.ge [sflag:s30], $0x4000  }
0x1dc: {  	[sflag:s30] =	ssyncset.done $0x0  }
0x1dd: {  	[sflag:s30] =	ssyncadd.s32 $0xFFFFC000  }
0x1de: {  	_ =	swait.ge [sflag:s29], $0x4000  }
0x1df: {  	[sflag:s29] =	ssyncset.done $0x0  }
0x1e0: {  	[sflag:s29] =	ssyncadd.s32 $0xFFFFC000  }
0x1e1: {  	_ =	swait.ge [sflag:s30], $0x4000  }
0x1e2: {  	[sflag:s30] =	ssyncset.done $0x0  }
0x1e3: {  	[sflag:s30] =	ssyncadd.s32 $0xFFFFC000  }
0x1e4: {  	_ =	swait.ge [sflag:s29], $0x4000  }
0x1e5: {  	[sflag:s29] =	ssyncset.done $0x0  }
0x1e6: {  	[sflag:s29] =	ssyncadd.s32 $0xFFFFC000  }
0x1e7: {  	_ =	swait.ge [sflag:s30], $0x4000  }
0x1e8: {  	[sflag:s30] =	ssyncset.done $0x0  }
0x1e9: {  	[sflag:s30] =	ssyncadd.s32 $0xFFFFC000  }
0x1ea: {  	_ =	swait.ge [sflag:s29], $0x4000  }
0x1eb: {  	[sflag:s29] =	ssyncset.done $0x0  }
0x1ec: {  	[sflag:s29] =	ssyncadd.s32 $0xFFFFC000  }
0x1ed: {  	_ =	swait.ge [sflag:s30], $0x4000  }
0x1ee: {  	[sflag:s30] =	ssyncset.done $0x0  }
0x1ef: {  	[sflag:s30] =	ssyncadd.s32 $0xFFFFC000  }
0x1f0: {  	_ =	swait.ge [sflag:s29], $0x4000  }
0x1f1: {  	[sflag:s29] =	ssyncset.done $0x0  }
0x1f2: {  	[sflag:s29] =	ssyncadd.s32 $0xFFFFC000  }
0x1f3: {  	_ =	swait.ge [sflag:s30], $0x4000  }
0x1f4: {  	[sflag:s30] =	ssyncset.done $0x0  }
0x1f5: {  	s23 =	rddreg [dreg:$0xb];
	[sflag:s30] =	ssyncadd.s32 $0xFFFFC000  }
0x1f6: {  	[tilespmem:s22], [sflag:$0x3] =	stream.linear.gather [hbm4b:s23+s22], $0x1400, $0x38;
	[tilespmem:$0x1E978] =	vst v63  }
0x1f7: {  	_ =	swait.ge [sflag:s8], $0x1400  }
0x1f8: {  	[sflag:s8] =	ssyncset.done $0x0  }
0x1f9: {  	s23 =	simm.s32 $0x1400;
	s31 =	rddreg [dreg:$0xc];
	[sflag:s8] =	ssyncadd.s32 $0xFFFFEC00  }
0x1fa: {  	[tilespmem:s23], [sflag:$0x3] =	stream.linear.gather [hbm4b:s31+s22], $0x1400, $0x38;
	[tilespmem:$0x1E978] =	vst v63  }
0x1fb: {  	_ =	swait.ge [sflag:s8], $0x1400  }
0x1fc: {  	[sflag:s8] =	ssyncset.done $0x0  }
0x1fd: {  	[sflag:s8] =	ssyncadd.s32 $0xFFFFEC00  }
0x1fe: {  	[tilespmem:s12], [sflag:$0x1] =	stream.indirect.gather [hbm4b:s3+s11], $0x80, s22, s11, $0xb8;
	[tilespmem:$0x1E978] =	vst v63  }
0x1ff: {  	_ = 	snop  }
0x200: {  	[tilespmem:s13], [sflag:$0x2] =	stream.indirect.gather [hbm4b:s3+s11], $0x80, s11, s11, $0xb8;
	[tilespmem:$0x1E978] =	vst v63  }
0x201: {  	s31 =	simm.s32 $0x100  }
0x202: {  	[tilespmem:s12], [sflag:$0x1] =	stream.indirect.gather [hbm4b:s3+s11], $0x80, s31, s11, $0xb8;
	[tilespmem:$0x1E978] =	vst v63  }
0x203: {  	s31 =	simm.s32 $0x180  }
0x204: {  	[tilespmem:s13], [sflag:$0x2] =	stream.indirect.gather [hbm4b:s3+s11], $0x80, s31, s11, $0xb8;
	[tilespmem:$0x1E978] =	vst v63  }
0x205: {  	_ = 	snop  }
0x206: {  	[tilespmem:s12], [sflag:$0x1] =	stream.indirect.gather [hbm4b:s3+s11], $0x80, s26, s11, $0xb8;
	[tilespmem:$0x1E978] =	vst v63  }
0x207: {  	_ = 	snop  }
0x208: {  	[tilespmem:s13], [sflag:$0x2] =	stream.indirect.gather [hbm4b:s3+s11], $0x80, s4, s11, $0xb8;
	[tilespmem:$0x1E978] =	vst v63  }
0x209: {  	_ = 	snop  }
0x20a: {  	[tilespmem:s12], [sflag:$0x1] =	stream.indirect.gather [hbm4b:s3+s11], $0x80, s5, s11, $0xb8;
	[tilespmem:$0x1E978] =	vst v63  }
0x20b: {  	_ = 	snop  }
0x20c: {  	[tilespmem:s13], [sflag:$0x2] =	stream.indirect.gather [hbm4b:s3+s11], $0x80, s7, s11, $0xb8;
	[tilespmem:$0x1E978] =	vst v63  }
0x20d: {  	_ = 	snop  }
0x20e: {  	[tilespmem:s12], [sflag:$0x1] =	stream.indirect.gather [hbm4b:s3+s11], $0x80, s9, s11, $0xb8;
	[tilespmem:$0x1E978] =	vst v63  }
0x20f: {  	_ = 	snop  }
0x210: {  	[tilespmem:s13], [sflag:$0x2] =	stream.indirect.gather [hbm4b:s3+s11], $0x80, s10, s11, $0xb8;
	[tilespmem:$0x1E978] =	vst v63  }
0x211: {  	_ = 	snop  }
0x212: {  	[tilespmem:s12], [sflag:$0x1] =	stream.indirect.gather [hbm4b:s3+s11], $0x80, s14, s11, $0xb8;
	[tilespmem:$0x1E978] =	vst v63  }
0x213: {  	_ = 	snop  }
0x214: {  	[tilespmem:s13], [sflag:$0x2] =	stream.indirect.gather [hbm4b:s3+s11], $0x80, s15, s11, $0xb8;
	[tilespmem:$0x1E978] =	vst v63  }
0x215: {  	_ = 	snop  }
0x216: {  	[tilespmem:s12], [sflag:$0x1] =	stream.indirect.gather [hbm4b:s3+s11], $0x80, s16, s11, $0xb8;
	[tilespmem:$0x1E978] =	vst v63  }
0x217: {  	_ = 	snop  }
0x218: {  	[tilespmem:s13], [sflag:$0x2] =	stream.indirect.gather [hbm4b:s3+s11], $0x80, s17, s11, $0xb8;
	[tilespmem:$0x1E978] =	vst v63  }
0x219: {  	_ = 	snop  }
0x21a: {  	[tilespmem:s12], [sflag:$0x1] =	stream.indirect.gather [hbm4b:s3+s11], $0x80, s18, s11, $0xb8;
	[tilespmem:$0x1E978] =	vst v63  }
0x21b: {  	_ = 	snop  }
0x21c: {  	[tilespmem:s13], [sflag:$0x2] =	stream.indirect.gather [hbm4b:s3+s11], $0x80, s19, s11, $0xb8;
	[tilespmem:$0x1E978] =	vst v63  }
0x21d: {  	_ = 	snop  }
0x21e: {  	[tilespmem:s12], [sflag:$0x1] =	stream.indirect.gather [hbm4b:s3+s11], $0x80, s20, s11, $0xb8;
	[tilespmem:$0x1E978] =	vst v63  }
0x21f: {  	_ = 	snop  }
0x220: {  	[tilespmem:s13], [sflag:$0x2] =	stream.indirect.gather [hbm4b:s3+s11], $0x80, s21, s11, $0xb8;
	[tilespmem:$0x1E978] =	vst v63  }
0x221: {  	_ = 	snop  }
0x222: {  	[tilespmem:s12], [sflag:$0x1] =	stream.indirect.gather [hbm4b:s3+s11], $0x80, s0, s11, $0xb8;
	[tilespmem:$0x1E978] =	vst v63  }
0x223: {  	_ = 	snop  }
0x224: {  	[tilespmem:s13], [sflag:$0x2] =	stream.indirect.gather [hbm4b:s3+s11], $0x80, s1, s11, $0xb8;
	[tilespmem:$0x1E978] =	vst v63  }
0x225: {  	_ = 	snop  }
0x226: {  	[tilespmem:s12], [sflag:$0x1] =	stream.indirect.gather [hbm4b:s3+s11], $0x80, s2, s11, $0xb8;
	[tilespmem:$0x1E978] =	vst v63  }
0x227: {  	s18 =	simm.s32 $0xA80  }
0x228: {  	[tilespmem:s13], [sflag:$0x2] =	stream.indirect.gather [hbm4b:s3+s11], $0x80, s18, s11, $0xb8;
	[tilespmem:$0x1E978] =	vst v63  }
0x229: {  	s24 =	simm.s32 $0xB00  }
0x22a: {  	[tilespmem:s12], [sflag:$0x1] =	stream.indirect.gather [hbm4b:s3+s11], $0x80, s24, s11, $0xb8;
	[tilespmem:$0x1E978] =	vst v63  }
0x22b: {  	s25 =	simm.s32 $0xB80  }
0x22c: {  	[tilespmem:s13], [sflag:$0x2] =	stream.indirect.gather [hbm4b:s3+s11], $0x80, s25, s11, $0xb8;
	[tilespmem:$0x1E978] =	vst v63  }
0x22d: {  	s28 =	simm.s32 $0xC00  }
0x22e: {  	[tilespmem:s12], [sflag:$0x1] =	stream.indirect.gather [hbm4b:s3+s11], $0x80, s28, s11, $0xb8;
	[tilespmem:$0x1E978] =	vst v63  }
0x22f: {  	s19 =	simm.s32 $0xC80  }
0x230: {  	[tilespmem:s13], [sflag:$0x2] =	stream.indirect.gather [hbm4b:s3+s11], $0x80, s19, s11, $0xb8;
	[tilespmem:$0x1E978] =	vst v63  }
0x231: {  	s0 =	simm.s32 $0xD00  }
0x232: {  	[tilespmem:s12], [sflag:$0x1] =	stream.indirect.gather [hbm4b:s3+s11], $0x80, s0, s11, $0xb8;
	[tilespmem:$0x1E978] =	vst v63  }
0x233: {  	s1 =	simm.s32 $0xD80  }
0x234: {  	[tilespmem:s13], [sflag:$0x2] =	stream.indirect.gather [hbm4b:s3+s11], $0x80, s1, s11, $0xb8;
	[tilespmem:$0x1E978] =	vst v63  }
0x235: {  	s2 =	simm.s32 $0xE00  }
0x236: {  	[tilespmem:s12], [sflag:$0x1] =	stream.indirect.gather [hbm4b:s3+s11], $0x80, s2, s11, $0xb8;
	[tilespmem:$0x1E978] =	vst v63  }
0x237: {  	s4 =	simm.s32 $0xE80  }
0x238: {  	[tilespmem:s13], [sflag:$0x2] =	stream.indirect.gather [hbm4b:s3+s11], $0x80, s4, s11, $0xb8;
	[tilespmem:$0x1E978] =	vst v63  }
0x239: {  	s5 =	simm.s32 $0xF00  }
0x23a: {  	[tilespmem:s12], [sflag:$0x1] =	stream.indirect.gather [hbm4b:s3+s11], $0x80, s5, s11, $0xb8;
	[tilespmem:$0x1E978] =	vst v63  }
0x23b: {  	s7 =	simm.s32 $0xF80  }
0x23c: {  	[tilespmem:s13], [sflag:$0x2] =	stream.indirect.gather [hbm4b:s3+s11], $0x80, s7, s11, $0xb8;
	[tilespmem:$0x1E978] =	vst v63  }
0x23d: {  	s9 =	simm.s32 $0x1000  }
0x23e: {  	[tilespmem:s12], [sflag:$0x1] =	stream.indirect.gather [hbm4b:s3+s11], $0x80, s9, s11, $0xb8;
	[tilespmem:$0x1E978] =	vst v63  }
0x23f: {  	s10 =	simm.s32 $0x1080  }
0x240: {  	[tilespmem:s13], [sflag:$0x2] =	stream.indirect.gather [hbm4b:s3+s11], $0x80, s10, s11, $0xb8;
	[tilespmem:$0x1E978] =	vst v63  }
0x241: {  	s14 =	simm.s32 $0x1100  }
0x242: {  	[tilespmem:s12], [sflag:$0x1] =	stream.indirect.gather [hbm4b:s3+s11], $0x80, s14, s11, $0xb8;
	[tilespmem:$0x1E978] =	vst v63  }
0x243: {  	s15 =	simm.s32 $0x1180  }
0x244: {  	[tilespmem:s13], [sflag:$0x2] =	stream.indirect.gather [hbm4b:s3+s11], $0x80, s15, s11, $0xb8;
	[tilespmem:$0x1E978] =	vst v63  }
0x245: {  	s16 =	simm.s32 $0x1200  }
0x246: {  	[tilespmem:s12], [sflag:$0x1] =	stream.indirect.gather [hbm4b:s3+s11], $0x80, s16, s11, $0xb8;
	[tilespmem:$0x1E978] =	vst v63  }
0x247: {  	s17 =	simm.s32 $0x1280  }
0x248: {  	[tilespmem:s13], [sflag:$0x2] =	stream.indirect.gather [hbm4b:s3+s11], $0x80, s17, s11, $0xb8;
	[tilespmem:$0x1E978] =	vst v63  }
0x249: {  	s18 =	simm.s32 $0x1300  }
0x24a: {  	[tilespmem:s12], [sflag:$0x1] =	stream.indirect.gather [hbm4b:s3+s11], $0x80, s18, s11, $0xb8;
	[tilespmem:$0x1E978] =	vst v63  }
0x24b: {  	s19 =	simm.s32 $0x1380  }
0x24c: {  	[tilespmem:s13], [sflag:$0x2] =	stream.indirect.gather [hbm4b:s3+s11], $0x80, s19, s11, $0xb8;
	[tilespmem:$0x1E978] =	vst v63  }
0x24d: {  	_ =	swait.ge [sflag:s29], $0x4000  }
0x24e: {  	[sflag:s29] =	ssyncset.done $0x0  }
0x24f: {  	[sflag:s29] =	ssyncadd.s32 $0xFFFFC000  }
0x250: {  	_ =	swait.ge [sflag:s30], $0x4000  }
0x251: {  	[sflag:s30] =	ssyncset.done $0x0  }
0x252: {  	[sflag:s30] =	ssyncadd.s32 $0xFFFFC000  }
0x253: {  	_ =	swait.ge [sflag:s29], $0x4000  }
0x254: {  	[sflag:s29] =	ssyncset.done $0x0  }
0x255: {  	[sflag:s29] =	ssyncadd.s32 $0xFFFFC000  }
0x256: {  	_ =	swait.ge [sflag:s30], $0x4000  }
0x257: {  	[sflag:s30] =	ssyncset.done $0x0  }
0x258: {  	[sflag:s30] =	ssyncadd.s32 $0xFFFFC000  }
0x259: {  	_ =	swait.ge [sflag:s29], $0x4000  }
0x25a: {  	[sflag:s29] =	ssyncset.done $0x0  }
0x25b: {  	[sflag:s29] =	ssyncadd.s32 $0xFFFFC000  }
0x25c: {  	_ =	swait.ge [sflag:s30], $0x4000  }
0x25d: {  	[sflag:s30] =	ssyncset.done $0x0  }
0x25e: {  	[sflag:s30] =	ssyncadd.s32 $0xFFFFC000  }
0x25f: {  	_ =	swait.ge [sflag:s29], $0x4000  }
0x260: {  	[sflag:s29] =	ssyncset.done $0x0  }
0x261: {  	[sflag:s29] =	ssyncadd.s32 $0xFFFFC000  }
0x262: {  	_ =	swait.ge [sflag:s30], $0x4000  }
0x263: {  	[sflag:s30] =	ssyncset.done $0x0  }
0x264: {  	[sflag:s30] =	ssyncadd.s32 $0xFFFFC000  }
0x265: {  	_ =	swait.ge [sflag:s29], $0x4000  }
0x266: {  	[sflag:s29] =	ssyncset.done $0x0  }
0x267: {  	[sflag:s29] =	ssyncadd.s32 $0xFFFFC000  }
0x268: {  	_ =	swait.ge [sflag:s30], $0x4000  }
0x269: {  	[sflag:s30] =	ssyncset.done $0x0  }
0x26a: {  	[sflag:s30] =	ssyncadd.s32 $0xFFFFC000  }
0x26b: {  	_ =	swait.ge [sflag:s29], $0x4000  }
0x26c: {  	[sflag:s29] =	ssyncset.done $0x0  }
0x26d: {  	[sflag:s29] =	ssyncadd.s32 $0xFFFFC000  }
0x26e: {  	_ =	swait.ge [sflag:s30], $0x4000  }
0x26f: {  	[sflag:s30] =	ssyncset.done $0x0  }
0x270: {  	[sflag:s30] =	ssyncadd.s32 $0xFFFFC000  }
0x271: {  	_ =	swait.ge [sflag:s29], $0x4000  }
0x272: {  	[sflag:s29] =	ssyncset.done $0x0  }
0x273: {  	[sflag:s29] =	ssyncadd.s32 $0xFFFFC000  }
0x274: {  	_ =	swait.ge [sflag:s30], $0x4000  }
0x275: {  	[sflag:s30] =	ssyncset.done $0x0  }
0x276: {  	[sflag:s30] =	ssyncadd.s32 $0xFFFFC000  }
0x277: {  	_ =	swait.ge [sflag:s29], $0x4000  }
0x278: {  	[sflag:s29] =	ssyncset.done $0x0  }
0x279: {  	[sflag:s29] =	ssyncadd.s32 $0xFFFFC000  }
0x27a: {  	_ =	swait.ge [sflag:s30], $0x4000  }
0x27b: {  	[sflag:s30] =	ssyncset.done $0x0  }
0x27c: {  	[sflag:s30] =	ssyncadd.s32 $0xFFFFC000  }
0x27d: {  	_ =	swait.ge [sflag:s29], $0x4000  }
0x27e: {  	[sflag:s29] =	ssyncset.done $0x0  }
0x27f: {  	[sflag:s29] =	ssyncadd.s32 $0xFFFFC000  }
0x280: {  	_ =	swait.ge [sflag:s30], $0x4000  }
0x281: {  	[sflag:s30] =	ssyncset.done $0x0  }
0x282: {  	[sflag:s30] =	ssyncadd.s32 $0xFFFFC000  }
0x283: {  	_ =	swait.ge [sflag:s29], $0x4000  }
0x284: {  	[sflag:s29] =	ssyncset.done $0x0  }
0x285: {  	[sflag:s29] =	ssyncadd.s32 $0xFFFFC000  }
0x286: {  	_ =	swait.ge [sflag:s30], $0x4000  }
0x287: {  	[sflag:s30] =	ssyncset.done $0x0  }
0x288: {  	[sflag:s30] =	ssyncadd.s32 $0xFFFFC000  }
0x289: {  	_ =	swait.ge [sflag:s29], $0x4000  }
0x28a: {  	[sflag:s29] =	ssyncset.done $0x0  }
0x28b: {  	[sflag:s29] =	ssyncadd.s32 $0xFFFFC000  }
0x28c: {  	_ =	swait.ge [sflag:s30], $0x4000  }
0x28d: {  	[sflag:s30] =	ssyncset.done $0x0  }
0x28e: {  	[sflag:s30] =	ssyncadd.s32 $0xFFFFC000  }
0x28f: {  	_ =	swait.ge [sflag:s29], $0x4000  }
0x290: {  	[sflag:s29] =	ssyncset.done $0x0  }
0x291: {  	[sflag:s29] =	ssyncadd.s32 $0xFFFFC000  }
0x292: {  	_ =	swait.ge [sflag:s30], $0x4000  }
0x293: {  	[sflag:s30] =	ssyncset.done $0x0  }
0x294: {  	[sflag:s30] =	ssyncadd.s32 $0xFFFFC000  }
0x295: {  	_ =	swait.ge [sflag:s29], $0x4000  }
0x296: {  	[sflag:s29] =	ssyncset.done $0x0  }
0x297: {  	[sflag:s29] =	ssyncadd.s32 $0xFFFFC000  }
0x298: {  	_ =	swait.ge [sflag:s30], $0x4000  }
0x299: {  	[sflag:s30] =	ssyncset.done $0x0  }
0x29a: {  	[sflag:s30] =	ssyncadd.s32 $0xFFFFC000  }
0x29b: {  	_ =	swait.ge [sflag:s29], $0x4000  }
0x29c: {  	[sflag:s29] =	ssyncset.done $0x0  }
0x29d: {  	[sflag:s29] =	ssyncadd.s32 $0xFFFFC000  }
0x29e: {  	_ =	swait.ge [sflag:s30], $0x4000  }
0x29f: {  	[sflag:s30] =	ssyncset.done $0x0  }
0x2a0: {  	[sflag:s30] =	ssyncadd.s32 $0xFFFFC000  }
0x2a1: {  	_ =	swait.ge [sflag:s29], $0x4000  }
0x2a2: {  	[sflag:s29] =	ssyncset.done $0x0  }
0x2a3: {  	[sflag:s29] =	ssyncadd.s32 $0xFFFFC000  }
0x2a4: {  	_ =	swait.ge [sflag:s30], $0x4000  }
0x2a5: {  	[sflag:s30] =	ssyncset.done $0x0  }
0x2a6: {  	[sflag:s30] =	ssyncadd.s32 $0xFFFFC000  }
0x2a7: {  	_ =	swait.ge [sflag:s29], $0x4000  }
0x2a8: {  	[sflag:s29] =	ssyncset.done $0x0  }
0x2a9: {  	[sflag:s29] =	ssyncadd.s32 $0xFFFFC000  }
0x2aa: {  	_ =	swait.ge [sflag:s30], $0x4000  }
0x2ab: {  	[sflag:s30] =	ssyncset.done $0x0  }
0x2ac: {  	[sflag:s30] =	ssyncadd.s32 $0xFFFFC000  }
0x2ad: {  	_ =	swait.ge [sflag:s29], $0x4000  }
0x2ae: {  	[sflag:s29] =	ssyncset.done $0x0  }
0x2af: {  	[sflag:s29] =	ssyncadd.s32 $0xFFFFC000  }
0x2b0: {  	_ =	swait.ge [sflag:s30], $0x4000  }
0x2b1: {  	[sflag:s30] =	ssyncset.done $0x0  }
0x2b2: {  	[sflag:s30] =	ssyncadd.s32 $0xFFFFC000  }
0x2b3: {  	_ =	swait.ge [sflag:s29], $0x4000  }
0x2b4: {  	[sflag:s29] =	ssyncset.done $0x0  }
0x2b5: {  	[sflag:s29] =	ssyncadd.s32 $0xFFFFC000  }
0x2b6: {  	_ =	swait.ge [sflag:s30], $0x4000  }
0x2b7: {  	[sflag:s30] =	ssyncset.done $0x0  }
0x2b8: {  	[sflag:s30] =	ssyncadd.s32 $0xFFFFC000  }
0x2b9: {  	_ =	swait.ge [sflag:s29], $0x4000  }
0x2ba: {  	[sflag:s29] =	ssyncset.done $0x0  }
0x2bb: {  	[sflag:s29] =	ssyncadd.s32 $0xFFFFC000  }
0x2bc: {  	_ =	swait.ge [sflag:s30], $0x4000  }
0x2bd: {  	[sflag:s30] =	ssyncset.done $0x0  }
0x2be: {  	[sflag:s30] =	ssyncadd.s32 $0xFFFFC000  }
0x2bf: {  	_ =	swait.ge [sflag:s29], $0x4000  }
0x2c0: {  	[sflag:s29] =	ssyncset.done $0x0  }
0x2c1: {  	[sflag:s29] =	ssyncadd.s32 $0xFFFFC000  }
0x2c2: {  	_ =	swait.ge [sflag:s30], $0x4000  }
0x2c3: {  	[sflag:s30] =	ssyncset.done $0x0  }
0x2c4: {  	s20 =	rddreg [dreg:$0xd];
	[sflag:s30] =	ssyncadd.s32 $0xFFFFC000  }
0x2c5: {  	[tilespmem:s22], [sflag:$0x3] =	stream.linear.gather [hbm4b:s20+s22], $0x1400, $0x38;
	[tilespmem:$0x1E978] =	vst v63  }
0x2c6: {  	_ =	swait.ge [sflag:s8], $0x1400  }
0x2c7: {  	[sflag:s8] =	ssyncset.done $0x0  }
0x2c8: {  	s20 =	simm.s32 $0x1400;
	s31 =	rddreg [dreg:$0xe];
	[sflag:s8] =	ssyncadd.s32 $0xFFFFEC00  }
0x2c9: {  	[tilespmem:s20], [sflag:$0x3] =	stream.linear.gather [hbm4b:s31+s22], $0x1400, $0x38;
	[tilespmem:$0x1E978] =	vst v63  }
0x2ca: {  	_ =	swait.ge [sflag:s8], $0x1400  }
0x2cb: {  	[sflag:s8] =	ssyncset.done $0x0  }
0x2cc: {  	[sflag:s8] =	ssyncadd.s32 $0xFFFFEC00  }
0x2cd: {  	[tilespmem:s12], [sflag:$0x1] =	stream.indirect.gather [hbm4b:s3+s11], $0x80, s22, s11, $0xb8;
	[tilespmem:$0x1E978] =	vst v63  }
0x2ce: {  	_ = 	snop  }
0x2cf: {  	[tilespmem:s13], [sflag:$0x2] =	stream.indirect.gather [hbm4b:s3+s11], $0x80, s11, s11, $0xb8;
	[tilespmem:$0x1E978] =	vst v63  }
0x2d0: {  	s20 =	simm.s32 $0x100  }
0x2d1: {  	[tilespmem:s12], [sflag:$0x1] =	stream.indirect.gather [hbm4b:s3+s11], $0x80, s20, s11, $0xb8;
	[tilespmem:$0x1E978] =	vst v63  }
0x2d2: {  	s20 =	simm.s32 $0x180  }
0x2d3: {  	[tilespmem:s13], [sflag:$0x2] =	stream.indirect.gather [hbm4b:s3+s11], $0x80, s20, s11, $0xb8;
	[tilespmem:$0x1E978] =	vst v63  }
0x2d4: {  	s23 =	simm.s32 $0x200  }
0x2d5: {  	[tilespmem:s12], [sflag:$0x1] =	stream.indirect.gather [hbm4b:s3+s11], $0x80, s23, s11, $0xb8;
	[tilespmem:$0x1E978] =	vst v63  }
0x2d6: {  	s20 =	simm.s32 $0x280  }
0x2d7: {  	[tilespmem:s13], [sflag:$0x2] =	stream.indirect.gather [hbm4b:s3+s11], $0x80, s20, s11, $0xb8;
	[tilespmem:$0x1E978] =	vst v63  }
0x2d8: {  	s31 =	simm.s32 $0x300  }
0x2d9: {  	[tilespmem:s12], [sflag:$0x1] =	stream.indirect.gather [hbm4b:s3+s11], $0x80, s31, s11, $0xb8;
	[tilespmem:$0x1E978] =	vst v63  }
0x2da: {  	s20 =	simm.s32 $0x380  }
0x2db: {  	[tilespmem:s13], [sflag:$0x2] =	stream.indirect.gather [hbm4b:s3+s11], $0x80, s20, s11, $0xb8;
	[tilespmem:$0x1E978] =	vst v63  }
0x2dc: {  	s31 =	simm.s32 $0x400  }
0x2dd: {  	[tilespmem:s12], [sflag:$0x1] =	stream.indirect.gather [hbm4b:s3+s11], $0x80, s31, s11, $0xb8;
	[tilespmem:$0x1E978] =	vst v63  }
0x2de: {  	s20 =	simm.s32 $0x480  }
0x2df: {  	[tilespmem:s13], [sflag:$0x2] =	stream.indirect.gather [hbm4b:s3+s11], $0x80, s20, s11, $0xb8;
	[tilespmem:$0x1E978] =	vst v63  }
0x2e0: {  	s31 =	simm.s32 $0x500  }
0x2e1: {  	[tilespmem:s12], [sflag:$0x1] =	stream.indirect.gather [hbm4b:s3+s11], $0x80, s31, s11, $0xb8;
	[tilespmem:$0x1E978] =	vst v63  }
0x2e2: {  	s20 =	simm.s32 $0x580  }
0x2e3: {  	[tilespmem:s13], [sflag:$0x2] =	stream.indirect.gather [hbm4b:s3+s11], $0x80, s20, s11, $0xb8;
	[tilespmem:$0x1E978] =	vst v63  }
0x2e4: {  	s31 =	simm.s32 $0x600  }
0x2e5: {  	[tilespmem:s12], [sflag:$0x1] =	stream.indirect.gather [hbm4b:s3+s11], $0x80, s31, s11, $0xb8;
	[tilespmem:$0x1E978] =	vst v63  }
0x2e6: {  	s20 =	simm.s32 $0x680  }
0x2e7: {  	[tilespmem:s13], [sflag:$0x2] =	stream.indirect.gather [hbm4b:s3+s11], $0x80, s20, s11, $0xb8;
	[tilespmem:$0x1E978] =	vst v63  }
0x2e8: {  	s31 =	simm.s32 $0x700  }
0x2e9: {  	[tilespmem:s12], [sflag:$0x1] =	stream.indirect.gather [hbm4b:s3+s11], $0x80, s31, s11, $0xb8;
	[tilespmem:$0x1E978] =	vst v63  }
0x2ea: {  	s20 =	simm.s32 $0x780  }
0x2eb: {  	[tilespmem:s13], [sflag:$0x2] =	stream.indirect.gather [hbm4b:s3+s11], $0x80, s20, s11, $0xb8;
	[tilespmem:$0x1E978] =	vst v63  }
0x2ec: {  	s23 =	simm.s32 $0x800  }
0x2ed: {  	[tilespmem:s12], [sflag:$0x1] =	stream.indirect.gather [hbm4b:s3+s11], $0x80, s23, s11, $0xb8;
	[tilespmem:$0x1E978] =	vst v63  }
0x2ee: {  	s21 =	simm.s32 $0x880  }
0x2ef: {  	[tilespmem:s13], [sflag:$0x2] =	stream.indirect.gather [hbm4b:s3+s11], $0x80, s21, s11, $0xb8;
	[tilespmem:$0x1E978] =	vst v63  }
0x2f0: {  	s31 =	simm.s32 $0x900  }
0x2f1: {  	[tilespmem:s12], [sflag:$0x1] =	stream.indirect.gather [hbm4b:s3+s11], $0x80, s31, s11, $0xb8;
	[tilespmem:$0x1E978] =	vst v63  }
0x2f2: {  	s21 =	simm.s32 $0x980  }
0x2f3: {  	[tilespmem:s13], [sflag:$0x2] =	stream.indirect.gather [hbm4b:s3+s11], $0x80, s21, s11, $0xb8;
	[tilespmem:$0x1E978] =	vst v63  }
0x2f4: {  	s23 =	simm.s32 $0xA00  }
0x2f5: {  	[tilespmem:s12], [sflag:$0x1] =	stream.indirect.gather [hbm4b:s3+s11], $0x80, s23, s11, $0xb8;
	[tilespmem:$0x1E978] =	vst v63  }
0x2f6: {  	s31 =	simm.s32 $0xA80  }
0x2f7: {  	[tilespmem:s13], [sflag:$0x2] =	stream.indirect.gather [hbm4b:s3+s11], $0x80, s31, s11, $0xb8;
	[tilespmem:$0x1E978] =	vst v63  }
0x2f8: {  	s26 =	simm.s32 $0xB00  }
0x2f9: {  	[tilespmem:s12], [sflag:$0x1] =	stream.indirect.gather [hbm4b:s3+s11], $0x80, s26, s11, $0xb8;
	[tilespmem:$0x1E978] =	vst v63  }
0x2fa: {  	s24 =	simm.s32 $0xB80  }
0x2fb: {  	[tilespmem:s13], [sflag:$0x2] =	stream.indirect.gather [hbm4b:s3+s11], $0x80, s24, s11, $0xb8;
	[tilespmem:$0x1E978] =	vst v63  }
0x2fc: {  	s25 =	simm.s32 $0xC00  }
0x2fd: {  	[tilespmem:s12], [sflag:$0x1] =	stream.indirect.gather [hbm4b:s3+s11], $0x80, s25, s11, $0xb8;
	[tilespmem:$0x1E978] =	vst v63  }
0x2fe: {  	s28 =	simm.s32 $0xC80  }
0x2ff: {  	[tilespmem:s13], [sflag:$0x2] =	stream.indirect.gather [hbm4b:s3+s11], $0x80, s28, s11, $0xb8;
	[tilespmem:$0x1E978] =	vst v63  }
0x300: {  	_ = 	snop  }
0x301: {  	[tilespmem:s12], [sflag:$0x1] =	stream.indirect.gather [hbm4b:s3+s11], $0x80, s0, s11, $0xb8;
	[tilespmem:$0x1E978] =	vst v63  }
0x302: {  	_ = 	snop  }
0x303: {  	[tilespmem:s13], [sflag:$0x2] =	stream.indirect.gather [hbm4b:s3+s11], $0x80, s1, s11, $0xb8;
	[tilespmem:$0x1E978] =	vst v63  }
0x304: {  	_ = 	snop  }
0x305: {  	[tilespmem:s12], [sflag:$0x1] =	stream.indirect.gather [hbm4b:s3+s11], $0x80, s2, s11, $0xb8;
	[tilespmem:$0x1E978] =	vst v63  }
0x306: {  	_ = 	snop  }
0x307: {  	[tilespmem:s13], [sflag:$0x2] =	stream.indirect.gather [hbm4b:s3+s11], $0x80, s4, s11, $0xb8;
	[tilespmem:$0x1E978] =	vst v63  }
0x308: {  	_ = 	snop  }
0x309: {  	[tilespmem:s12], [sflag:$0x1] =	stream.indirect.gather [hbm4b:s3+s11], $0x80, s5, s11, $0xb8;
	[tilespmem:$0x1E978] =	vst v63  }
0x30a: {  	_ = 	snop  }
0x30b: {  	[tilespmem:s13], [sflag:$0x2] =	stream.indirect.gather [hbm4b:s3+s11], $0x80, s7, s11, $0xb8;
	[tilespmem:$0x1E978] =	vst v63  }
0x30c: {  	_ = 	snop  }
0x30d: {  	[tilespmem:s12], [sflag:$0x1] =	stream.indirect.gather [hbm4b:s3+s11], $0x80, s9, s11, $0xb8;
	[tilespmem:$0x1E978] =	vst v63  }
0x30e: {  	_ = 	snop  }
0x30f: {  	[tilespmem:s13], [sflag:$0x2] =	stream.indirect.gather [hbm4b:s3+s11], $0x80, s10, s11, $0xb8;
	[tilespmem:$0x1E978] =	vst v63  }
0x310: {  	_ = 	snop  }
0x311: {  	[tilespmem:s12], [sflag:$0x1] =	stream.indirect.gather [hbm4b:s3+s11], $0x80, s14, s11, $0xb8;
	[tilespmem:$0x1E978] =	vst v63  }
0x312: {  	_ = 	snop  }
0x313: {  	[tilespmem:s13], [sflag:$0x2] =	stream.indirect.gather [hbm4b:s3+s11], $0x80, s15, s11, $0xb8;
	[tilespmem:$0x1E978] =	vst v63  }
0x314: {  	_ = 	snop  }
0x315: {  	[tilespmem:s12], [sflag:$0x1] =	stream.indirect.gather [hbm4b:s3+s11], $0x80, s16, s11, $0xb8;
	[tilespmem:$0x1E978] =	vst v63  }
0x316: {  	_ = 	snop  }
0x317: {  	[tilespmem:s13], [sflag:$0x2] =	stream.indirect.gather [hbm4b:s3+s11], $0x80, s17, s11, $0xb8;
	[tilespmem:$0x1E978] =	vst v63  }
0x318: {  	_ = 	snop  }
0x319: {  	[tilespmem:s12], [sflag:$0x1] =	stream.indirect.gather [hbm4b:s3+s11], $0x80, s18, s11, $0xb8;
	[tilespmem:$0x1E978] =	vst v63  }
0x31a: {  	_ = 	snop  }
0x31b: {  	[tilespmem:s13], [sflag:$0x2] =	stream.indirect.gather [hbm4b:s3+s11], $0x80, s19, s11, $0xb8;
	[tilespmem:$0x1E978] =	vst v63  }
0x31c: {  	_ =	swait.ge [sflag:s29], $0x4000  }
0x31d: {  	[sflag:s29] =	ssyncset.done $0x0  }
0x31e: {  	[sflag:s29] =	ssyncadd.s32 $0xFFFFC000  }
0x31f: {  	_ =	swait.ge [sflag:s30], $0x4000  }
0x320: {  	[sflag:s30] =	ssyncset.done $0x0  }
0x321: {  	[sflag:s30] =	ssyncadd.s32 $0xFFFFC000  }
0x322: {  	_ =	swait.ge [sflag:s29], $0x4000  }
0x323: {  	[sflag:s29] =	ssyncset.done $0x0  }
0x324: {  	[sflag:s29] =	ssyncadd.s32 $0xFFFFC000  }
0x325: {  	_ =	swait.ge [sflag:s30], $0x4000  }
0x326: {  	[sflag:s30] =	ssyncset.done $0x0  }
0x327: {  	[sflag:s30] =	ssyncadd.s32 $0xFFFFC000  }
0x328: {  	_ =	swait.ge [sflag:s29], $0x4000  }
0x329: {  	[sflag:s29] =	ssyncset.done $0x0  }
0x32a: {  	[sflag:s29] =	ssyncadd.s32 $0xFFFFC000  }
0x32b: {  	_ =	swait.ge [sflag:s30], $0x4000  }
0x32c: {  	[sflag:s30] =	ssyncset.done $0x0  }
0x32d: {  	[sflag:s30] =	ssyncadd.s32 $0xFFFFC000  }
0x32e: {  	_ =	swait.ge [sflag:s29], $0x4000  }
0x32f: {  	[sflag:s29] =	ssyncset.done $0x0  }
0x330: {  	[sflag:s29] =	ssyncadd.s32 $0xFFFFC000  }
0x331: {  	_ =	swait.ge [sflag:s30], $0x4000  }
0x332: {  	[sflag:s30] =	ssyncset.done $0x0  }
0x333: {  	[sflag:s30] =	ssyncadd.s32 $0xFFFFC000  }
0x334: {  	_ =	swait.ge [sflag:s29], $0x4000  }
0x335: {  	[sflag:s29] =	ssyncset.done $0x0  }
0x336: {  	[sflag:s29] =	ssyncadd.s32 $0xFFFFC000  }
0x337: {  	_ =	swait.ge [sflag:s30], $0x4000  }
0x338: {  	[sflag:s30] =	ssyncset.done $0x0  }
0x339: {  	[sflag:s30] =	ssyncadd.s32 $0xFFFFC000  }
0x33a: {  	_ =	swait.ge [sflag:s29], $0x4000  }
0x33b: {  	[sflag:s29] =	ssyncset.done $0x0  }
0x33c: {  	[sflag:s29] =	ssyncadd.s32 $0xFFFFC000  }
0x33d: {  	_ =	swait.ge [sflag:s30], $0x4000  }
0x33e: {  	[sflag:s30] =	ssyncset.done $0x0  }
0x33f: {  	[sflag:s30] =	ssyncadd.s32 $0xFFFFC000  }
0x340: {  	_ =	swait.ge [sflag:s29], $0x4000  }
0x341: {  	[sflag:s29] =	ssyncset.done $0x0  }
0x342: {  	[sflag:s29] =	ssyncadd.s32 $0xFFFFC000  }
0x343: {  	_ =	swait.ge [sflag:s30], $0x4000  }
0x344: {  	[sflag:s30] =	ssyncset.done $0x0  }
0x345: {  	[sflag:s30] =	ssyncadd.s32 $0xFFFFC000  }
0x346: {  	_ =	swait.ge [sflag:s29], $0x4000  }
0x347: {  	[sflag:s29] =	ssyncset.done $0x0  }
0x348: {  	[sflag:s29] =	ssyncadd.s32 $0xFFFFC000  }
0x349: {  	_ =	swait.ge [sflag:s30], $0x4000  }
0x34a: {  	[sflag:s30] =	ssyncset.done $0x0  }
0x34b: {  	[sflag:s30] =	ssyncadd.s32 $0xFFFFC000  }
0x34c: {  	_ =	swait.ge [sflag:s29], $0x4000  }
0x34d: {  	[sflag:s29] =	ssyncset.done $0x0  }
0x34e: {  	[sflag:s29] =	ssyncadd.s32 $0xFFFFC000  }
0x34f: {  	_ =	swait.ge [sflag:s30], $0x4000  }
0x350: {  	[sflag:s30] =	ssyncset.done $0x0  }
0x351: {  	[sflag:s30] =	ssyncadd.s32 $0xFFFFC000  }
0x352: {  	_ =	swait.ge [sflag:s29], $0x4000  }
0x353: {  	[sflag:s29] =	ssyncset.done $0x0  }
0x354: {  	[sflag:s29] =	ssyncadd.s32 $0xFFFFC000  }
0x355: {  	_ =	swait.ge [sflag:s30], $0x4000  }
0x356: {  	[sflag:s30] =	ssyncset.done $0x0  }
0x357: {  	[sflag:s30] =	ssyncadd.s32 $0xFFFFC000  }
0x358: {  	_ =	swait.ge [sflag:s29], $0x4000  }
0x359: {  	[sflag:s29] =	ssyncset.done $0x0  }
0x35a: {  	[sflag:s29] =	ssyncadd.s32 $0xFFFFC000  }
0x35b: {  	_ =	swait.ge [sflag:s30], $0x4000  }
0x35c: {  	[sflag:s30] =	ssyncset.done $0x0  }
0x35d: {  	[sflag:s30] =	ssyncadd.s32 $0xFFFFC000  }
0x35e: {  	_ =	swait.ge [sflag:s29], $0x4000  }
0x35f: {  	[sflag:s29] =	ssyncset.done $0x0  }
0x360: {  	[sflag:s29] =	ssyncadd.s32 $0xFFFFC000  }
0x361: {  	_ =	swait.ge [sflag:s30], $0x4000  }
0x362: {  	[sflag:s30] =	ssyncset.done $0x0  }
0x363: {  	[sflag:s30] =	ssyncadd.s32 $0xFFFFC000  }
0x364: {  	_ =	swait.ge [sflag:s29], $0x4000  }
0x365: {  	[sflag:s29] =	ssyncset.done $0x0  }
0x366: {  	[sflag:s29] =	ssyncadd.s32 $0xFFFFC000  }
0x367: {  	_ =	swait.ge [sflag:s30], $0x4000  }
0x368: {  	[sflag:s30] =	ssyncset.done $0x0  }
0x369: {  	[sflag:s30] =	ssyncadd.s32 $0xFFFFC000  }
0x36a: {  	_ =	swait.ge [sflag:s29], $0x4000  }
0x36b: {  	[sflag:s29] =	ssyncset.done $0x0  }
0x36c: {  	[sflag:s29] =	ssyncadd.s32 $0xFFFFC000  }
0x36d: {  	_ =	swait.ge [sflag:s30], $0x4000  }
0x36e: {  	[sflag:s30] =	ssyncset.done $0x0  }
0x36f: {  	[sflag:s30] =	ssyncadd.s32 $0xFFFFC000  }
0x370: {  	_ =	swait.ge [sflag:s29], $0x4000  }
0x371: {  	[sflag:s29] =	ssyncset.done $0x0  }
0x372: {  	[sflag:s29] =	ssyncadd.s32 $0xFFFFC000  }
0x373: {  	_ =	swait.ge [sflag:s30], $0x4000  }
0x374: {  	[sflag:s30] =	ssyncset.done $0x0  }
0x375: {  	[sflag:s30] =	ssyncadd.s32 $0xFFFFC000  }
0x376: {  	_ =	swait.ge [sflag:s29], $0x4000  }
0x377: {  	[sflag:s29] =	ssyncset.done $0x0  }
0x378: {  	[sflag:s29] =	ssyncadd.s32 $0xFFFFC000  }
0x379: {  	_ =	swait.ge [sflag:s30], $0x4000  }
0x37a: {  	[sflag:s30] =	ssyncset.done $0x0  }
0x37b: {  	[sflag:s30] =	ssyncadd.s32 $0xFFFFC000  }
0x37c: {  	_ =	swait.ge [sflag:s29], $0x4000  }
0x37d: {  	[sflag:s29] =	ssyncset.done $0x0  }
0x37e: {  	[sflag:s29] =	ssyncadd.s32 $0xFFFFC000  }
0x37f: {  	_ =	swait.ge [sflag:s30], $0x4000  }
0x380: {  	[sflag:s30] =	ssyncset.done $0x0  }
0x381: {  	[sflag:s30] =	ssyncadd.s32 $0xFFFFC000  }
0x382: {  	_ =	swait.ge [sflag:s29], $0x4000  }
0x383: {  	[sflag:s29] =	ssyncset.done $0x0  }
0x384: {  	[sflag:s29] =	ssyncadd.s32 $0xFFFFC000  }
0x385: {  	_ =	swait.ge [sflag:s30], $0x4000  }
0x386: {  	[sflag:s30] =	ssyncset.done $0x0  }
0x387: {  	[sflag:s30] =	ssyncadd.s32 $0xFFFFC000  }
0x388: {  	_ =	swait.ge [sflag:s29], $0x4000  }
0x389: {  	[sflag:s29] =	ssyncset.done $0x0  }
0x38a: {  	[sflag:s29] =	ssyncadd.s32 $0xFFFFC000  }
0x38b: {  	_ =	swait.ge [sflag:s30], $0x4000  }
0x38c: {  	[sflag:s30] =	ssyncset.done $0x0  }
0x38d: {  	[sflag:s30] =	ssyncadd.s32 $0xFFFFC000  }
0x38e: {  	_ =	swait.ge [sflag:s29], $0x4000  }
0x38f: {  	[sflag:s29] =	ssyncset.done $0x0  }
0x390: {  	[sflag:s29] =	ssyncadd.s32 $0xFFFFC000  }
0x391: {  	_ =	swait.ge [sflag:s30], $0x4000  }
0x392: {  	[sflag:s30] =	ssyncset.done $0x0  }
0x393: {  	[sflag:s30] =	ssyncadd.s32 $0xFFFFC000  }
0x394: {  	[bflag:$0x0] =	sbarrier.arrive $0xFFFF  }
0x395: {  	s21 =	rddreg [dreg:$0xf]  }
0x396: {  	s23 =	rddreg [dreg:$0x13]  }
0x397: {  	s24 =	rddreg [dreg:$0x11]  }
0x398: {  	[hbm:s21], [sflag:s24] =	dma.local [spmem:s23], $0x2780  }
0x399: {  	_ =	swait.ge [sflag:s8], $0x2780  }
0x39a: {  	[sflag:s8] =	ssyncset.done $0x0  }
0x39b: {  	s25 =	simm.s32 $0xA880;
	s26 =	rddreg [dreg:$0x12];
	[sflag:s8] =	ssyncadd.s32 $0xFFFFD880  }
0x39c: {  	[tilespmem:s25], [sflag:$0x3] =	stream.linear.gather [spmem:s26], $0x278, $0x38;
	[tilespmem:$0x1E978] =	vst v63  }
0x39d: {  	_ =	swait.ge [sflag:s8], $0x278  }
0x39e: {  	p0 =	sne.s32 s6, $0x1;
	[sflag:s8] =	ssyncset.done $0x0  }
.Ltmp0:
0x39f: {  	s28 =	rddreg [dreg:$0x10];
	[sflag:s8] =	ssyncadd.s32 $0xFFFFFD88;
	(pc) =	sbr.rel @p0 .LBB2_1-.Ltmp0, $4  }
0x3a0: {  	[hbm4b:s28+s22] =	stream.linear.scatter [tilespmem:s25], [sflag:$0x3], $0x278, $0x38;
	[tilespmem:$0x1E978] =	vst v63  }
0x3a1: {  	_ =	swait.ge [sflag:s8], $0x278  }
0x3a2: {  	[sflag:s8] =	ssyncset.done $0x0  }
0x3a3: {  	s6 =	sadd.s32 $0xFFFFFFFF, s6;
	[sflag:s8] =	ssyncadd.s32 $0xFFFFFD88  }
0x3a4: {  	_ =	sfence.sel $0x180000  }
0x3a5: {  	[bflag:$0x0] =	sbarrier.arrive $0xFFFF  }
0x3a6: {  	_ =	strace $0x90000047  }
0x3a7: {  	s0 =	stileid.u32;
	[bflag:$0x2] =	sbarrier.arrive $0xFFFF  }
0x3a8: {  	p0 =	sne.s32 s0, $0x0;
	s0 =	rddreg [dreg:$0x5]  }
0x3a9: {  	s0 =	sadd.s32 @!p0 $0x100000, s0  }
0x3aa: {  	[sflag:s0] =	ssyncadd.tile.s32 @!p0 $0x1;
	_ =	shalt  }
.Lfunc_end2:
_tile_overlayer_lowered:
.L_overlay_start_2:
0x3ab: {  	(tag) =	ssettag $0x2  }
0x3ac: {  	s0 =	rddreg [dreg:$0x0];
	s2 =	stileid.u32  }
0x3ad: {  	s1 =	rddreg [dreg:$0x1];
	p0 =	sne.s32 s2, $0x0  }
0x3ae: {  	s3 =	rddreg [dreg:$0x2];
	[bflag:$0x3] =	sbarrier.arrive $0xFFFF;
	s2 =	simm.s32 @!p0 $0x1C03  }
0x3af: {  	[timem:s3], [sflag:s2] =	dma.local @!p0 [hbm:s0], s1  }
0x3b0: {  	s0 =	simm.s32 @!p0 $0x3  }
0x3b1: {  	_ =	swait.ge @!p0 [sflag:s0], s1  }
0x3b2: {  	s1 =	ssub.s32 @!p0 $0x0, s1;
	[sflag:s0] =	ssyncset.done @!p0 $0x0  }
0x3b3: {  	[sflag:s0] =	ssyncadd.s32 @!p0 s1  }
0x3b4: {  	[bflag:$0x3] =	sbarrier.arrive $0xFFFF  }
0x3b5: {  	_ =	shalt  }

</sc_bundles>
